<compile_context>
chip_gen: v7x
topology: tpu7x:2x2x1
jax: 0.10.2.dev20260603
libtpu: 0.0.44.dev20260713+nightly
codegen_flags: <defaults>
</compile_context>

<pallas_src>
import jax
import jax.numpy as jnp
from jax import lax
from jax.experimental import pallas as pl
from jax.experimental.pallas import tpu as pltpu
from jax.experimental.pallas import tpu_sc as plsc

N_NODES_C = 50000
N_SUM_C = 40000
K_C = 16
D_IN_C = 100000
B_C = 32
NNZ_C = N_SUM_C * K_C

NW = 32
NODES_PER_S = 2560
N_SUM_PAD = 16 * NODES_PER_S
CHUNK_NODES = 40
SLOW_CORE = 1
SLOW_CHUNKS = 26
FAST_CHUNKS = 38
EDGES_PER_CHUNK = CHUNK_NODES * K_C
GROUPS_PER_CHUNK = EDGES_PER_CHUNK // 128
N_EDGE_PAD = N_SUM_PAD * K_C

NBUF = 4
PASS_PER_W = 384
N_PASS_PAD = NW * PASS_PER_W
PASS_GROUPS = PASS_PER_W // 128

Z_ROWS = N_SUM_PAD + N_PASS_PAD
EPI_BLK = 2048
EPI_SUM_BLKS = N_SUM_PAD // EPI_BLK


def _lanesum(v):
    idx = lax.iota(jnp.int32, 16)
    dnums = lax.GatherDimensionNumbers(
        offset_dims=(), collapsed_slice_dims=(0,), start_index_map=(0,))
    for sh in (1, 2, 4, 8):
        perm = jnp.bitwise_xor(idx, sh)
        v = v + lax.gather(v, perm[:, None], dnums, (1,),
                           mode=lax.GatherScatterMode.PROMISE_IN_BOUNDS)
    return v


def _sc_body(xT, cols, wts, sin, z_out,
             sin_v, prow_v, cols_v, w_v, g_v, s1_v, sem_p, sem_g):
    c = lax.axis_index("c")
    s = lax.axis_index("s")
    wid = s * 2 + c

    for i in range(PASS_GROUPS):
        pltpu.sync_copy(sin.at[pl.ds(wid * PASS_PER_W + i * 128, 128)],
                        sin_v.at[i])
    pcps = [
        pltpu.async_copy(xT.at[sin_v.at[i]],
                         prow_v.at[pl.ds(i * 128, 128)], sem_p)
        for i in range(PASS_GROUPS)
    ]

    n_chunks = jnp.where(c == SLOW_CORE, SLOW_CHUNKS, FAST_CHUNKS)
    core0_nodes = (SLOW_CHUNKS if SLOW_CORE == 0 else FAST_CHUNKS) \
        * CHUNK_NODES
    node_base = s * NODES_PER_S + c * core0_nodes
    edge_base = node_base * K_C

    def issue_chunk(buf, ch):
        e0 = edge_base + ch * EDGES_PER_CHUNK
        for i in range(GROUPS_PER_CHUNK):
            pltpu.sync_copy(cols.at[pl.ds(e0 + i * 128, 128)],
                            cols_v.at[buf, i])
        pltpu.sync_copy(wts.at[pl.ds(e0, EDGES_PER_CHUNK)], w_v.at[buf])
        for i in range(GROUPS_PER_CHUNK):
            pltpu.async_copy(xT.at[cols_v.at[buf, i]],
                             g_v.at[buf, pl.ds(i * 128, 128)],
                             sem_g.at[buf])

    def wait_chunk(buf):
        for i in range(GROUPS_PER_CHUNK):
            pltpu.make_async_copy(xT.at[cols_v.at[buf, i]],
                                  g_v.at[buf, pl.ds(i * 128, 128)],
                                  sem_g.at[buf]).wait()

    def compute_chunk(buf, ch):
        def node_body(j, carry2):
            r = j * K_C
            av = w_v[buf, pl.ds(r, 16)]
            s0 = _lanesum(jnp.exp(av))
            acc0 = jnp.zeros((16,), jnp.float32)
            acc1 = jnp.zeros((16,), jnp.float32)
            for k in range(K_C):
                a_k = av[k]
                acc0 = acc0 + jnp.exp(g_v[buf, r + k, pl.ds(0, 16)] + a_k)
                acc1 = acc1 + jnp.exp(g_v[buf, r + k, pl.ds(16, 16)] + a_k)
            s1_v[j, pl.ds(0, 16)] = acc0 / s0
            s1_v[j, pl.ds(16, 16)] = acc1 / s0
            return carry2

        lax.fori_loop(0, CHUNK_NODES, node_body, 0, unroll=False)
        pltpu.sync_copy(
            s1_v,
            z_out.at[pl.ds(node_base + ch * CHUNK_NODES, CHUNK_NODES)])

    for pre in range(NBUF - 1):
        issue_chunk(pre, pre)

    def chunk_loop(ch, carry):
        @pl.when(ch + NBUF - 1 < n_chunks)
        def _():
            issue_chunk((ch + NBUF - 1) % NBUF, ch + NBUF - 1)

        wait_chunk(ch % NBUF)
        compute_chunk(ch % NBUF, ch)
        return carry

    lax.fori_loop(0, n_chunks, chunk_loop, 0, unroll=False)

    for cp in pcps:
        cp.wait()
    pltpu.sync_copy(
        prow_v,
        z_out.at[pl.ds(N_SUM_PAD + wid * PASS_PER_W, PASS_PER_W)])


def _sc_call(xT, cols2d, wts, sin2d):
    mesh = plsc.VectorSubcoreMesh(core_axis_name="c", subcore_axis_name="s",
                                  num_cores=2, num_subcores=16)
    return pl.kernel(
        _sc_body,
        out_type=jax.ShapeDtypeStruct((Z_ROWS, B_C), jnp.float32),
        mesh=mesh,
        compiler_params=pltpu.CompilerParams(use_tc_tiling_on_sc=False),
        scratch_types=(
            pltpu.VMEM((PASS_GROUPS, 128), jnp.int32),
            pltpu.VMEM((PASS_PER_W, B_C), jnp.float32),
            pltpu.VMEM((NBUF, GROUPS_PER_CHUNK, 128), jnp.int32),
            pltpu.VMEM((NBUF, EDGES_PER_CHUNK), jnp.float32),
            pltpu.VMEM((NBUF, EDGES_PER_CHUNK, B_C), jnp.float32),
            pltpu.VMEM((CHUNK_NODES, B_C), jnp.float32),
            pltpu.SemaphoreType.DMA,
            pltpu.SemaphoreType.DMA((NBUF,)),
        ),
    )(xT, cols2d, wts, sin2d)


def _epi_body(z_ref, o_ref):
    i = pl.program_id(0)

    @pl.when(i < EPI_SUM_BLKS)
    def _():
        o_ref[...] = jnp.log(z_ref[...]).T

    @pl.when(i >= EPI_SUM_BLKS)
    def _():
        o_ref[...] = z_ref[...].T


def _tc_epilogue(z):
    return pl.pallas_call(
        _epi_body,
        grid=(Z_ROWS // EPI_BLK,),
        in_specs=[pl.BlockSpec((EPI_BLK, B_C), lambda i: (i, 0))],
        out_specs=pl.BlockSpec((B_C, EPI_BLK), lambda i: (0, i)),
        out_shape=jax.ShapeDtypeStruct((B_C, Z_ROWS), jnp.float32),
    )(z)


def kernel(x, raw_weights, scope_vals, child_cols, node_ids,
           scopes_out, scopes_in):
    del scope_vals, node_ids, scopes_out
    xT = x.T

    pad_e = N_EDGE_PAD - NNZ_C
    cols1d = jnp.concatenate([child_cols, jnp.zeros((pad_e,), jnp.int32)])
    wts = jnp.concatenate([raw_weights, jnp.zeros((pad_e,), jnp.float32)])
    sin1d = jnp.concatenate(
        [scopes_in,
         jnp.zeros((N_PASS_PAD - (N_NODES_C - N_SUM_C),), jnp.int32)])

    z = _sc_call(xT, cols1d, wts, sin1d)
    out_pad = _tc_epilogue(z)
    n_pass = N_NODES_C - N_SUM_C
    return jnp.concatenate(
        [out_pad[:, :N_SUM_C],
         out_pad[:, N_SUM_PAD:N_SUM_PAD + n_pass]], axis=1)

# --- scband reference (transcript-rebuilt; emitter-appended) ---
"""Pipeline reference for scband-torch-sum-prod-layer-78262894068504 (READ-ONLY COPY).

The authoritative reference and input builder live on the scoring server;
editing this copy changes nothing except your own understanding.
"""

import jax, jax.numpy as jnp
import numpy as np

N_NODES = 50000
N_SUM = 40000
K = 16
D_IN = 100000
B = 32
NNZ = N_SUM * K  # 640000


def setup_inputs(seed: int = 0):
    key = jax.random.key(seed)
    k1, k2, k3, k4 = jax.random.split(key, 4)
    x = jax.random.normal(k1, (B, D_IN), dtype=jnp.float32)
    # unnormalized log-weights, one per (sum-node, child) pair (concatenation of the per-node ParameterList)
    raw_weights = jax.random.normal(k2, (NNZ,), dtype=jnp.float32)
    # sparse scope matrix values (SPN scope matrices are 0/1 selectors; requires_grad=False in torch)
    scope_vals = jnp.ones((NNZ,), dtype=jnp.float32)
    # column index of the single nonzero in each sparse-scope row
    child_cols = jax.random.randint(k3, (NNZ,), 0, D_IN, dtype=jnp.int32)
    # which sum node each (row of the stacked sparse scopes) belongs to; exactly K children per node
    node_ids = (jnp.arange(NNZ) // K).astype(jnp.int32)
    # passthrough nodes (scope matrices with a single entry): lls[:, scopes_out] = x[:, scopes_in]
    scopes_out = jnp.arange(N_SUM, N_NODES, dtype=jnp.int32)
    scopes_in = jax.random.randint(k4, (N_NODES - N_SUM,), 0, D_IN, dtype=jnp.int32)
    return {"x": x, "raw_weights": raw_weights, "scope_vals": scope_vals,
            "child_cols": child_cols, "node_ids": node_ids,
            "scopes_out": scopes_out, "scopes_in": scopes_in}


def _segment_logsumexp(y, seg_ids, num_segments):
    # y: [nnz, B]; logsumexp over rows grouped by seg_ids
    m = jax.ops.segment_max(y, seg_ids, num_segments=num_segments)
    m_safe = jnp.where(jnp.isfinite(m), m, 0.0)
    s = jax.ops.segment_sum(jnp.exp(y - m_safe[seg_ids]), seg_ids, num_segments=num_segments)
    return jnp.log(s) + m_safe


def reference(x, raw_weights, scope_vals, child_cols, node_ids, scopes_out, scopes_in):
    # weights = log(softmax(weights)) per sum node (segment log-softmax)
    wm = jax.ops.segment_max(raw_weights, node_ids, num_segments=N_SUM)
    ws = jax.ops.segment_sum(jnp.exp(raw_weights - wm[node_ids]), node_ids, num_segments=N_SUM)
    log_w = raw_weights - (jnp.log(ws) + wm)[node_ids]
    # torch.sparse.mm(sparse_scope, x.T) with one nonzero per row == value * gathered column of x
    # y: [NNZ, B]  (stacked over all sum nodes)
    y = scope_vals[:, None] * x.T[child_cols] + log_w[:, None]
    # lls[:, i] = logsumexp(y_i, dim=0) for each sum node i
    sum_lls = _segment_logsumexp(y, node_ids, N_SUM).T  # [B, N_SUM]
    lls = jnp.zeros((B, N_NODES), dtype=x.dtype)
    lls = lls.at[:, :N_SUM].set(sum_lls)
    # passthrough: lls[:, scopes_out] = x[:, scopes_in]
    lls = lls.at[:, scopes_out].set(x[:, scopes_in])
    return lls

if __name__ == "__main__":
    import jax
    _d = setup_inputs()
    print(jax.jit(kernel)(*tuple(_d.values())))

</pallas_src>

<mosaic_0001>
#map = affine_map<(d0, d1) -> (0, 0)>
#map1 = affine_map<(d0, d1) -> (0)>
module attributes {stable_mosaic.version = 14 : i64} {
  func.func @_sc_body(%arg0: i32, %arg1: i32, %arg2: memref<100000x32xf32, #tpu.memory_space<hbm>>, %arg3: memref<655360xi32, #tpu.memory_space<hbm>>, %arg4: memref<655360xf32, #tpu.memory_space<hbm>>, %arg5: memref<12288xi32, #tpu.memory_space<hbm>>, %arg6: memref<53248x32xf32, #tpu.memory_space<hbm>>, %arg7: memref<3x128xi32, #tpu.memory_space<vmem>>, %arg8: memref<384x32xf32, #tpu.memory_space<vmem>>, %arg9: memref<4x5x128xi32, #tpu.memory_space<vmem>>, %arg10: memref<4x640xf32, #tpu.memory_space<vmem>>, %arg11: memref<4x640x32xf32, #tpu.memory_space<vmem>>, %arg12: memref<40x32xf32, #tpu.memory_space<vmem>>, %arg13: memref<!tpu.dma_semaphore, #tpu.memory_space<semaphore_mem>>, %arg14: memref<4x!tpu.dma_semaphore, #tpu.memory_space<semaphore_mem>>) attributes {dimension_semantics = [#tpu.dimension_semantics<core_parallel>, #tpu.dimension_semantics<subcore_parallel>], iteration_bounds = array<i64: 2, 16>, scalar_prefetch = 0 : i64, scratch_operands = 8 : i64, tpu.core_type = #tpu.core_type<sc_vector_subcore>, window_params = [{transform_indices = #map}, {transform_indices = #map1}, {transform_indices = #map1}, {transform_indices = #map1}, {transform_indices = #map}]} {
    %mul3A = arith.constant 2 : i32
    %mul3A_0 = arith.muli %arg1, %mul3A : i32
    %add3A = arith.addi %mul3A_0, %arg0 : i32
    %mul3A_1 = arith.constant 384 : i32
    %mul3A_2 = arith.muli %add3A, %mul3A_1 : i32
    %add3A_3 = arith.constant 0 : i32
    %add3A_4 = arith.addi %mul3A_2, %add3A_3 : i32
    %run_scoped3A = arith.constant 0 : i32
    "tpu.region"() ({
      %run_scoped3A_404 = tpu.sem_alloc : memref<!tpu.dma_semaphore, #tpu.memory_space<semaphore_mem>>
      %dma_start3A_405 = arith.constant 0 : i32
      %dma_start3A_406 = tpu.memref_slice %arg7[%run_scoped3A, %dma_start3A_405] : memref<3x128xi32, #tpu.memory_space<vmem>> -> memref<1x128xi32, #tpu.memory_space<vmem>>
      %dma_start3A_407 = tpu.memref_squeeze %dma_start3A_406 : memref<1x128xi32, #tpu.memory_space<vmem>> -> memref<128xi32, #tpu.memory_space<vmem>>
      %dma_start3A_408 = tpu.memref_slice %arg5[%add3A_4] : memref<12288xi32, #tpu.memory_space<hbm>> -> memref<128xi32, #tpu.memory_space<hbm>>
      %dma_start3A_409 = arith.constant 0 : i32
      %dma_start3A_410 = tpu.memref_slice %arg7[%run_scoped3A, %dma_start3A_409] : memref<3x128xi32, #tpu.memory_space<vmem>> -> memref<1x128xi32, #tpu.memory_space<vmem>>
      %dma_start3A_411 = tpu.memref_squeeze %dma_start3A_410 : memref<1x128xi32, #tpu.memory_space<vmem>> -> memref<128xi32, #tpu.memory_space<vmem>>
      %dma_start3A_412 = tpu.memref_slice %arg5[%add3A_4] : memref<12288xi32, #tpu.memory_space<hbm>> -> memref<128xi32, #tpu.memory_space<hbm>>
      tpu.enqueue_dma source(%dma_start3A_412 : memref<128xi32, #tpu.memory_space<hbm>>) target(%dma_start3A_411 : memref<128xi32, #tpu.memory_space<vmem>>) target_semaphore(%run_scoped3A_404 : memref<!tpu.dma_semaphore, #tpu.memory_space<semaphore_mem>>)
      %dma_wait3A_413 = arith.constant 0 : i32
      %dma_wait3A_414 = tpu.memref_slice %arg7[%run_scoped3A, %dma_wait3A_413] : memref<3x128xi32, #tpu.memory_space<vmem>> -> memref<1x128xi32, #tpu.memory_space<vmem>>
      %dma_wait3A_415 = tpu.memref_squeeze %dma_wait3A_414 : memref<1x128xi32, #tpu.memory_space<vmem>> -> memref<128xi32, #tpu.memory_space<vmem>>
      %dma_wait3A_416 = tpu.memref_slice %arg5[%add3A_4] : memref<12288xi32, #tpu.memory_space<hbm>> -> memref<128xi32, #tpu.memory_space<hbm>>
      %dma_wait3A_417 = arith.constant 0 : i32
      %dma_wait3A_418 = tpu.memref_slice %arg7[%run_scoped3A, %dma_wait3A_417] : memref<3x128xi32, #tpu.memory_space<vmem>> -> memref<1x128xi32, #tpu.memory_space<vmem>>
      %dma_wait3A_419 = tpu.memref_squeeze %dma_wait3A_418 : memref<1x128xi32, #tpu.memory_space<vmem>> -> memref<128xi32, #tpu.memory_space<vmem>>
      %dma_wait3A_420 = tpu.memref_slice %arg5[%add3A_4] : memref<12288xi32, #tpu.memory_space<hbm>> -> memref<128xi32, #tpu.memory_space<hbm>>
      tpu.wait_dma2 semaphore(%run_scoped3A_404 : memref<!tpu.dma_semaphore, #tpu.memory_space<semaphore_mem>>) src(%dma_wait3A_420 : memref<128xi32, #tpu.memory_space<hbm>>) dst(%dma_wait3A_419 : memref<128xi32, #tpu.memory_space<vmem>>)
      tpu.yield
    }) : () -> ()
    %mul3A_5 = arith.constant 384 : i32
    %mul3A_6 = arith.muli %add3A, %mul3A_5 : i32
    %add3A_7 = arith.constant 128 : i32
    %add3A_8 = arith.addi %mul3A_6, %add3A_7 : i32
    %run_scoped3A_9 = arith.constant 1 : i32
    "tpu.region"() ({
      %run_scoped3A_404 = tpu.sem_alloc : memref<!tpu.dma_semaphore, #tpu.memory_space<semaphore_mem>>
      %dma_start3A_405 = arith.constant 0 : i32
      %dma_start3A_406 = tpu.memref_slice %arg7[%run_scoped3A_9, %dma_start3A_405] : memref<3x128xi32, #tpu.memory_space<vmem>> -> memref<1x128xi32, #tpu.memory_space<vmem>>
      %dma_start3A_407 = tpu.memref_squeeze %dma_start3A_406 : memref<1x128xi32, #tpu.memory_space<vmem>> -> memref<128xi32, #tpu.memory_space<vmem>>
      %dma_start3A_408 = tpu.memref_slice %arg5[%add3A_8] : memref<12288xi32, #tpu.memory_space<hbm>> -> memref<128xi32, #tpu.memory_space<hbm>>
      %dma_start3A_409 = arith.constant 0 : i32
      %dma_start3A_410 = tpu.memref_slice %arg7[%run_scoped3A_9, %dma_start3A_409] : memref<3x128xi32, #tpu.memory_space<vmem>> -> memref<1x128xi32, #tpu.memory_space<vmem>>
      %dma_start3A_411 = tpu.memref_squeeze %dma_start3A_410 : memref<1x128xi32, #tpu.memory_space<vmem>> -> memref<128xi32, #tpu.memory_space<vmem>>
      %dma_start3A_412 = tpu.memref_slice %arg5[%add3A_8] : memref<12288xi32, #tpu.memory_space<hbm>> -> memref<128xi32, #tpu.memory_space<hbm>>
      tpu.enqueue_dma source(%dma_start3A_412 : memref<128xi32, #tpu.memory_space<hbm>>) target(%dma_start3A_411 : memref<128xi32, #tpu.memory_space<vmem>>) target_semaphore(%run_scoped3A_404 : memref<!tpu.dma_semaphore, #tpu.memory_space<semaphore_mem>>)
      %dma_wait3A_413 = arith.constant 0 : i32
      %dma_wait3A_414 = tpu.memref_slice %arg7[%run_scoped3A_9, %dma_wait3A_413] : memref<3x128xi32, #tpu.memory_space<vmem>> -> memref<1x128xi32, #tpu.memory_space<vmem>>
      %dma_wait3A_415 = tpu.memref_squeeze %dma_wait3A_414 : memref<1x128xi32, #tpu.memory_space<vmem>> -> memref<128xi32, #tpu.memory_space<vmem>>
      %dma_wait3A_416 = tpu.memref_slice %arg5[%add3A_8] : memref<12288xi32, #tpu.memory_space<hbm>> -> memref<128xi32, #tpu.memory_space<hbm>>
      %dma_wait3A_417 = arith.constant 0 : i32
      %dma_wait3A_418 = tpu.memref_slice %arg7[%run_scoped3A_9, %dma_wait3A_417] : memref<3x128xi32, #tpu.memory_space<vmem>> -> memref<1x128xi32, #tpu.memory_space<vmem>>
      %dma_wait3A_419 = tpu.memref_squeeze %dma_wait3A_418 : memref<1x128xi32, #tpu.memory_space<vmem>> -> memref<128xi32, #tpu.memory_space<vmem>>
      %dma_wait3A_420 = tpu.memref_slice %arg5[%add3A_8] : memref<12288xi32, #tpu.memory_space<hbm>> -> memref<128xi32, #tpu.memory_space<hbm>>
      tpu.wait_dma2 semaphore(%run_scoped3A_404 : memref<!tpu.dma_semaphore, #tpu.memory_space<semaphore_mem>>) src(%dma_wait3A_420 : memref<128xi32, #tpu.memory_space<hbm>>) dst(%dma_wait3A_419 : memref<128xi32, #tpu.memory_space<vmem>>)
      tpu.yield
    }) : () -> ()
    %mul3A_10 = arith.constant 384 : i32
    %mul3A_11 = arith.muli %add3A, %mul3A_10 : i32
    %add3A_12 = arith.constant 256 : i32
    %add3A_13 = arith.addi %mul3A_11, %add3A_12 : i32
    %run_scoped3A_14 = arith.constant 2 : i32
    "tpu.region"() ({
      %run_scoped3A_404 = tpu.sem_alloc : memref<!tpu.dma_semaphore, #tpu.memory_space<semaphore_mem>>
      %dma_start3A_405 = arith.constant 0 : i32
      %dma_start3A_406 = tpu.memref_slice %arg7[%run_scoped3A_14, %dma_start3A_405] : memref<3x128xi32, #tpu.memory_space<vmem>> -> memref<1x128xi32, #tpu.memory_space<vmem>>
      %dma_start3A_407 = tpu.memref_squeeze %dma_start3A_406 : memref<1x128xi32, #tpu.memory_space<vmem>> -> memref<128xi32, #tpu.memory_space<vmem>>
      %dma_start3A_408 = tpu.memref_slice %arg5[%add3A_13] : memref<12288xi32, #tpu.memory_space<hbm>> -> memref<128xi32, #tpu.memory_space<hbm>>
      %dma_start3A_409 = arith.constant 0 : i32
      %dma_start3A_410 = tpu.memref_slice %arg7[%run_scoped3A_14, %dma_start3A_409] : memref<3x128xi32, #tpu.memory_space<vmem>> -> memref<1x128xi32, #tpu.memory_space<vmem>>
      %dma_start3A_411 = tpu.memref_squeeze %dma_start3A_410 : memref<1x128xi32, #tpu.memory_space<vmem>> -> memref<128xi32, #tpu.memory_space<vmem>>
      %dma_start3A_412 = tpu.memref_slice %arg5[%add3A_13] : memref<12288xi32, #tpu.memory_space<hbm>> -> memref<128xi32, #tpu.memory_space<hbm>>
      tpu.enqueue_dma source(%dma_start3A_412 : memref<128xi32, #tpu.memory_space<hbm>>) target(%dma_start3A_411 : memref<128xi32, #tpu.memory_space<vmem>>) target_semaphore(%run_scoped3A_404 : memref<!tpu.dma_semaphore, #tpu.memory_space<semaphore_mem>>)
      %dma_wait3A_413 = arith.constant 0 : i32
      %dma_wait3A_414 = tpu.memref_slice %arg7[%run_scoped3A_14, %dma_wait3A_413] : memref<3x128xi32, #tpu.memory_space<vmem>> -> memref<1x128xi32, #tpu.memory_space<vmem>>
      %dma_wait3A_415 = tpu.memref_squeeze %dma_wait3A_414 : memref<1x128xi32, #tpu.memory_space<vmem>> -> memref<128xi32, #tpu.memory_space<vmem>>
      %dma_wait3A_416 = tpu.memref_slice %arg5[%add3A_13] : memref<12288xi32, #tpu.memory_space<hbm>> -> memref<128xi32, #tpu.memory_space<hbm>>
      %dma_wait3A_417 = arith.constant 0 : i32
      %dma_wait3A_418 = tpu.memref_slice %arg7[%run_scoped3A_14, %dma_wait3A_417] : memref<3x128xi32, #tpu.memory_space<vmem>> -> memref<1x128xi32, #tpu.memory_space<vmem>>
      %dma_wait3A_419 = tpu.memref_squeeze %dma_wait3A_418 : memref<1x128xi32, #tpu.memory_space<vmem>> -> memref<128xi32, #tpu.memory_space<vmem>>
      %dma_wait3A_420 = tpu.memref_slice %arg5[%add3A_13] : memref<12288xi32, #tpu.memory_space<hbm>> -> memref<128xi32, #tpu.memory_space<hbm>>
      tpu.wait_dma2 semaphore(%run_scoped3A_404 : memref<!tpu.dma_semaphore, #tpu.memory_space<semaphore_mem>>) src(%dma_wait3A_420 : memref<128xi32, #tpu.memory_space<hbm>>) dst(%dma_wait3A_419 : memref<128xi32, #tpu.memory_space<vmem>>)
      tpu.yield
    }) : () -> ()
    %dma_start3A = arith.constant 0 : i32
    %dma_start3A_15 = arith.constant 0 : i32
    %dma_start3A_16 = arith.constant 0 : i32
    %dma_start3A_17 = tpu.memref_slice %arg8[%dma_start3A_15, %dma_start3A_16] : memref<384x32xf32, #tpu.memory_space<vmem>> -> memref<128x32xf32, #tpu.memory_space<vmem>>
    %dma_start3A_18 = arith.constant 0 : i32
    %dma_start3A_19 = tpu.memref_slice %arg7[%dma_start3A, %dma_start3A_18] : memref<3x128xi32, #tpu.memory_space<vmem>> -> memref<1x128xi32, #tpu.memory_space<vmem>>
    %dma_start3A_20 = tpu.memref_squeeze %dma_start3A_19 : memref<1x128xi32, #tpu.memory_space<vmem>> -> memref<128xi32, #tpu.memory_space<vmem>>
    %dma_start3A_21 = arith.constant 0 : i32
    %dma_start3A_22 = arith.constant 0 : i32
    %dma_start3A_23 = tpu.memref_slice %arg2[%dma_start3A_21, %dma_start3A_22] : memref<100000x32xf32, #tpu.memory_space<hbm>> -> memref<100000x32xf32, #tpu.memory_space<hbm>>
    tpu.enqueue_indirect_dma source(%dma_start3A_23 : memref<100000x32xf32, #tpu.memory_space<hbm>>) target(%dma_start3A_17 : memref<128x32xf32, #tpu.memory_space<vmem>>) offsets(%dma_start3A_20 : memref<128xi32, #tpu.memory_space<vmem>>) semaphore(%arg13 : memref<!tpu.dma_semaphore, #tpu.memory_space<semaphore_mem>>)
    %dma_start3A_24 = arith.constant 1 : i32
    %dma_start3A_25 = arith.constant 128 : i32
    %dma_start3A_26 = arith.constant 0 : i32
    %dma_start3A_27 = tpu.memref_slice %arg8[%dma_start3A_25, %dma_start3A_26] : memref<384x32xf32, #tpu.memory_space<vmem>> -> memref<128x32xf32, #tpu.memory_space<vmem>>
    %dma_start3A_28 = arith.constant 0 : i32
    %dma_start3A_29 = tpu.memref_slice %arg7[%dma_start3A_24, %dma_start3A_28] : memref<3x128xi32, #tpu.memory_space<vmem>> -> memref<1x128xi32, #tpu.memory_space<vmem>>
    %dma_start3A_30 = tpu.memref_squeeze %dma_start3A_29 : memref<1x128xi32, #tpu.memory_space<vmem>> -> memref<128xi32, #tpu.memory_space<vmem>>
    %dma_start3A_31 = arith.constant 0 : i32
    %dma_start3A_32 = arith.constant 0 : i32
    %dma_start3A_33 = tpu.memref_slice %arg2[%dma_start3A_31, %dma_start3A_32] : memref<100000x32xf32, #tpu.memory_space<hbm>> -> memref<100000x32xf32, #tpu.memory_space<hbm>>
    tpu.enqueue_indirect_dma source(%dma_start3A_33 : memref<100000x32xf32, #tpu.memory_space<hbm>>) target(%dma_start3A_27 : memref<128x32xf32, #tpu.memory_space<vmem>>) offsets(%dma_start3A_30 : memref<128xi32, #tpu.memory_space<vmem>>) semaphore(%arg13 : memref<!tpu.dma_semaphore, #tpu.memory_space<semaphore_mem>>)
    %dma_start3A_34 = arith.constant 2 : i32
    %dma_start3A_35 = arith.constant 256 : i32
    %dma_start3A_36 = arith.constant 0 : i32
    %dma_start3A_37 = tpu.memref_slice %arg8[%dma_start3A_35, %dma_start3A_36] : memref<384x32xf32, #tpu.memory_space<vmem>> -> memref<128x32xf32, #tpu.memory_space<vmem>>
    %dma_start3A_38 = arith.constant 0 : i32
    %dma_start3A_39 = tpu.memref_slice %arg7[%dma_start3A_34, %dma_start3A_38] : memref<3x128xi32, #tpu.memory_space<vmem>> -> memref<1x128xi32, #tpu.memory_space<vmem>>
    %dma_start3A_40 = tpu.memref_squeeze %dma_start3A_39 : memref<1x128xi32, #tpu.memory_space<vmem>> -> memref<128xi32, #tpu.memory_space<vmem>>
    %dma_start3A_41 = arith.constant 0 : i32
    %dma_start3A_42 = arith.constant 0 : i32
    %dma_start3A_43 = tpu.memref_slice %arg2[%dma_start3A_41, %dma_start3A_42] : memref<100000x32xf32, #tpu.memory_space<hbm>> -> memref<100000x32xf32, #tpu.memory_space<hbm>>
    tpu.enqueue_indirect_dma source(%dma_start3A_43 : memref<100000x32xf32, #tpu.memory_space<hbm>>) target(%dma_start3A_37 : memref<128x32xf32, #tpu.memory_space<vmem>>) offsets(%dma_start3A_40 : memref<128xi32, #tpu.memory_space<vmem>>) semaphore(%arg13 : memref<!tpu.dma_semaphore, #tpu.memory_space<semaphore_mem>>)
    %eq3A = arith.constant 1 : i32
    %eq3A_44 = arith.cmpi eq, %arg0, %eq3A : i32
    %jit3A = arith.constant 26 : i32
    %jit3A_45 = arith.constant 38 : i32
    %select_n3A = arith.select %eq3A_44, %jit3A, %jit3A_45 : i32
    %mul3A_46 = arith.constant 2560 : i32
    %mul3A_47 = arith.muli %arg1, %mul3A_46 : i32
    %mul3A_48 = arith.constant 1520 : i32
    %mul3A_49 = arith.muli %arg0, %mul3A_48 : i32
    %add3A_50 = arith.addi %mul3A_47, %mul3A_49 : i32
    %mul3A_51 = arith.constant 16 : i32
    %mul3A_52 = arith.muli %add3A_50, %mul3A_51 : i32
    %add3A_53 = arith.constant 0 : i32
    %add3A_54 = arith.addi %mul3A_52, %add3A_53 : i32
    %add3A_55 = arith.constant 0 : i32
    %add3A_56 = arith.addi %add3A_54, %add3A_55 : i32
    %run_scoped3A_57 = arith.constant 0 : i32
    %run_scoped3A_58 = arith.constant 0 : i32
    "tpu.region"() ({
      %run_scoped3A_404 = tpu.sem_alloc : memref<!tpu.dma_semaphore, #tpu.memory_space<semaphore_mem>>
      %dma_start3A_405 = arith.constant 0 : i32
      %dma_start3A_406 = tpu.memref_slice %arg9[%run_scoped3A_57, %run_scoped3A_58, %dma_start3A_405] : memref<4x5x128xi32, #tpu.memory_space<vmem>> -> memref<1x1x128xi32, #tpu.memory_space<vmem>>
      %dma_start3A_407 = tpu.memref_squeeze %dma_start3A_406 : memref<1x1x128xi32, #tpu.memory_space<vmem>> -> memref<128xi32, #tpu.memory_space<vmem>>
      %dma_start3A_408 = tpu.memref_slice %arg3[%add3A_56] : memref<655360xi32, #tpu.memory_space<hbm>> -> memref<128xi32, #tpu.memory_space<hbm>>
      %dma_start3A_409 = arith.constant 0 : i32
      %dma_start3A_410 = tpu.memref_slice %arg9[%run_scoped3A_57, %run_scoped3A_58, %dma_start3A_409] : memref<4x5x128xi32, #tpu.memory_space<vmem>> -> memref<1x1x128xi32, #tpu.memory_space<vmem>>
      %dma_start3A_411 = tpu.memref_squeeze %dma_start3A_410 : memref<1x1x128xi32, #tpu.memory_space<vmem>> -> memref<128xi32, #tpu.memory_space<vmem>>
      %dma_start3A_412 = tpu.memref_slice %arg3[%add3A_56] : memref<655360xi32, #tpu.memory_space<hbm>> -> memref<128xi32, #tpu.memory_space<hbm>>
      tpu.enqueue_dma source(%dma_start3A_412 : memref<128xi32, #tpu.memory_space<hbm>>) target(%dma_start3A_411 : memref<128xi32, #tpu.memory_space<vmem>>) target_semaphore(%run_scoped3A_404 : memref<!tpu.dma_semaphore, #tpu.memory_space<semaphore_mem>>)
      %dma_wait3A_413 = arith.constant 0 : i32
      %dma_wait3A_414 = tpu.memref_slice %arg9[%run_scoped3A_57, %run_scoped3A_58, %dma_wait3A_413] : memref<4x5x128xi32, #tpu.memory_space<vmem>> -> memref<1x1x128xi32, #tpu.memory_space<vmem>>
      %dma_wait3A_415 = tpu.memref_squeeze %dma_wait3A_414 : memref<1x1x128xi32, #tpu.memory_space<vmem>> -> memref<128xi32, #tpu.memory_space<vmem>>
      %dma_wait3A_416 = tpu.memref_slice %arg3[%add3A_56] : memref<655360xi32, #tpu.memory_space<hbm>> -> memref<128xi32, #tpu.memory_space<hbm>>
      %dma_wait3A_417 = arith.constant 0 : i32
      %dma_wait3A_418 = tpu.memref_slice %arg9[%run_scoped3A_57, %run_scoped3A_58, %dma_wait3A_417] : memref<4x5x128xi32, #tpu.memory_space<vmem>> -> memref<1x1x128xi32, #tpu.memory_space<vmem>>
      %dma_wait3A_419 = tpu.memref_squeeze %dma_wait3A_418 : memref<1x1x128xi32, #tpu.memory_space<vmem>> -> memref<128xi32, #tpu.memory_space<vmem>>
      %dma_wait3A_420 = tpu.memref_slice %arg3[%add3A_56] : memref<655360xi32, #tpu.memory_space<hbm>> -> memref<128xi32, #tpu.memory_space<hbm>>
      tpu.wait_dma2 semaphore(%run_scoped3A_404 : memref<!tpu.dma_semaphore, #tpu.memory_space<semaphore_mem>>) src(%dma_wait3A_420 : memref<128xi32, #tpu.memory_space<hbm>>) dst(%dma_wait3A_419 : memref<128xi32, #tpu.memory_space<vmem>>)
      tpu.yield
    }) : () -> ()
    %add3A_59 = arith.constant 128 : i32
    %add3A_60 = arith.addi %add3A_54, %add3A_59 : i32
    %run_scoped3A_61 = arith.constant 0 : i32
    %run_scoped3A_62 = arith.constant 1 : i32
    "tpu.region"() ({
      %run_scoped3A_404 = tpu.sem_alloc : memref<!tpu.dma_semaphore, #tpu.memory_space<semaphore_mem>>
      %dma_start3A_405 = arith.constant 0 : i32
      %dma_start3A_406 = tpu.memref_slice %arg9[%run_scoped3A_61, %run_scoped3A_62, %dma_start3A_405] : memref<4x5x128xi32, #tpu.memory_space<vmem>> -> memref<1x1x128xi32, #tpu.memory_space<vmem>>
      %dma_start3A_407 = tpu.memref_squeeze %dma_start3A_406 : memref<1x1x128xi32, #tpu.memory_space<vmem>> -> memref<128xi32, #tpu.memory_space<vmem>>
      %dma_start3A_408 = tpu.memref_slice %arg3[%add3A_60] : memref<655360xi32, #tpu.memory_space<hbm>> -> memref<128xi32, #tpu.memory_space<hbm>>
      %dma_start3A_409 = arith.constant 0 : i32
      %dma_start3A_410 = tpu.memref_slice %arg9[%run_scoped3A_61, %run_scoped3A_62, %dma_start3A_409] : memref<4x5x128xi32, #tpu.memory_space<vmem>> -> memref<1x1x128xi32, #tpu.memory_space<vmem>>
      %dma_start3A_411 = tpu.memref_squeeze %dma_start3A_410 : memref<1x1x128xi32, #tpu.memory_space<vmem>> -> memref<128xi32, #tpu.memory_space<vmem>>
      %dma_start3A_412 = tpu.memref_slice %arg3[%add3A_60] : memref<655360xi32, #tpu.memory_space<hbm>> -> memref<128xi32, #tpu.memory_space<hbm>>
      tpu.enqueue_dma source(%dma_start3A_412 : memref<128xi32, #tpu.memory_space<hbm>>) target(%dma_start3A_411 : memref<128xi32, #tpu.memory_space<vmem>>) target_semaphore(%run_scoped3A_404 : memref<!tpu.dma_semaphore, #tpu.memory_space<semaphore_mem>>)
      %dma_wait3A_413 = arith.constant 0 : i32
      %dma_wait3A_414 = tpu.memref_slice %arg9[%run_scoped3A_61, %run_scoped3A_62, %dma_wait3A_413] : memref<4x5x128xi32, #tpu.memory_space<vmem>> -> memref<1x1x128xi32, #tpu.memory_space<vmem>>
      %dma_wait3A_415 = tpu.memref_squeeze %dma_wait3A_414 : memref<1x1x128xi32, #tpu.memory_space<vmem>> -> memref<128xi32, #tpu.memory_space<vmem>>
      %dma_wait3A_416 = tpu.memref_slice %arg3[%add3A_60] : memref<655360xi32, #tpu.memory_space<hbm>> -> memref<128xi32, #tpu.memory_space<hbm>>
      %dma_wait3A_417 = arith.constant 0 : i32
      %dma_wait3A_418 = tpu.memref_slice %arg9[%run_scoped3A_61, %run_scoped3A_62, %dma_wait3A_417] : memref<4x5x128xi32, #tpu.memory_space<vmem>> -> memref<1x1x128xi32, #tpu.memory_space<vmem>>
      %dma_wait3A_419 = tpu.memref_squeeze %dma_wait3A_418 : memref<1x1x128xi32, #tpu.memory_space<vmem>> -> memref<128xi32, #tpu.memory_space<vmem>>
      %dma_wait3A_420 = tpu.memref_slice %arg3[%add3A_60] : memref<655360xi32, #tpu.memory_space<hbm>> -> memref<128xi32, #tpu.memory_space<hbm>>
      tpu.wait_dma2 semaphore(%run_scoped3A_404 : memref<!tpu.dma_semaphore, #tpu.memory_space<semaphore_mem>>) src(%dma_wait3A_420 : memref<128xi32, #tpu.memory_space<hbm>>) dst(%dma_wait3A_419 : memref<128xi32, #tpu.memory_space<vmem>>)
      tpu.yield
    }) : () -> ()
    %add3A_63 = arith.constant 256 : i32
    %add3A_64 = arith.addi %add3A_54, %add3A_63 : i32
    %run_scoped3A_65 = arith.constant 0 : i32
    %run_scoped3A_66 = arith.constant 2 : i32
    "tpu.region"() ({
      %run_scoped3A_404 = tpu.sem_alloc : memref<!tpu.dma_semaphore, #tpu.memory_space<semaphore_mem>>
      %dma_start3A_405 = arith.constant 0 : i32
      %dma_start3A_406 = tpu.memref_slice %arg9[%run_scoped3A_65, %run_scoped3A_66, %dma_start3A_405] : memref<4x5x128xi32, #tpu.memory_space<vmem>> -> memref<1x1x128xi32, #tpu.memory_space<vmem>>
      %dma_start3A_407 = tpu.memref_squeeze %dma_start3A_406 : memref<1x1x128xi32, #tpu.memory_space<vmem>> -> memref<128xi32, #tpu.memory_space<vmem>>
      %dma_start3A_408 = tpu.memref_slice %arg3[%add3A_64] : memref<655360xi32, #tpu.memory_space<hbm>> -> memref<128xi32, #tpu.memory_space<hbm>>
      %dma_start3A_409 = arith.constant 0 : i32
      %dma_start3A_410 = tpu.memref_slice %arg9[%run_scoped3A_65, %run_scoped3A_66, %dma_start3A_409] : memref<4x5x128xi32, #tpu.memory_space<vmem>> -> memref<1x1x128xi32, #tpu.memory_space<vmem>>
      %dma_start3A_411 = tpu.memref_squeeze %dma_start3A_410 : memref<1x1x128xi32, #tpu.memory_space<vmem>> -> memref<128xi32, #tpu.memory_space<vmem>>
      %dma_start3A_412 = tpu.memref_slice %arg3[%add3A_64] : memref<655360xi32, #tpu.memory_space<hbm>> -> memref<128xi32, #tpu.memory_space<hbm>>
      tpu.enqueue_dma source(%dma_start3A_412 : memref<128xi32, #tpu.memory_space<hbm>>) target(%dma_start3A_411 : memref<128xi32, #tpu.memory_space<vmem>>) target_semaphore(%run_scoped3A_404 : memref<!tpu.dma_semaphore, #tpu.memory_space<semaphore_mem>>)
      %dma_wait3A_413 = arith.constant 0 : i32
      %dma_wait3A_414 = tpu.memref_slice %arg9[%run_scoped3A_65, %run_scoped3A_66, %dma_wait3A_413] : memref<4x5x128xi32, #tpu.memory_space<vmem>> -> memref<1x1x128xi32, #tpu.memory_space<vmem>>
      %dma_wait3A_415 = tpu.memref_squeeze %dma_wait3A_414 : memref<1x1x128xi32, #tpu.memory_space<vmem>> -> memref<128xi32, #tpu.memory_space<vmem>>
      %dma_wait3A_416 = tpu.memref_slice %arg3[%add3A_64] : memref<655360xi32, #tpu.memory_space<hbm>> -> memref<128xi32, #tpu.memory_space<hbm>>
      %dma_wait3A_417 = arith.constant 0 : i32
      %dma_wait3A_418 = tpu.memref_slice %arg9[%run_scoped3A_65, %run_scoped3A_66, %dma_wait3A_417] : memref<4x5x128xi32, #tpu.memory_space<vmem>> -> memref<1x1x128xi32, #tpu.memory_space<vmem>>
      %dma_wait3A_419 = tpu.memref_squeeze %dma_wait3A_418 : memref<1x1x128xi32, #tpu.memory_space<vmem>> -> memref<128xi32, #tpu.memory_space<vmem>>
      %dma_wait3A_420 = tpu.memref_slice %arg3[%add3A_64] : memref<655360xi32, #tpu.memory_space<hbm>> -> memref<128xi32, #tpu.memory_space<hbm>>
      tpu.wait_dma2 semaphore(%run_scoped3A_404 : memref<!tpu.dma_semaphore, #tpu.memory_space<semaphore_mem>>) src(%dma_wait3A_420 : memref<128xi32, #tpu.memory_space<hbm>>) dst(%dma_wait3A_419 : memref<128xi32, #tpu.memory_space<vmem>>)
      tpu.yield
    }) : () -> ()
    %add3A_67 = arith.constant 384 : i32
    %add3A_68 = arith.addi %add3A_54, %add3A_67 : i32
    %run_scoped3A_69 = arith.constant 0 : i32
    %run_scoped3A_70 = arith.constant 3 : i32
    "tpu.region"() ({
      %run_scoped3A_404 = tpu.sem_alloc : memref<!tpu.dma_semaphore, #tpu.memory_space<semaphore_mem>>
      %dma_start3A_405 = arith.constant 0 : i32
      %dma_start3A_406 = tpu.memref_slice %arg9[%run_scoped3A_69, %run_scoped3A_70, %dma_start3A_405] : memref<4x5x128xi32, #tpu.memory_space<vmem>> -> memref<1x1x128xi32, #tpu.memory_space<vmem>>
      %dma_start3A_407 = tpu.memref_squeeze %dma_start3A_406 : memref<1x1x128xi32, #tpu.memory_space<vmem>> -> memref<128xi32, #tpu.memory_space<vmem>>
      %dma_start3A_408 = tpu.memref_slice %arg3[%add3A_68] : memref<655360xi32, #tpu.memory_space<hbm>> -> memref<128xi32, #tpu.memory_space<hbm>>
      %dma_start3A_409 = arith.constant 0 : i32
      %dma_start3A_410 = tpu.memref_slice %arg9[%run_scoped3A_69, %run_scoped3A_70, %dma_start3A_409] : memref<4x5x128xi32, #tpu.memory_space<vmem>> -> memref<1x1x128xi32, #tpu.memory_space<vmem>>
      %dma_start3A_411 = tpu.memref_squeeze %dma_start3A_410 : memref<1x1x128xi32, #tpu.memory_space<vmem>> -> memref<128xi32, #tpu.memory_space<vmem>>
      %dma_start3A_412 = tpu.memref_slice %arg3[%add3A_68] : memref<655360xi32, #tpu.memory_space<hbm>> -> memref<128xi32, #tpu.memory_space<hbm>>
      tpu.enqueue_dma source(%dma_start3A_412 : memref<128xi32, #tpu.memory_space<hbm>>) target(%dma_start3A_411 : memref<128xi32, #tpu.memory_space<vmem>>) target_semaphore(%run_scoped3A_404 : memref<!tpu.dma_semaphore, #tpu.memory_space<semaphore_mem>>)
      %dma_wait3A_413 = arith.constant 0 : i32
      %dma_wait3A_414 = tpu.memref_slice %arg9[%run_scoped3A_69, %run_scoped3A_70, %dma_wait3A_413] : memref<4x5x128xi32, #tpu.memory_space<vmem>> -> memref<1x1x128xi32, #tpu.memory_space<vmem>>
      %dma_wait3A_415 = tpu.memref_squeeze %dma_wait3A_414 : memref<1x1x128xi32, #tpu.memory_space<vmem>> -> memref<128xi32, #tpu.memory_space<vmem>>
      %dma_wait3A_416 = tpu.memref_slice %arg3[%add3A_68] : memref<655360xi32, #tpu.memory_space<hbm>> -> memref<128xi32, #tpu.memory_space<hbm>>
      %dma_wait3A_417 = arith.constant 0 : i32
      %dma_wait3A_418 = tpu.memref_slice %arg9[%run_scoped3A_69, %run_scoped3A_70, %dma_wait3A_417] : memref<4x5x128xi32, #tpu.memory_space<vmem>> -> memref<1x1x128xi32, #tpu.memory_space<vmem>>
      %dma_wait3A_419 = tpu.memref_squeeze %dma_wait3A_418 : memref<1x1x128xi32, #tpu.memory_space<vmem>> -> memref<128xi32, #tpu.memory_space<vmem>>
      %dma_wait3A_420 = tpu.memref_slice %arg3[%add3A_68] : memref<655360xi32, #tpu.memory_space<hbm>> -> memref<128xi32, #tpu.memory_space<hbm>>
      tpu.wait_dma2 semaphore(%run_scoped3A_404 : memref<!tpu.dma_semaphore, #tpu.memory_space<semaphore_mem>>) src(%dma_wait3A_420 : memref<128xi32, #tpu.memory_space<hbm>>) dst(%dma_wait3A_419 : memref<128xi32, #tpu.memory_space<vmem>>)
      tpu.yield
    }) : () -> ()
    %add3A_71 = arith.constant 512 : i32
    %add3A_72 = arith.addi %add3A_54, %add3A_71 : i32
    %run_scoped3A_73 = arith.constant 0 : i32
    %run_scoped3A_74 = arith.constant 4 : i32
    "tpu.region"() ({
      %run_scoped3A_404 = tpu.sem_alloc : memref<!tpu.dma_semaphore, #tpu.memory_space<semaphore_mem>>
      %dma_start3A_405 = arith.constant 0 : i32
      %dma_start3A_406 = tpu.memref_slice %arg9[%run_scoped3A_73, %run_scoped3A_74, %dma_start3A_405] : memref<4x5x128xi32, #tpu.memory_space<vmem>> -> memref<1x1x128xi32, #tpu.memory_space<vmem>>
      %dma_start3A_407 = tpu.memref_squeeze %dma_start3A_406 : memref<1x1x128xi32, #tpu.memory_space<vmem>> -> memref<128xi32, #tpu.memory_space<vmem>>
      %dma_start3A_408 = tpu.memref_slice %arg3[%add3A_72] : memref<655360xi32, #tpu.memory_space<hbm>> -> memref<128xi32, #tpu.memory_space<hbm>>
      %dma_start3A_409 = arith.constant 0 : i32
      %dma_start3A_410 = tpu.memref_slice %arg9[%run_scoped3A_73, %run_scoped3A_74, %dma_start3A_409] : memref<4x5x128xi32, #tpu.memory_space<vmem>> -> memref<1x1x128xi32, #tpu.memory_space<vmem>>
      %dma_start3A_411 = tpu.memref_squeeze %dma_start3A_410 : memref<1x1x128xi32, #tpu.memory_space<vmem>> -> memref<128xi32, #tpu.memory_space<vmem>>
      %dma_start3A_412 = tpu.memref_slice %arg3[%add3A_72] : memref<655360xi32, #tpu.memory_space<hbm>> -> memref<128xi32, #tpu.memory_space<hbm>>
      tpu.enqueue_dma source(%dma_start3A_412 : memref<128xi32, #tpu.memory_space<hbm>>) target(%dma_start3A_411 : memref<128xi32, #tpu.memory_space<vmem>>) target_semaphore(%run_scoped3A_404 : memref<!tpu.dma_semaphore, #tpu.memory_space<semaphore_mem>>)
      %dma_wait3A_413 = arith.constant 0 : i32
      %dma_wait3A_414 = tpu.memref_slice %arg9[%run_scoped3A_73, %run_scoped3A_74, %dma_wait3A_413] : memref<4x5x128xi32, #tpu.memory_space<vmem>> -> memref<1x1x128xi32, #tpu.memory_space<vmem>>
      %dma_wait3A_415 = tpu.memref_squeeze %dma_wait3A_414 : memref<1x1x128xi32, #tpu.memory_space<vmem>> -> memref<128xi32, #tpu.memory_space<vmem>>
      %dma_wait3A_416 = tpu.memref_slice %arg3[%add3A_72] : memref<655360xi32, #tpu.memory_space<hbm>> -> memref<128xi32, #tpu.memory_space<hbm>>
      %dma_wait3A_417 = arith.constant 0 : i32
      %dma_wait3A_418 = tpu.memref_slice %arg9[%run_scoped3A_73, %run_scoped3A_74, %dma_wait3A_417] : memref<4x5x128xi32, #tpu.memory_space<vmem>> -> memref<1x1x128xi32, #tpu.memory_space<vmem>>
      %dma_wait3A_419 = tpu.memref_squeeze %dma_wait3A_418 : memref<1x1x128xi32, #tpu.memory_space<vmem>> -> memref<128xi32, #tpu.memory_space<vmem>>
      %dma_wait3A_420 = tpu.memref_slice %arg3[%add3A_72] : memref<655360xi32, #tpu.memory_space<hbm>> -> memref<128xi32, #tpu.memory_space<hbm>>
      tpu.wait_dma2 semaphore(%run_scoped3A_404 : memref<!tpu.dma_semaphore, #tpu.memory_space<semaphore_mem>>) src(%dma_wait3A_420 : memref<128xi32, #tpu.memory_space<hbm>>) dst(%dma_wait3A_419 : memref<128xi32, #tpu.memory_space<vmem>>)
      tpu.yield
    }) : () -> ()
    %run_scoped3A_75 = arith.constant 0 : i32
    "tpu.region"() ({
      %run_scoped3A_404 = tpu.sem_alloc : memref<!tpu.dma_semaphore, #tpu.memory_space<semaphore_mem>>
      %dma_start3A_405 = arith.constant 0 : i32
      %dma_start3A_406 = tpu.memref_slice %arg10[%run_scoped3A_75, %dma_start3A_405] : memref<4x640xf32, #tpu.memory_space<vmem>> -> memref<1x640xf32, #tpu.memory_space<vmem>>
      %dma_start3A_407 = tpu.memref_squeeze %dma_start3A_406 : memref<1x640xf32, #tpu.memory_space<vmem>> -> memref<640xf32, #tpu.memory_space<vmem>>
      %dma_start3A_408 = tpu.memref_slice %arg4[%add3A_54] : memref<655360xf32, #tpu.memory_space<hbm>> -> memref<640xf32, #tpu.memory_space<hbm>>
      %dma_start3A_409 = arith.constant 0 : i32
      %dma_start3A_410 = tpu.memref_slice %arg10[%run_scoped3A_75, %dma_start3A_409] : memref<4x640xf32, #tpu.memory_space<vmem>> -> memref<1x640xf32, #tpu.memory_space<vmem>>
      %dma_start3A_411 = tpu.memref_squeeze %dma_start3A_410 : memref<1x640xf32, #tpu.memory_space<vmem>> -> memref<640xf32, #tpu.memory_space<vmem>>
      %dma_start3A_412 = tpu.memref_slice %arg4[%add3A_54] : memref<655360xf32, #tpu.memory_space<hbm>> -> memref<640xf32, #tpu.memory_space<hbm>>
      tpu.enqueue_dma source(%dma_start3A_412 : memref<640xf32, #tpu.memory_space<hbm>>) target(%dma_start3A_411 : memref<640xf32, #tpu.memory_space<vmem>>) target_semaphore(%run_scoped3A_404 : memref<!tpu.dma_semaphore, #tpu.memory_space<semaphore_mem>>)
      %dma_wait3A_413 = arith.constant 0 : i32
      %dma_wait3A_414 = tpu.memref_slice %arg10[%run_scoped3A_75, %dma_wait3A_413] : memref<4x640xf32, #tpu.memory_space<vmem>> -> memref<1x640xf32, #tpu.memory_space<vmem>>
      %dma_wait3A_415 = tpu.memref_squeeze %dma_wait3A_414 : memref<1x640xf32, #tpu.memory_space<vmem>> -> memref<640xf32, #tpu.memory_space<vmem>>
      %dma_wait3A_416 = tpu.memref_slice %arg4[%add3A_54] : memref<655360xf32, #tpu.memory_space<hbm>> -> memref<640xf32, #tpu.memory_space<hbm>>
      %dma_wait3A_417 = arith.constant 0 : i32
      %dma_wait3A_418 = tpu.memref_slice %arg10[%run_scoped3A_75, %dma_wait3A_417] : memref<4x640xf32, #tpu.memory_space<vmem>> -> memref<1x640xf32, #tpu.memory_space<vmem>>
      %dma_wait3A_419 = tpu.memref_squeeze %dma_wait3A_418 : memref<1x640xf32, #tpu.memory_space<vmem>> -> memref<640xf32, #tpu.memory_space<vmem>>
      %dma_wait3A_420 = tpu.memref_slice %arg4[%add3A_54] : memref<655360xf32, #tpu.memory_space<hbm>> -> memref<640xf32, #tpu.memory_space<hbm>>
      tpu.wait_dma2 semaphore(%run_scoped3A_404 : memref<!tpu.dma_semaphore, #tpu.memory_space<semaphore_mem>>) src(%dma_wait3A_420 : memref<640xf32, #tpu.memory_space<hbm>>) dst(%dma_wait3A_419 : memref<640xf32, #tpu.memory_space<vmem>>)
      tpu.yield
    }) : () -> ()
    %dma_start3A_76 = arith.constant 0 : i32
    %dma_start3A_77 = arith.constant 0 : i32
    %dma_start3A_78 = arith.constant 0 : i32
    %dma_start3A_79 = arith.constant 0 : i32
    %dma_start3A_80 = arith.constant 0 : i32
    %dma_start3A_81 = arith.constant 0 : i32
    %dma_start3A_82 = tpu.memref_slice %arg11[%dma_start3A_78, %dma_start3A_80, %dma_start3A_81] : memref<4x640x32xf32, #tpu.memory_space<vmem>> -> memref<1x128x32xf32, #tpu.memory_space<vmem>>
    %dma_start3A_83 = tpu.memref_squeeze %dma_start3A_82 : memref<1x128x32xf32, #tpu.memory_space<vmem>> -> memref<128x32xf32, #tpu.memory_space<vmem>>
    %dma_start3A_84 = arith.constant 0 : i32
    %dma_start3A_85 = tpu.memref_slice %arg9[%dma_start3A_76, %dma_start3A_77, %dma_start3A_84] : memref<4x5x128xi32, #tpu.memory_space<vmem>> -> memref<1x1x128xi32, #tpu.memory_space<vmem>>
    %dma_start3A_86 = tpu.memref_squeeze %dma_start3A_85 : memref<1x1x128xi32, #tpu.memory_space<vmem>> -> memref<128xi32, #tpu.memory_space<vmem>>
    %dma_start3A_87 = arith.constant 0 : i32
    %dma_start3A_88 = arith.constant 0 : i32
    %dma_start3A_89 = tpu.memref_slice %arg2[%dma_start3A_87, %dma_start3A_88] : memref<100000x32xf32, #tpu.memory_space<hbm>> -> memref<100000x32xf32, #tpu.memory_space<hbm>>
    %dma_start3A_90 = tpu.memref_slice %arg14[%dma_start3A_79] : memref<4x!tpu.dma_semaphore, #tpu.memory_space<semaphore_mem>> -> memref<1x!tpu.dma_semaphore, #tpu.memory_space<semaphore_mem>>
    %dma_start3A_91 = tpu.memref_squeeze %dma_start3A_90 : memref<1x!tpu.dma_semaphore, #tpu.memory_space<semaphore_mem>> -> memref<!tpu.dma_semaphore, #tpu.memory_space<semaphore_mem>>
    tpu.enqueue_indirect_dma source(%dma_start3A_89 : memref<100000x32xf32, #tpu.memory_space<hbm>>) target(%dma_start3A_83 : memref<128x32xf32, #tpu.memory_space<vmem>>) offsets(%dma_start3A_86 : memref<128xi32, #tpu.memory_space<vmem>>) semaphore(%dma_start3A_91 : memref<!tpu.dma_semaphore, #tpu.memory_space<semaphore_mem>>)
    %dma_start3A_92 = arith.constant 0 : i32
    %dma_start3A_93 = arith.constant 1 : i32
    %dma_start3A_94 = arith.constant 0 : i32
    %dma_start3A_95 = arith.constant 0 : i32
    %dma_start3A_96 = arith.constant 128 : i32
    %dma_start3A_97 = arith.constant 0 : i32
    %dma_start3A_98 = tpu.memref_slice %arg11[%dma_start3A_94, %dma_start3A_96, %dma_start3A_97] : memref<4x640x32xf32, #tpu.memory_space<vmem>> -> memref<1x128x32xf32, #tpu.memory_space<vmem>>
    %dma_start3A_99 = tpu.memref_squeeze %dma_start3A_98 : memref<1x128x32xf32, #tpu.memory_space<vmem>> -> memref<128x32xf32, #tpu.memory_space<vmem>>
    %dma_start3A_100 = arith.constant 0 : i32
    %dma_start3A_101 = tpu.memref_slice %arg9[%dma_start3A_92, %dma_start3A_93, %dma_start3A_100] : memref<4x5x128xi32, #tpu.memory_space<vmem>> -> memref<1x1x128xi32, #tpu.memory_space<vmem>>
    %dma_start3A_102 = tpu.memref_squeeze %dma_start3A_101 : memref<1x1x128xi32, #tpu.memory_space<vmem>> -> memref<128xi32, #tpu.memory_space<vmem>>
    %dma_start3A_103 = arith.constant 0 : i32
    %dma_start3A_104 = arith.constant 0 : i32
    %dma_start3A_105 = tpu.memref_slice %arg2[%dma_start3A_103, %dma_start3A_104] : memref<100000x32xf32, #tpu.memory_space<hbm>> -> memref<100000x32xf32, #tpu.memory_space<hbm>>
    %dma_start3A_106 = tpu.memref_slice %arg14[%dma_start3A_95] : memref<4x!tpu.dma_semaphore, #tpu.memory_space<semaphore_mem>> -> memref<1x!tpu.dma_semaphore, #tpu.memory_space<semaphore_mem>>
    %dma_start3A_107 = tpu.memref_squeeze %dma_start3A_106 : memref<1x!tpu.dma_semaphore, #tpu.memory_space<semaphore_mem>> -> memref<!tpu.dma_semaphore, #tpu.memory_space<semaphore_mem>>
    tpu.enqueue_indirect_dma source(%dma_start3A_105 : memref<100000x32xf32, #tpu.memory_space<hbm>>) target(%dma_start3A_99 : memref<128x32xf32, #tpu.memory_space<vmem>>) offsets(%dma_start3A_102 : memref<128xi32, #tpu.memory_space<vmem>>) semaphore(%dma_start3A_107 : memref<!tpu.dma_semaphore, #tpu.memory_space<semaphore_mem>>)
    %dma_start3A_108 = arith.constant 0 : i32
    %dma_start3A_109 = arith.constant 2 : i32
    %dma_start3A_110 = arith.constant 0 : i32
    %dma_start3A_111 = arith.constant 0 : i32
    %dma_start3A_112 = arith.constant 256 : i32
    %dma_start3A_113 = arith.constant 0 : i32
    %dma_start3A_114 = tpu.memref_slice %arg11[%dma_start3A_110, %dma_start3A_112, %dma_start3A_113] : memref<4x640x32xf32, #tpu.memory_space<vmem>> -> memref<1x128x32xf32, #tpu.memory_space<vmem>>
    %dma_start3A_115 = tpu.memref_squeeze %dma_start3A_114 : memref<1x128x32xf32, #tpu.memory_space<vmem>> -> memref<128x32xf32, #tpu.memory_space<vmem>>
    %dma_start3A_116 = arith.constant 0 : i32
    %dma_start3A_117 = tpu.memref_slice %arg9[%dma_start3A_108, %dma_start3A_109, %dma_start3A_116] : memref<4x5x128xi32, #tpu.memory_space<vmem>> -> memref<1x1x128xi32, #tpu.memory_space<vmem>>
    %dma_start3A_118 = tpu.memref_squeeze %dma_start3A_117 : memref<1x1x128xi32, #tpu.memory_space<vmem>> -> memref<128xi32, #tpu.memory_space<vmem>>
    %dma_start3A_119 = arith.constant 0 : i32
    %dma_start3A_120 = arith.constant 0 : i32
    %dma_start3A_121 = tpu.memref_slice %arg2[%dma_start3A_119, %dma_start3A_120] : memref<100000x32xf32, #tpu.memory_space<hbm>> -> memref<100000x32xf32, #tpu.memory_space<hbm>>
    %dma_start3A_122 = tpu.memref_slice %arg14[%dma_start3A_111] : memref<4x!tpu.dma_semaphore, #tpu.memory_space<semaphore_mem>> -> memref<1x!tpu.dma_semaphore, #tpu.memory_space<semaphore_mem>>
    %dma_start3A_123 = tpu.memref_squeeze %dma_start3A_122 : memref<1x!tpu.dma_semaphore, #tpu.memory_space<semaphore_mem>> -> memref<!tpu.dma_semaphore, #tpu.memory_space<semaphore_mem>>
    tpu.enqueue_indirect_dma source(%dma_start3A_121 : memref<100000x32xf32, #tpu.memory_space<hbm>>) target(%dma_start3A_115 : memref<128x32xf32, #tpu.memory_space<vmem>>) offsets(%dma_start3A_118 : memref<128xi32, #tpu.memory_space<vmem>>) semaphore(%dma_start3A_123 : memref<!tpu.dma_semaphore, #tpu.memory_space<semaphore_mem>>)
    %dma_start3A_124 = arith.constant 0 : i32
    %dma_start3A_125 = arith.constant 3 : i32
    %dma_start3A_126 = arith.constant 0 : i32
    %dma_start3A_127 = arith.constant 0 : i32
    %dma_start3A_128 = arith.constant 384 : i32
    %dma_start3A_129 = arith.constant 0 : i32
    %dma_start3A_130 = tpu.memref_slice %arg11[%dma_start3A_126, %dma_start3A_128, %dma_start3A_129] : memref<4x640x32xf32, #tpu.memory_space<vmem>> -> memref<1x128x32xf32, #tpu.memory_space<vmem>>
    %dma_start3A_131 = tpu.memref_squeeze %dma_start3A_130 : memref<1x128x32xf32, #tpu.memory_space<vmem>> -> memref<128x32xf32, #tpu.memory_space<vmem>>
    %dma_start3A_132 = arith.constant 0 : i32
    %dma_start3A_133 = tpu.memref_slice %arg9[%dma_start3A_124, %dma_start3A_125, %dma_start3A_132] : memref<4x5x128xi32, #tpu.memory_space<vmem>> -> memref<1x1x128xi32, #tpu.memory_space<vmem>>
    %dma_start3A_134 = tpu.memref_squeeze %dma_start3A_133 : memref<1x1x128xi32, #tpu.memory_space<vmem>> -> memref<128xi32, #tpu.memory_space<vmem>>
    %dma_start3A_135 = arith.constant 0 : i32
    %dma_start3A_136 = arith.constant 0 : i32
    %dma_start3A_137 = tpu.memref_slice %arg2[%dma_start3A_135, %dma_start3A_136] : memref<100000x32xf32, #tpu.memory_space<hbm>> -> memref<100000x32xf32, #tpu.memory_space<hbm>>
    %dma_start3A_138 = tpu.memref_slice %arg14[%dma_start3A_127] : memref<4x!tpu.dma_semaphore, #tpu.memory_space<semaphore_mem>> -> memref<1x!tpu.dma_semaphore, #tpu.memory_space<semaphore_mem>>
    %dma_start3A_139 = tpu.memref_squeeze %dma_start3A_138 : memref<1x!tpu.dma_semaphore, #tpu.memory_space<semaphore_mem>> -> memref<!tpu.dma_semaphore, #tpu.memory_space<semaphore_mem>>
    tpu.enqueue_indirect_dma source(%dma_start3A_137 : memref<100000x32xf32, #tpu.memory_space<hbm>>) target(%dma_start3A_131 : memref<128x32xf32, #tpu.memory_space<vmem>>) offsets(%dma_start3A_134 : memref<128xi32, #tpu.memory_space<vmem>>) semaphore(%dma_start3A_139 : memref<!tpu.dma_semaphore, #tpu.memory_space<semaphore_mem>>)
    %dma_start3A_140 = arith.constant 0 : i32
    %dma_start3A_141 = arith.constant 4 : i32
    %dma_start3A_142 = arith.constant 0 : i32
    %dma_start3A_143 = arith.constant 0 : i32
    %dma_start3A_144 = arith.constant 512 : i32
    %dma_start3A_145 = arith.constant 0 : i32
    %dma_start3A_146 = tpu.memref_slice %arg11[%dma_start3A_142, %dma_start3A_144, %dma_start3A_145] : memref<4x640x32xf32, #tpu.memory_space<vmem>> -> memref<1x128x32xf32, #tpu.memory_space<vmem>>
    %dma_start3A_147 = tpu.memref_squeeze %dma_start3A_146 : memref<1x128x32xf32, #tpu.memory_space<vmem>> -> memref<128x32xf32, #tpu.memory_space<vmem>>
    %dma_start3A_148 = arith.constant 0 : i32
    %dma_start3A_149 = tpu.memref_slice %arg9[%dma_start3A_140, %dma_start3A_141, %dma_start3A_148] : memref<4x5x128xi32, #tpu.memory_space<vmem>> -> memref<1x1x128xi32, #tpu.memory_space<vmem>>
    %dma_start3A_150 = tpu.memref_squeeze %dma_start3A_149 : memref<1x1x128xi32, #tpu.memory_space<vmem>> -> memref<128xi32, #tpu.memory_space<vmem>>
    %dma_start3A_151 = arith.constant 0 : i32
    %dma_start3A_152 = arith.constant 0 : i32
    %dma_start3A_153 = tpu.memref_slice %arg2[%dma_start3A_151, %dma_start3A_152] : memref<100000x32xf32, #tpu.memory_space<hbm>> -> memref<100000x32xf32, #tpu.memory_space<hbm>>
    %dma_start3A_154 = tpu.memref_slice %arg14[%dma_start3A_143] : memref<4x!tpu.dma_semaphore, #tpu.memory_space<semaphore_mem>> -> memref<1x!tpu.dma_semaphore, #tpu.memory_space<semaphore_mem>>
    %dma_start3A_155 = tpu.memref_squeeze %dma_start3A_154 : memref<1x!tpu.dma_semaphore, #tpu.memory_space<semaphore_mem>> -> memref<!tpu.dma_semaphore, #tpu.memory_space<semaphore_mem>>
    tpu.enqueue_indirect_dma source(%dma_start3A_153 : memref<100000x32xf32, #tpu.memory_space<hbm>>) target(%dma_start3A_147 : memref<128x32xf32, #tpu.memory_space<vmem>>) offsets(%dma_start3A_150 : memref<128xi32, #tpu.memory_space<vmem>>) semaphore(%dma_start3A_155 : memref<!tpu.dma_semaphore, #tpu.memory_space<semaphore_mem>>)
    %add3A_156 = arith.constant 640 : i32
    %add3A_157 = arith.addi %mul3A_52, %add3A_156 : i32
    %add3A_158 = arith.constant 0 : i32
    %add3A_159 = arith.addi %add3A_157, %add3A_158 : i32
    %run_scoped3A_160 = arith.constant 1 : i32
    %run_scoped3A_161 = arith.constant 0 : i32
    "tpu.region"() ({
      %run_scoped3A_404 = tpu.sem_alloc : memref<!tpu.dma_semaphore, #tpu.memory_space<semaphore_mem>>
      %dma_start3A_405 = arith.constant 0 : i32
      %dma_start3A_406 = tpu.memref_slice %arg9[%run_scoped3A_160, %run_scoped3A_161, %dma_start3A_405] : memref<4x5x128xi32, #tpu.memory_space<vmem>> -> memref<1x1x128xi32, #tpu.memory_space<vmem>>
      %dma_start3A_407 = tpu.memref_squeeze %dma_start3A_406 : memref<1x1x128xi32, #tpu.memory_space<vmem>> -> memref<128xi32, #tpu.memory_space<vmem>>
      %dma_start3A_408 = tpu.memref_slice %arg3[%add3A_159] : memref<655360xi32, #tpu.memory_space<hbm>> -> memref<128xi32, #tpu.memory_space<hbm>>
      %dma_start3A_409 = arith.constant 0 : i32
      %dma_start3A_410 = tpu.memref_slice %arg9[%run_scoped3A_160, %run_scoped3A_161, %dma_start3A_409] : memref<4x5x128xi32, #tpu.memory_space<vmem>> -> memref<1x1x128xi32, #tpu.memory_space<vmem>>
      %dma_start3A_411 = tpu.memref_squeeze %dma_start3A_410 : memref<1x1x128xi32, #tpu.memory_space<vmem>> -> memref<128xi32, #tpu.memory_space<vmem>>
      %dma_start3A_412 = tpu.memref_slice %arg3[%add3A_159] : memref<655360xi32, #tpu.memory_space<hbm>> -> memref<128xi32, #tpu.memory_space<hbm>>
      tpu.enqueue_dma source(%dma_start3A_412 : memref<128xi32, #tpu.memory_space<hbm>>) target(%dma_start3A_411 : memref<128xi32, #tpu.memory_space<vmem>>) target_semaphore(%run_scoped3A_404 : memref<!tpu.dma_semaphore, #tpu.memory_space<semaphore_mem>>)
      %dma_wait3A_413 = arith.constant 0 : i32
      %dma_wait3A_414 = tpu.memref_slice %arg9[%run_scoped3A_160, %run_scoped3A_161, %dma_wait3A_413] : memref<4x5x128xi32, #tpu.memory_space<vmem>> -> memref<1x1x128xi32, #tpu.memory_space<vmem>>
      %dma_wait3A_415 = tpu.memref_squeeze %dma_wait3A_414 : memref<1x1x128xi32, #tpu.memory_space<vmem>> -> memref<128xi32, #tpu.memory_space<vmem>>
      %dma_wait3A_416 = tpu.memref_slice %arg3[%add3A_159] : memref<655360xi32, #tpu.memory_space<hbm>> -> memref<128xi32, #tpu.memory_space<hbm>>
      %dma_wait3A_417 = arith.constant 0 : i32
      %dma_wait3A_418 = tpu.memref_slice %arg9[%run_scoped3A_160, %run_scoped3A_161, %dma_wait3A_417] : memref<4x5x128xi32, #tpu.memory_space<vmem>> -> memref<1x1x128xi32, #tpu.memory_space<vmem>>
      %dma_wait3A_419 = tpu.memref_squeeze %dma_wait3A_418 : memref<1x1x128xi32, #tpu.memory_space<vmem>> -> memref<128xi32, #tpu.memory_space<vmem>>
      %dma_wait3A_420 = tpu.memref_slice %arg3[%add3A_159] : memref<655360xi32, #tpu.memory_space<hbm>> -> memref<128xi32, #tpu.memory_space<hbm>>
      tpu.wait_dma2 semaphore(%run_scoped3A_404 : memref<!tpu.dma_semaphore, #tpu.memory_space<semaphore_mem>>) src(%dma_wait3A_420 : memref<128xi32, #tpu.memory_space<hbm>>) dst(%dma_wait3A_419 : memref<128xi32, #tpu.memory_space<vmem>>)
      tpu.yield
    }) : () -> ()
    %add3A_162 = arith.constant 128 : i32
    %add3A_163 = arith.addi %add3A_157, %add3A_162 : i32
    %run_scoped3A_164 = arith.constant 1 : i32
    %run_scoped3A_165 = arith.constant 1 : i32
    "tpu.region"() ({
      %run_scoped3A_404 = tpu.sem_alloc : memref<!tpu.dma_semaphore, #tpu.memory_space<semaphore_mem>>
      %dma_start3A_405 = arith.constant 0 : i32
      %dma_start3A_406 = tpu.memref_slice %arg9[%run_scoped3A_164, %run_scoped3A_165, %dma_start3A_405] : memref<4x5x128xi32, #tpu.memory_space<vmem>> -> memref<1x1x128xi32, #tpu.memory_space<vmem>>
      %dma_start3A_407 = tpu.memref_squeeze %dma_start3A_406 : memref<1x1x128xi32, #tpu.memory_space<vmem>> -> memref<128xi32, #tpu.memory_space<vmem>>
      %dma_start3A_408 = tpu.memref_slice %arg3[%add3A_163] : memref<655360xi32, #tpu.memory_space<hbm>> -> memref<128xi32, #tpu.memory_space<hbm>>
      %dma_start3A_409 = arith.constant 0 : i32
      %dma_start3A_410 = tpu.memref_slice %arg9[%run_scoped3A_164, %run_scoped3A_165, %dma_start3A_409] : memref<4x5x128xi32, #tpu.memory_space<vmem>> -> memref<1x1x128xi32, #tpu.memory_space<vmem>>
      %dma_start3A_411 = tpu.memref_squeeze %dma_start3A_410 : memref<1x1x128xi32, #tpu.memory_space<vmem>> -> memref<128xi32, #tpu.memory_space<vmem>>
      %dma_start3A_412 = tpu.memref_slice %arg3[%add3A_163] : memref<655360xi32, #tpu.memory_space<hbm>> -> memref<128xi32, #tpu.memory_space<hbm>>
      tpu.enqueue_dma source(%dma_start3A_412 : memref<128xi32, #tpu.memory_space<hbm>>) target(%dma_start3A_411 : memref<128xi32, #tpu.memory_space<vmem>>) target_semaphore(%run_scoped3A_404 : memref<!tpu.dma_semaphore, #tpu.memory_space<semaphore_mem>>)
      %dma_wait3A_413 = arith.constant 0 : i32
      %dma_wait3A_414 = tpu.memref_slice %arg9[%run_scoped3A_164, %run_scoped3A_165, %dma_wait3A_413] : memref<4x5x128xi32, #tpu.memory_space<vmem>> -> memref<1x1x128xi32, #tpu.memory_space<vmem>>
      %dma_wait3A_415 = tpu.memref_squeeze %dma_wait3A_414 : memref<1x1x128xi32, #tpu.memory_space<vmem>> -> memref<128xi32, #tpu.memory_space<vmem>>
      %dma_wait3A_416 = tpu.memref_slice %arg3[%add3A_163] : memref<655360xi32, #tpu.memory_space<hbm>> -> memref<128xi32, #tpu.memory_space<hbm>>
      %dma_wait3A_417 = arith.constant 0 : i32
      %dma_wait3A_418 = tpu.memref_slice %arg9[%run_scoped3A_164, %run_scoped3A_165, %dma_wait3A_417] : memref<4x5x128xi32, #tpu.memory_space<vmem>> -> memref<1x1x128xi32, #tpu.memory_space<vmem>>
      %dma_wait3A_419 = tpu.memref_squeeze %dma_wait3A_418 : memref<1x1x128xi32, #tpu.memory_space<vmem>> -> memref<128xi32, #tpu.memory_space<vmem>>
      %dma_wait3A_420 = tpu.memref_slice %arg3[%add3A_163] : memref<655360xi32, #tpu.memory_space<hbm>> -> memref<128xi32, #tpu.memory_space<hbm>>
      tpu.wait_dma2 semaphore(%run_scoped3A_404 : memref<!tpu.dma_semaphore, #tpu.memory_space<semaphore_mem>>) src(%dma_wait3A_420 : memref<128xi32, #tpu.memory_space<hbm>>) dst(%dma_wait3A_419 : memref<128xi32, #tpu.memory_space<vmem>>)
      tpu.yield
    }) : () -> ()
    %add3A_166 = arith.constant 256 : i32
    %add3A_167 = arith.addi %add3A_157, %add3A_166 : i32
    %run_scoped3A_168 = arith.constant 1 : i32
    %run_scoped3A_169 = arith.constant 2 : i32
    "tpu.region"() ({
      %run_scoped3A_404 = tpu.sem_alloc : memref<!tpu.dma_semaphore, #tpu.memory_space<semaphore_mem>>
      %dma_start3A_405 = arith.constant 0 : i32
      %dma_start3A_406 = tpu.memref_slice %arg9[%run_scoped3A_168, %run_scoped3A_169, %dma_start3A_405] : memref<4x5x128xi32, #tpu.memory_space<vmem>> -> memref<1x1x128xi32, #tpu.memory_space<vmem>>
      %dma_start3A_407 = tpu.memref_squeeze %dma_start3A_406 : memref<1x1x128xi32, #tpu.memory_space<vmem>> -> memref<128xi32, #tpu.memory_space<vmem>>
      %dma_start3A_408 = tpu.memref_slice %arg3[%add3A_167] : memref<655360xi32, #tpu.memory_space<hbm>> -> memref<128xi32, #tpu.memory_space<hbm>>
      %dma_start3A_409 = arith.constant 0 : i32
      %dma_start3A_410 = tpu.memref_slice %arg9[%run_scoped3A_168, %run_scoped3A_169, %dma_start3A_409] : memref<4x5x128xi32, #tpu.memory_space<vmem>> -> memref<1x1x128xi32, #tpu.memory_space<vmem>>
      %dma_start3A_411 = tpu.memref_squeeze %dma_start3A_410 : memref<1x1x128xi32, #tpu.memory_space<vmem>> -> memref<128xi32, #tpu.memory_space<vmem>>
      %dma_start3A_412 = tpu.memref_slice %arg3[%add3A_167] : memref<655360xi32, #tpu.memory_space<hbm>> -> memref<128xi32, #tpu.memory_space<hbm>>
      tpu.enqueue_dma source(%dma_start3A_412 : memref<128xi32, #tpu.memory_space<hbm>>) target(%dma_start3A_411 : memref<128xi32, #tpu.memory_space<vmem>>) target_semaphore(%run_scoped3A_404 : memref<!tpu.dma_semaphore, #tpu.memory_space<semaphore_mem>>)
      %dma_wait3A_413 = arith.constant 0 : i32
      %dma_wait3A_414 = tpu.memref_slice %arg9[%run_scoped3A_168, %run_scoped3A_169, %dma_wait3A_413] : memref<4x5x128xi32, #tpu.memory_space<vmem>> -> memref<1x1x128xi32, #tpu.memory_space<vmem>>
      %dma_wait3A_415 = tpu.memref_squeeze %dma_wait3A_414 : memref<1x1x128xi32, #tpu.memory_space<vmem>> -> memref<128xi32, #tpu.memory_space<vmem>>
      %dma_wait3A_416 = tpu.memref_slice %arg3[%add3A_167] : memref<655360xi32, #tpu.memory_space<hbm>> -> memref<128xi32, #tpu.memory_space<hbm>>
      %dma_wait3A_417 = arith.constant 0 : i32
      %dma_wait3A_418 = tpu.memref_slice %arg9[%run_scoped3A_168, %run_scoped3A_169, %dma_wait3A_417] : memref<4x5x128xi32, #tpu.memory_space<vmem>> -> memref<1x1x128xi32, #tpu.memory_space<vmem>>
      %dma_wait3A_419 = tpu.memref_squeeze %dma_wait3A_418 : memref<1x1x128xi32, #tpu.memory_space<vmem>> -> memref<128xi32, #tpu.memory_space<vmem>>
      %dma_wait3A_420 = tpu.memref_slice %arg3[%add3A_167] : memref<655360xi32, #tpu.memory_space<hbm>> -> memref<128xi32, #tpu.memory_space<hbm>>
      tpu.wait_dma2 semaphore(%run_scoped3A_404 : memref<!tpu.dma_semaphore, #tpu.memory_space<semaphore_mem>>) src(%dma_wait3A_420 : memref<128xi32, #tpu.memory_space<hbm>>) dst(%dma_wait3A_419 : memref<128xi32, #tpu.memory_space<vmem>>)
      tpu.yield
    }) : () -> ()
    %add3A_170 = arith.constant 384 : i32
    %add3A_171 = arith.addi %add3A_157, %add3A_170 : i32
    %run_scoped3A_172 = arith.constant 1 : i32
    %run_scoped3A_173 = arith.constant 3 : i32
    "tpu.region"() ({
      %run_scoped3A_404 = tpu.sem_alloc : memref<!tpu.dma_semaphore, #tpu.memory_space<semaphore_mem>>
      %dma_start3A_405 = arith.constant 0 : i32
      %dma_start3A_406 = tpu.memref_slice %arg9[%run_scoped3A_172, %run_scoped3A_173, %dma_start3A_405] : memref<4x5x128xi32, #tpu.memory_space<vmem>> -> memref<1x1x128xi32, #tpu.memory_space<vmem>>
      %dma_start3A_407 = tpu.memref_squeeze %dma_start3A_406 : memref<1x1x128xi32, #tpu.memory_space<vmem>> -> memref<128xi32, #tpu.memory_space<vmem>>
      %dma_start3A_408 = tpu.memref_slice %arg3[%add3A_171] : memref<655360xi32, #tpu.memory_space<hbm>> -> memref<128xi32, #tpu.memory_space<hbm>>
      %dma_start3A_409 = arith.constant 0 : i32
      %dma_start3A_410 = tpu.memref_slice %arg9[%run_scoped3A_172, %run_scoped3A_173, %dma_start3A_409] : memref<4x5x128xi32, #tpu.memory_space<vmem>> -> memref<1x1x128xi32, #tpu.memory_space<vmem>>
      %dma_start3A_411 = tpu.memref_squeeze %dma_start3A_410 : memref<1x1x128xi32, #tpu.memory_space<vmem>> -> memref<128xi32, #tpu.memory_space<vmem>>
      %dma_start3A_412 = tpu.memref_slice %arg3[%add3A_171] : memref<655360xi32, #tpu.memory_space<hbm>> -> memref<128xi32, #tpu.memory_space<hbm>>
      tpu.enqueue_dma source(%dma_start3A_412 : memref<128xi32, #tpu.memory_space<hbm>>) target(%dma_start3A_411 : memref<128xi32, #tpu.memory_space<vmem>>) target_semaphore(%run_scoped3A_404 : memref<!tpu.dma_semaphore, #tpu.memory_space<semaphore_mem>>)
      %dma_wait3A_413 = arith.constant 0 : i32
      %dma_wait3A_414 = tpu.memref_slice %arg9[%run_scoped3A_172, %run_scoped3A_173, %dma_wait3A_413] : memref<4x5x128xi32, #tpu.memory_space<vmem>> -> memref<1x1x128xi32, #tpu.memory_space<vmem>>
      %dma_wait3A_415 = tpu.memref_squeeze %dma_wait3A_414 : memref<1x1x128xi32, #tpu.memory_space<vmem>> -> memref<128xi32, #tpu.memory_space<vmem>>
      %dma_wait3A_416 = tpu.memref_slice %arg3[%add3A_171] : memref<655360xi32, #tpu.memory_space<hbm>> -> memref<128xi32, #tpu.memory_space<hbm>>
      %dma_wait3A_417 = arith.constant 0 : i32
      %dma_wait3A_418 = tpu.memref_slice %arg9[%run_scoped3A_172, %run_scoped3A_173, %dma_wait3A_417] : memref<4x5x128xi32, #tpu.memory_space<vmem>> -> memref<1x1x128xi32, #tpu.memory_space<vmem>>
      %dma_wait3A_419 = tpu.memref_squeeze %dma_wait3A_418 : memref<1x1x128xi32, #tpu.memory_space<vmem>> -> memref<128xi32, #tpu.memory_space<vmem>>
      %dma_wait3A_420 = tpu.memref_slice %arg3[%add3A_171] : memref<655360xi32, #tpu.memory_space<hbm>> -> memref<128xi32, #tpu.memory_space<hbm>>
      tpu.wait_dma2 semaphore(%run_scoped3A_404 : memref<!tpu.dma_semaphore, #tpu.memory_space<semaphore_mem>>) src(%dma_wait3A_420 : memref<128xi32, #tpu.memory_space<hbm>>) dst(%dma_wait3A_419 : memref<128xi32, #tpu.memory_space<vmem>>)
      tpu.yield
    }) : () -> ()
    %add3A_174 = arith.constant 512 : i32
    %add3A_175 = arith.addi %add3A_157, %add3A_174 : i32
    %run_scoped3A_176 = arith.constant 1 : i32
    %run_scoped3A_177 = arith.constant 4 : i32
    "tpu.region"() ({
      %run_scoped3A_404 = tpu.sem_alloc : memref<!tpu.dma_semaphore, #tpu.memory_space<semaphore_mem>>
      %dma_start3A_405 = arith.constant 0 : i32
      %dma_start3A_406 = tpu.memref_slice %arg9[%run_scoped3A_176, %run_scoped3A_177, %dma_start3A_405] : memref<4x5x128xi32, #tpu.memory_space<vmem>> -> memref<1x1x128xi32, #tpu.memory_space<vmem>>
      %dma_start3A_407 = tpu.memref_squeeze %dma_start3A_406 : memref<1x1x128xi32, #tpu.memory_space<vmem>> -> memref<128xi32, #tpu.memory_space<vmem>>
      %dma_start3A_408 = tpu.memref_slice %arg3[%add3A_175] : memref<655360xi32, #tpu.memory_space<hbm>> -> memref<128xi32, #tpu.memory_space<hbm>>
      %dma_start3A_409 = arith.constant 0 : i32
      %dma_start3A_410 = tpu.memref_slice %arg9[%run_scoped3A_176, %run_scoped3A_177, %dma_start3A_409] : memref<4x5x128xi32, #tpu.memory_space<vmem>> -> memref<1x1x128xi32, #tpu.memory_space<vmem>>
      %dma_start3A_411 = tpu.memref_squeeze %dma_start3A_410 : memref<1x1x128xi32, #tpu.memory_space<vmem>> -> memref<128xi32, #tpu.memory_space<vmem>>
      %dma_start3A_412 = tpu.memref_slice %arg3[%add3A_175] : memref<655360xi32, #tpu.memory_space<hbm>> -> memref<128xi32, #tpu.memory_space<hbm>>
      tpu.enqueue_dma source(%dma_start3A_412 : memref<128xi32, #tpu.memory_space<hbm>>) target(%dma_start3A_411 : memref<128xi32, #tpu.memory_space<vmem>>) target_semaphore(%run_scoped3A_404 : memref<!tpu.dma_semaphore, #tpu.memory_space<semaphore_mem>>)
      %dma_wait3A_413 = arith.constant 0 : i32
      %dma_wait3A_414 = tpu.memref_slice %arg9[%run_scoped3A_176, %run_scoped3A_177, %dma_wait3A_413] : memref<4x5x128xi32, #tpu.memory_space<vmem>> -> memref<1x1x128xi32, #tpu.memory_space<vmem>>
      %dma_wait3A_415 = tpu.memref_squeeze %dma_wait3A_414 : memref<1x1x128xi32, #tpu.memory_space<vmem>> -> memref<128xi32, #tpu.memory_space<vmem>>
      %dma_wait3A_416 = tpu.memref_slice %arg3[%add3A_175] : memref<655360xi32, #tpu.memory_space<hbm>> -> memref<128xi32, #tpu.memory_space<hbm>>
      %dma_wait3A_417 = arith.constant 0 : i32
      %dma_wait3A_418 = tpu.memref_slice %arg9[%run_scoped3A_176, %run_scoped3A_177, %dma_wait3A_417] : memref<4x5x128xi32, #tpu.memory_space<vmem>> -> memref<1x1x128xi32, #tpu.memory_space<vmem>>
      %dma_wait3A_419 = tpu.memref_squeeze %dma_wait3A_418 : memref<1x1x128xi32, #tpu.memory_space<vmem>> -> memref<128xi32, #tpu.memory_space<vmem>>
      %dma_wait3A_420 = tpu.memref_slice %arg3[%add3A_175] : memref<655360xi32, #tpu.memory_space<hbm>> -> memref<128xi32, #tpu.memory_space<hbm>>
      tpu.wait_dma2 semaphore(%run_scoped3A_404 : memref<!tpu.dma_semaphore, #tpu.memory_space<semaphore_mem>>) src(%dma_wait3A_420 : memref<128xi32, #tpu.memory_space<hbm>>) dst(%dma_wait3A_419 : memref<128xi32, #tpu.memory_space<vmem>>)
      tpu.yield
    }) : () -> ()
    %run_scoped3A_178 = arith.constant 1 : i32
    "tpu.region"() ({
      %run_scoped3A_404 = tpu.sem_alloc : memref<!tpu.dma_semaphore, #tpu.memory_space<semaphore_mem>>
      %dma_start3A_405 = arith.constant 0 : i32
      %dma_start3A_406 = tpu.memref_slice %arg10[%run_scoped3A_178, %dma_start3A_405] : memref<4x640xf32, #tpu.memory_space<vmem>> -> memref<1x640xf32, #tpu.memory_space<vmem>>
      %dma_start3A_407 = tpu.memref_squeeze %dma_start3A_406 : memref<1x640xf32, #tpu.memory_space<vmem>> -> memref<640xf32, #tpu.memory_space<vmem>>
      %dma_start3A_408 = tpu.memref_slice %arg4[%add3A_157] : memref<655360xf32, #tpu.memory_space<hbm>> -> memref<640xf32, #tpu.memory_space<hbm>>
      %dma_start3A_409 = arith.constant 0 : i32
      %dma_start3A_410 = tpu.memref_slice %arg10[%run_scoped3A_178, %dma_start3A_409] : memref<4x640xf32, #tpu.memory_space<vmem>> -> memref<1x640xf32, #tpu.memory_space<vmem>>
      %dma_start3A_411 = tpu.memref_squeeze %dma_start3A_410 : memref<1x640xf32, #tpu.memory_space<vmem>> -> memref<640xf32, #tpu.memory_space<vmem>>
      %dma_start3A_412 = tpu.memref_slice %arg4[%add3A_157] : memref<655360xf32, #tpu.memory_space<hbm>> -> memref<640xf32, #tpu.memory_space<hbm>>
      tpu.enqueue_dma source(%dma_start3A_412 : memref<640xf32, #tpu.memory_space<hbm>>) target(%dma_start3A_411 : memref<640xf32, #tpu.memory_space<vmem>>) target_semaphore(%run_scoped3A_404 : memref<!tpu.dma_semaphore, #tpu.memory_space<semaphore_mem>>)
      %dma_wait3A_413 = arith.constant 0 : i32
      %dma_wait3A_414 = tpu.memref_slice %arg10[%run_scoped3A_178, %dma_wait3A_413] : memref<4x640xf32, #tpu.memory_space<vmem>> -> memref<1x640xf32, #tpu.memory_space<vmem>>
      %dma_wait3A_415 = tpu.memref_squeeze %dma_wait3A_414 : memref<1x640xf32, #tpu.memory_space<vmem>> -> memref<640xf32, #tpu.memory_space<vmem>>
      %dma_wait3A_416 = tpu.memref_slice %arg4[%add3A_157] : memref<655360xf32, #tpu.memory_space<hbm>> -> memref<640xf32, #tpu.memory_space<hbm>>
      %dma_wait3A_417 = arith.constant 0 : i32
      %dma_wait3A_418 = tpu.memref_slice %arg10[%run_scoped3A_178, %dma_wait3A_417] : memref<4x640xf32, #tpu.memory_space<vmem>> -> memref<1x640xf32, #tpu.memory_space<vmem>>
      %dma_wait3A_419 = tpu.memref_squeeze %dma_wait3A_418 : memref<1x640xf32, #tpu.memory_space<vmem>> -> memref<640xf32, #tpu.memory_space<vmem>>
      %dma_wait3A_420 = tpu.memref_slice %arg4[%add3A_157] : memref<655360xf32, #tpu.memory_space<hbm>> -> memref<640xf32, #tpu.memory_space<hbm>>
      tpu.wait_dma2 semaphore(%run_scoped3A_404 : memref<!tpu.dma_semaphore, #tpu.memory_space<semaphore_mem>>) src(%dma_wait3A_420 : memref<640xf32, #tpu.memory_space<hbm>>) dst(%dma_wait3A_419 : memref<640xf32, #tpu.memory_space<vmem>>)
      tpu.yield
    }) : () -> ()
    %dma_start3A_179 = arith.constant 1 : i32
    %dma_start3A_180 = arith.constant 0 : i32
    %dma_start3A_181 = arith.constant 1 : i32
    %dma_start3A_182 = arith.constant 1 : i32
    %dma_start3A_183 = arith.constant 0 : i32
    %dma_start3A_184 = arith.constant 0 : i32
    %dma_start3A_185 = tpu.memref_slice %arg11[%dma_start3A_181, %dma_start3A_183, %dma_start3A_184] : memref<4x640x32xf32, #tpu.memory_space<vmem>> -> memref<1x128x32xf32, #tpu.memory_space<vmem>>
    %dma_start3A_186 = tpu.memref_squeeze %dma_start3A_185 : memref<1x128x32xf32, #tpu.memory_space<vmem>> -> memref<128x32xf32, #tpu.memory_space<vmem>>
    %dma_start3A_187 = arith.constant 0 : i32
    %dma_start3A_188 = tpu.memref_slice %arg9[%dma_start3A_179, %dma_start3A_180, %dma_start3A_187] : memref<4x5x128xi32, #tpu.memory_space<vmem>> -> memref<1x1x128xi32, #tpu.memory_space<vmem>>
    %dma_start3A_189 = tpu.memref_squeeze %dma_start3A_188 : memref<1x1x128xi32, #tpu.memory_space<vmem>> -> memref<128xi32, #tpu.memory_space<vmem>>
    %dma_start3A_190 = arith.constant 0 : i32
    %dma_start3A_191 = arith.constant 0 : i32
    %dma_start3A_192 = tpu.memref_slice %arg2[%dma_start3A_190, %dma_start3A_191] : memref<100000x32xf32, #tpu.memory_space<hbm>> -> memref<100000x32xf32, #tpu.memory_space<hbm>>
    %dma_start3A_193 = tpu.memref_slice %arg14[%dma_start3A_182] : memref<4x!tpu.dma_semaphore, #tpu.memory_space<semaphore_mem>> -> memref<1x!tpu.dma_semaphore, #tpu.memory_space<semaphore_mem>>
    %dma_start3A_194 = tpu.memref_squeeze %dma_start3A_193 : memref<1x!tpu.dma_semaphore, #tpu.memory_space<semaphore_mem>> -> memref<!tpu.dma_semaphore, #tpu.memory_space<semaphore_mem>>
    tpu.enqueue_indirect_dma source(%dma_start3A_192 : memref<100000x32xf32, #tpu.memory_space<hbm>>) target(%dma_start3A_186 : memref<128x32xf32, #tpu.memory_space<vmem>>) offsets(%dma_start3A_189 : memref<128xi32, #tpu.memory_space<vmem>>) semaphore(%dma_start3A_194 : memref<!tpu.dma_semaphore, #tpu.memory_space<semaphore_mem>>)
    %dma_start3A_195 = arith.constant 1 : i32
    %dma_start3A_196 = arith.constant 1 : i32
    %dma_start3A_197 = arith.constant 1 : i32
    %dma_start3A_198 = arith.constant 1 : i32
    %dma_start3A_199 = arith.constant 128 : i32
    %dma_start3A_200 = arith.constant 0 : i32
    %dma_start3A_201 = tpu.memref_slice %arg11[%dma_start3A_197, %dma_start3A_199, %dma_start3A_200] : memref<4x640x32xf32, #tpu.memory_space<vmem>> -> memref<1x128x32xf32, #tpu.memory_space<vmem>>
    %dma_start3A_202 = tpu.memref_squeeze %dma_start3A_201 : memref<1x128x32xf32, #tpu.memory_space<vmem>> -> memref<128x32xf32, #tpu.memory_space<vmem>>
    %dma_start3A_203 = arith.constant 0 : i32
    %dma_start3A_204 = tpu.memref_slice %arg9[%dma_start3A_195, %dma_start3A_196, %dma_start3A_203] : memref<4x5x128xi32, #tpu.memory_space<vmem>> -> memref<1x1x128xi32, #tpu.memory_space<vmem>>
    %dma_start3A_205 = tpu.memref_squeeze %dma_start3A_204 : memref<1x1x128xi32, #tpu.memory_space<vmem>> -> memref<128xi32, #tpu.memory_space<vmem>>
    %dma_start3A_206 = arith.constant 0 : i32
    %dma_start3A_207 = arith.constant 0 : i32
    %dma_start3A_208 = tpu.memref_slice %arg2[%dma_start3A_206, %dma_start3A_207] : memref<100000x32xf32, #tpu.memory_space<hbm>> -> memref<100000x32xf32, #tpu.memory_space<hbm>>
    %dma_start3A_209 = tpu.memref_slice %arg14[%dma_start3A_198] : memref<4x!tpu.dma_semaphore, #tpu.memory_space<semaphore_mem>> -> memref<1x!tpu.dma_semaphore, #tpu.memory_space<semaphore_mem>>
    %dma_start3A_210 = tpu.memref_squeeze %dma_start3A_209 : memref<1x!tpu.dma_semaphore, #tpu.memory_space<semaphore_mem>> -> memref<!tpu.dma_semaphore, #tpu.memory_space<semaphore_mem>>
    tpu.enqueue_indirect_dma source(%dma_start3A_208 : memref<100000x32xf32, #tpu.memory_space<hbm>>) target(%dma_start3A_202 : memref<128x32xf32, #tpu.memory_space<vmem>>) offsets(%dma_start3A_205 : memref<128xi32, #tpu.memory_space<vmem>>) semaphore(%dma_start3A_210 : memref<!tpu.dma_semaphore, #tpu.memory_space<semaphore_mem>>)
    %dma_start3A_211 = arith.constant 1 : i32
    %dma_start3A_212 = arith.constant 2 : i32
    %dma_start3A_213 = arith.constant 1 : i32
    %dma_start3A_214 = arith.constant 1 : i32
    %dma_start3A_215 = arith.constant 256 : i32
    %dma_start3A_216 = arith.constant 0 : i32
    %dma_start3A_217 = tpu.memref_slice %arg11[%dma_start3A_213, %dma_start3A_215, %dma_start3A_216] : memref<4x640x32xf32, #tpu.memory_space<vmem>> -> memref<1x128x32xf32, #tpu.memory_space<vmem>>
    %dma_start3A_218 = tpu.memref_squeeze %dma_start3A_217 : memref<1x128x32xf32, #tpu.memory_space<vmem>> -> memref<128x32xf32, #tpu.memory_space<vmem>>
    %dma_start3A_219 = arith.constant 0 : i32
    %dma_start3A_220 = tpu.memref_slice %arg9[%dma_start3A_211, %dma_start3A_212, %dma_start3A_219] : memref<4x5x128xi32, #tpu.memory_space<vmem>> -> memref<1x1x128xi32, #tpu.memory_space<vmem>>
    %dma_start3A_221 = tpu.memref_squeeze %dma_start3A_220 : memref<1x1x128xi32, #tpu.memory_space<vmem>> -> memref<128xi32, #tpu.memory_space<vmem>>
    %dma_start3A_222 = arith.constant 0 : i32
    %dma_start3A_223 = arith.constant 0 : i32
    %dma_start3A_224 = tpu.memref_slice %arg2[%dma_start3A_222, %dma_start3A_223] : memref<100000x32xf32, #tpu.memory_space<hbm>> -> memref<100000x32xf32, #tpu.memory_space<hbm>>
    %dma_start3A_225 = tpu.memref_slice %arg14[%dma_start3A_214] : memref<4x!tpu.dma_semaphore, #tpu.memory_space<semaphore_mem>> -> memref<1x!tpu.dma_semaphore, #tpu.memory_space<semaphore_mem>>
    %dma_start3A_226 = tpu.memref_squeeze %dma_start3A_225 : memref<1x!tpu.dma_semaphore, #tpu.memory_space<semaphore_mem>> -> memref<!tpu.dma_semaphore, #tpu.memory_space<semaphore_mem>>
    tpu.enqueue_indirect_dma source(%dma_start3A_224 : memref<100000x32xf32, #tpu.memory_space<hbm>>) target(%dma_start3A_218 : memref<128x32xf32, #tpu.memory_space<vmem>>) offsets(%dma_start3A_221 : memref<128xi32, #tpu.memory_space<vmem>>) semaphore(%dma_start3A_226 : memref<!tpu.dma_semaphore, #tpu.memory_space<semaphore_mem>>)
    %dma_start3A_227 = arith.constant 1 : i32
    %dma_start3A_228 = arith.constant 3 : i32
    %dma_start3A_229 = arith.constant 1 : i32
    %dma_start3A_230 = arith.constant 1 : i32
    %dma_start3A_231 = arith.constant 384 : i32
    %dma_start3A_232 = arith.constant 0 : i32
    %dma_start3A_233 = tpu.memref_slice %arg11[%dma_start3A_229, %dma_start3A_231, %dma_start3A_232] : memref<4x640x32xf32, #tpu.memory_space<vmem>> -> memref<1x128x32xf32, #tpu.memory_space<vmem>>
    %dma_start3A_234 = tpu.memref_squeeze %dma_start3A_233 : memref<1x128x32xf32, #tpu.memory_space<vmem>> -> memref<128x32xf32, #tpu.memory_space<vmem>>
    %dma_start3A_235 = arith.constant 0 : i32
    %dma_start3A_236 = tpu.memref_slice %arg9[%dma_start3A_227, %dma_start3A_228, %dma_start3A_235] : memref<4x5x128xi32, #tpu.memory_space<vmem>> -> memref<1x1x128xi32, #tpu.memory_space<vmem>>
    %dma_start3A_237 = tpu.memref_squeeze %dma_start3A_236 : memref<1x1x128xi32, #tpu.memory_space<vmem>> -> memref<128xi32, #tpu.memory_space<vmem>>
    %dma_start3A_238 = arith.constant 0 : i32
    %dma_start3A_239 = arith.constant 0 : i32
    %dma_start3A_240 = tpu.memref_slice %arg2[%dma_start3A_238, %dma_start3A_239] : memref<100000x32xf32, #tpu.memory_space<hbm>> -> memref<100000x32xf32, #tpu.memory_space<hbm>>
    %dma_start3A_241 = tpu.memref_slice %arg14[%dma_start3A_230] : memref<4x!tpu.dma_semaphore, #tpu.memory_space<semaphore_mem>> -> memref<1x!tpu.dma_semaphore, #tpu.memory_space<semaphore_mem>>
    %dma_start3A_242 = tpu.memref_squeeze %dma_start3A_241 : memref<1x!tpu.dma_semaphore, #tpu.memory_space<semaphore_mem>> -> memref<!tpu.dma_semaphore, #tpu.memory_space<semaphore_mem>>
    tpu.enqueue_indirect_dma source(%dma_start3A_240 : memref<100000x32xf32, #tpu.memory_space<hbm>>) target(%dma_start3A_234 : memref<128x32xf32, #tpu.memory_space<vmem>>) offsets(%dma_start3A_237 : memref<128xi32, #tpu.memory_space<vmem>>) semaphore(%dma_start3A_242 : memref<!tpu.dma_semaphore, #tpu.memory_space<semaphore_mem>>)
    %dma_start3A_243 = arith.constant 1 : i32
    %dma_start3A_244 = arith.constant 4 : i32
    %dma_start3A_245 = arith.constant 1 : i32
    %dma_start3A_246 = arith.constant 1 : i32
    %dma_start3A_247 = arith.constant 512 : i32
    %dma_start3A_248 = arith.constant 0 : i32
    %dma_start3A_249 = tpu.memref_slice %arg11[%dma_start3A_245, %dma_start3A_247, %dma_start3A_248] : memref<4x640x32xf32, #tpu.memory_space<vmem>> -> memref<1x128x32xf32, #tpu.memory_space<vmem>>
    %dma_start3A_250 = tpu.memref_squeeze %dma_start3A_249 : memref<1x128x32xf32, #tpu.memory_space<vmem>> -> memref<128x32xf32, #tpu.memory_space<vmem>>
    %dma_start3A_251 = arith.constant 0 : i32
    %dma_start3A_252 = tpu.memref_slice %arg9[%dma_start3A_243, %dma_start3A_244, %dma_start3A_251] : memref<4x5x128xi32, #tpu.memory_space<vmem>> -> memref<1x1x128xi32, #tpu.memory_space<vmem>>
    %dma_start3A_253 = tpu.memref_squeeze %dma_start3A_252 : memref<1x1x128xi32, #tpu.memory_space<vmem>> -> memref<128xi32, #tpu.memory_space<vmem>>
    %dma_start3A_254 = arith.constant 0 : i32
    %dma_start3A_255 = arith.constant 0 : i32
    %dma_start3A_256 = tpu.memref_slice %arg2[%dma_start3A_254, %dma_start3A_255] : memref<100000x32xf32, #tpu.memory_space<hbm>> -> memref<100000x32xf32, #tpu.memory_space<hbm>>
    %dma_start3A_257 = tpu.memref_slice %arg14[%dma_start3A_246] : memref<4x!tpu.dma_semaphore, #tpu.memory_space<semaphore_mem>> -> memref<1x!tpu.dma_semaphore, #tpu.memory_space<semaphore_mem>>
    %dma_start3A_258 = tpu.memref_squeeze %dma_start3A_257 : memref<1x!tpu.dma_semaphore, #tpu.memory_space<semaphore_mem>> -> memref<!tpu.dma_semaphore, #tpu.memory_space<semaphore_mem>>
    tpu.enqueue_indirect_dma source(%dma_start3A_256 : memref<100000x32xf32, #tpu.memory_space<hbm>>) target(%dma_start3A_250 : memref<128x32xf32, #tpu.memory_space<vmem>>) offsets(%dma_start3A_253 : memref<128xi32, #tpu.memory_space<vmem>>) semaphore(%dma_start3A_258 : memref<!tpu.dma_semaphore, #tpu.memory_space<semaphore_mem>>)
    %add3A_259 = arith.constant 1280 : i32
    %add3A_260 = arith.addi %mul3A_52, %add3A_259 : i32
    %add3A_261 = arith.constant 0 : i32
    %add3A_262 = arith.addi %add3A_260, %add3A_261 : i32
    %run_scoped3A_263 = arith.constant 2 : i32
    %run_scoped3A_264 = arith.constant 0 : i32
    "tpu.region"() ({
      %run_scoped3A_404 = tpu.sem_alloc : memref<!tpu.dma_semaphore, #tpu.memory_space<semaphore_mem>>
      %dma_start3A_405 = arith.constant 0 : i32
      %dma_start3A_406 = tpu.memref_slice %arg9[%run_scoped3A_263, %run_scoped3A_264, %dma_start3A_405] : memref<4x5x128xi32, #tpu.memory_space<vmem>> -> memref<1x1x128xi32, #tpu.memory_space<vmem>>
      %dma_start3A_407 = tpu.memref_squeeze %dma_start3A_406 : memref<1x1x128xi32, #tpu.memory_space<vmem>> -> memref<128xi32, #tpu.memory_space<vmem>>
      %dma_start3A_408 = tpu.memref_slice %arg3[%add3A_262] : memref<655360xi32, #tpu.memory_space<hbm>> -> memref<128xi32, #tpu.memory_space<hbm>>
      %dma_start3A_409 = arith.constant 0 : i32
      %dma_start3A_410 = tpu.memref_slice %arg9[%run_scoped3A_263, %run_scoped3A_264, %dma_start3A_409] : memref<4x5x128xi32, #tpu.memory_space<vmem>> -> memref<1x1x128xi32, #tpu.memory_space<vmem>>
      %dma_start3A_411 = tpu.memref_squeeze %dma_start3A_410 : memref<1x1x128xi32, #tpu.memory_space<vmem>> -> memref<128xi32, #tpu.memory_space<vmem>>
      %dma_start3A_412 = tpu.memref_slice %arg3[%add3A_262] : memref<655360xi32, #tpu.memory_space<hbm>> -> memref<128xi32, #tpu.memory_space<hbm>>
      tpu.enqueue_dma source(%dma_start3A_412 : memref<128xi32, #tpu.memory_space<hbm>>) target(%dma_start3A_411 : memref<128xi32, #tpu.memory_space<vmem>>) target_semaphore(%run_scoped3A_404 : memref<!tpu.dma_semaphore, #tpu.memory_space<semaphore_mem>>)
      %dma_wait3A_413 = arith.constant 0 : i32
      %dma_wait3A_414 = tpu.memref_slice %arg9[%run_scoped3A_263, %run_scoped3A_264, %dma_wait3A_413] : memref<4x5x128xi32, #tpu.memory_space<vmem>> -> memref<1x1x128xi32, #tpu.memory_space<vmem>>
      %dma_wait3A_415 = tpu.memref_squeeze %dma_wait3A_414 : memref<1x1x128xi32, #tpu.memory_space<vmem>> -> memref<128xi32, #tpu.memory_space<vmem>>
      %dma_wait3A_416 = tpu.memref_slice %arg3[%add3A_262] : memref<655360xi32, #tpu.memory_space<hbm>> -> memref<128xi32, #tpu.memory_space<hbm>>
      %dma_wait3A_417 = arith.constant 0 : i32
      %dma_wait3A_418 = tpu.memref_slice %arg9[%run_scoped3A_263, %run_scoped3A_264, %dma_wait3A_417] : memref<4x5x128xi32, #tpu.memory_space<vmem>> -> memref<1x1x128xi32, #tpu.memory_space<vmem>>
      %dma_wait3A_419 = tpu.memref_squeeze %dma_wait3A_418 : memref<1x1x128xi32, #tpu.memory_space<vmem>> -> memref<128xi32, #tpu.memory_space<vmem>>
      %dma_wait3A_420 = tpu.memref_slice %arg3[%add3A_262] : memref<655360xi32, #tpu.memory_space<hbm>> -> memref<128xi32, #tpu.memory_space<hbm>>
      tpu.wait_dma2 semaphore(%run_scoped3A_404 : memref<!tpu.dma_semaphore, #tpu.memory_space<semaphore_mem>>) src(%dma_wait3A_420 : memref<128xi32, #tpu.memory_space<hbm>>) dst(%dma_wait3A_419 : memref<128xi32, #tpu.memory_space<vmem>>)
      tpu.yield
    }) : () -> ()
    %add3A_265 = arith.constant 128 : i32
    %add3A_266 = arith.addi %add3A_260, %add3A_265 : i32
    %run_scoped3A_267 = arith.constant 2 : i32
    %run_scoped3A_268 = arith.constant 1 : i32
    "tpu.region"() ({
      %run_scoped3A_404 = tpu.sem_alloc : memref<!tpu.dma_semaphore, #tpu.memory_space<semaphore_mem>>
      %dma_start3A_405 = arith.constant 0 : i32
      %dma_start3A_406 = tpu.memref_slice %arg9[%run_scoped3A_267, %run_scoped3A_268, %dma_start3A_405] : memref<4x5x128xi32, #tpu.memory_space<vmem>> -> memref<1x1x128xi32, #tpu.memory_space<vmem>>
      %dma_start3A_407 = tpu.memref_squeeze %dma_start3A_406 : memref<1x1x128xi32, #tpu.memory_space<vmem>> -> memref<128xi32, #tpu.memory_space<vmem>>
      %dma_start3A_408 = tpu.memref_slice %arg3[%add3A_266] : memref<655360xi32, #tpu.memory_space<hbm>> -> memref<128xi32, #tpu.memory_space<hbm>>
      %dma_start3A_409 = arith.constant 0 : i32
      %dma_start3A_410 = tpu.memref_slice %arg9[%run_scoped3A_267, %run_scoped3A_268, %dma_start3A_409] : memref<4x5x128xi32, #tpu.memory_space<vmem>> -> memref<1x1x128xi32, #tpu.memory_space<vmem>>
      %dma_start3A_411 = tpu.memref_squeeze %dma_start3A_410 : memref<1x1x128xi32, #tpu.memory_space<vmem>> -> memref<128xi32, #tpu.memory_space<vmem>>
      %dma_start3A_412 = tpu.memref_slice %arg3[%add3A_266] : memref<655360xi32, #tpu.memory_space<hbm>> -> memref<128xi32, #tpu.memory_space<hbm>>
      tpu.enqueue_dma source(%dma_start3A_412 : memref<128xi32, #tpu.memory_space<hbm>>) target(%dma_start3A_411 : memref<128xi32, #tpu.memory_space<vmem>>) target_semaphore(%run_scoped3A_404 : memref<!tpu.dma_semaphore, #tpu.memory_space<semaphore_mem>>)
      %dma_wait3A_413 = arith.constant 0 : i32
      %dma_wait3A_414 = tpu.memref_slice %arg9[%run_scoped3A_267, %run_scoped3A_268, %dma_wait3A_413] : memref<4x5x128xi32, #tpu.memory_space<vmem>> -> memref<1x1x128xi32, #tpu.memory_space<vmem>>
      %dma_wait3A_415 = tpu.memref_squeeze %dma_wait3A_414 : memref<1x1x128xi32, #tpu.memory_space<vmem>> -> memref<128xi32, #tpu.memory_space<vmem>>
      %dma_wait3A_416 = tpu.memref_slice %arg3[%add3A_266] : memref<655360xi32, #tpu.memory_space<hbm>> -> memref<128xi32, #tpu.memory_space<hbm>>
      %dma_wait3A_417 = arith.constant 0 : i32
      %dma_wait3A_418 = tpu.memref_slice %arg9[%run_scoped3A_267, %run_scoped3A_268, %dma_wait3A_417] : memref<4x5x128xi32, #tpu.memory_space<vmem>> -> memref<1x1x128xi32, #tpu.memory_space<vmem>>
      %dma_wait3A_419 = tpu.memref_squeeze %dma_wait3A_418 : memref<1x1x128xi32, #tpu.memory_space<vmem>> -> memref<128xi32, #tpu.memory_space<vmem>>
      %dma_wait3A_420 = tpu.memref_slice %arg3[%add3A_266] : memref<655360xi32, #tpu.memory_space<hbm>> -> memref<128xi32, #tpu.memory_space<hbm>>
      tpu.wait_dma2 semaphore(%run_scoped3A_404 : memref<!tpu.dma_semaphore, #tpu.memory_space<semaphore_mem>>) src(%dma_wait3A_420 : memref<128xi32, #tpu.memory_space<hbm>>) dst(%dma_wait3A_419 : memref<128xi32, #tpu.memory_space<vmem>>)
      tpu.yield
    }) : () -> ()
    %add3A_269 = arith.constant 256 : i32
    %add3A_270 = arith.addi %add3A_260, %add3A_269 : i32
    %run_scoped3A_271 = arith.constant 2 : i32
    %run_scoped3A_272 = arith.constant 2 : i32
    "tpu.region"() ({
      %run_scoped3A_404 = tpu.sem_alloc : memref<!tpu.dma_semaphore, #tpu.memory_space<semaphore_mem>>
      %dma_start3A_405 = arith.constant 0 : i32
      %dma_start3A_406 = tpu.memref_slice %arg9[%run_scoped3A_271, %run_scoped3A_272, %dma_start3A_405] : memref<4x5x128xi32, #tpu.memory_space<vmem>> -> memref<1x1x128xi32, #tpu.memory_space<vmem>>
      %dma_start3A_407 = tpu.memref_squeeze %dma_start3A_406 : memref<1x1x128xi32, #tpu.memory_space<vmem>> -> memref<128xi32, #tpu.memory_space<vmem>>
      %dma_start3A_408 = tpu.memref_slice %arg3[%add3A_270] : memref<655360xi32, #tpu.memory_space<hbm>> -> memref<128xi32, #tpu.memory_space<hbm>>
      %dma_start3A_409 = arith.constant 0 : i32
      %dma_start3A_410 = tpu.memref_slice %arg9[%run_scoped3A_271, %run_scoped3A_272, %dma_start3A_409] : memref<4x5x128xi32, #tpu.memory_space<vmem>> -> memref<1x1x128xi32, #tpu.memory_space<vmem>>
      %dma_start3A_411 = tpu.memref_squeeze %dma_start3A_410 : memref<1x1x128xi32, #tpu.memory_space<vmem>> -> memref<128xi32, #tpu.memory_space<vmem>>
      %dma_start3A_412 = tpu.memref_slice %arg3[%add3A_270] : memref<655360xi32, #tpu.memory_space<hbm>> -> memref<128xi32, #tpu.memory_space<hbm>>
      tpu.enqueue_dma source(%dma_start3A_412 : memref<128xi32, #tpu.memory_space<hbm>>) target(%dma_start3A_411 : memref<128xi32, #tpu.memory_space<vmem>>) target_semaphore(%run_scoped3A_404 : memref<!tpu.dma_semaphore, #tpu.memory_space<semaphore_mem>>)
      %dma_wait3A_413 = arith.constant 0 : i32
      %dma_wait3A_414 = tpu.memref_slice %arg9[%run_scoped3A_271, %run_scoped3A_272, %dma_wait3A_413] : memref<4x5x128xi32, #tpu.memory_space<vmem>> -> memref<1x1x128xi32, #tpu.memory_space<vmem>>
      %dma_wait3A_415 = tpu.memref_squeeze %dma_wait3A_414 : memref<1x1x128xi32, #tpu.memory_space<vmem>> -> memref<128xi32, #tpu.memory_space<vmem>>
      %dma_wait3A_416 = tpu.memref_slice %arg3[%add3A_270] : memref<655360xi32, #tpu.memory_space<hbm>> -> memref<128xi32, #tpu.memory_space<hbm>>
      %dma_wait3A_417 = arith.constant 0 : i32
      %dma_wait3A_418 = tpu.memref_slice %arg9[%run_scoped3A_271, %run_scoped3A_272, %dma_wait3A_417] : memref<4x5x128xi32, #tpu.memory_space<vmem>> -> memref<1x1x128xi32, #tpu.memory_space<vmem>>
      %dma_wait3A_419 = tpu.memref_squeeze %dma_wait3A_418 : memref<1x1x128xi32, #tpu.memory_space<vmem>> -> memref<128xi32, #tpu.memory_space<vmem>>
      %dma_wait3A_420 = tpu.memref_slice %arg3[%add3A_270] : memref<655360xi32, #tpu.memory_space<hbm>> -> memref<128xi32, #tpu.memory_space<hbm>>
      tpu.wait_dma2 semaphore(%run_scoped3A_404 : memref<!tpu.dma_semaphore, #tpu.memory_space<semaphore_mem>>) src(%dma_wait3A_420 : memref<128xi32, #tpu.memory_space<hbm>>) dst(%dma_wait3A_419 : memref<128xi32, #tpu.memory_space<vmem>>)
      tpu.yield
    }) : () -> ()
    %add3A_273 = arith.constant 384 : i32
    %add3A_274 = arith.addi %add3A_260, %add3A_273 : i32
    %run_scoped3A_275 = arith.constant 2 : i32
    %run_scoped3A_276 = arith.constant 3 : i32
    "tpu.region"() ({
      %run_scoped3A_404 = tpu.sem_alloc : memref<!tpu.dma_semaphore, #tpu.memory_space<semaphore_mem>>
      %dma_start3A_405 = arith.constant 0 : i32
      %dma_start3A_406 = tpu.memref_slice %arg9[%run_scoped3A_275, %run_scoped3A_276, %dma_start3A_405] : memref<4x5x128xi32, #tpu.memory_space<vmem>> -> memref<1x1x128xi32, #tpu.memory_space<vmem>>
      %dma_start3A_407 = tpu.memref_squeeze %dma_start3A_406 : memref<1x1x128xi32, #tpu.memory_space<vmem>> -> memref<128xi32, #tpu.memory_space<vmem>>
      %dma_start3A_408 = tpu.memref_slice %arg3[%add3A_274] : memref<655360xi32, #tpu.memory_space<hbm>> -> memref<128xi32, #tpu.memory_space<hbm>>
      %dma_start3A_409 = arith.constant 0 : i32
      %dma_start3A_410 = tpu.memref_slice %arg9[%run_scoped3A_275, %run_scoped3A_276, %dma_start3A_409] : memref<4x5x128xi32, #tpu.memory_space<vmem>> -> memref<1x1x128xi32, #tpu.memory_space<vmem>>
      %dma_start3A_411 = tpu.memref_squeeze %dma_start3A_410 : memref<1x1x128xi32, #tpu.memory_space<vmem>> -> memref<128xi32, #tpu.memory_space<vmem>>
      %dma_start3A_412 = tpu.memref_slice %arg3[%add3A_274] : memref<655360xi32, #tpu.memory_space<hbm>> -> memref<128xi32, #tpu.memory_space<hbm>>
      tpu.enqueue_dma source(%dma_start3A_412 : memref<128xi32, #tpu.memory_space<hbm>>) target(%dma_start3A_411 : memref<128xi32, #tpu.memory_space<vmem>>) target_semaphore(%run_scoped3A_404 : memref<!tpu.dma_semaphore, #tpu.memory_space<semaphore_mem>>)
      %dma_wait3A_413 = arith.constant 0 : i32
      %dma_wait3A_414 = tpu.memref_slice %arg9[%run_scoped3A_275, %run_scoped3A_276, %dma_wait3A_413] : memref<4x5x128xi32, #tpu.memory_space<vmem>> -> memref<1x1x128xi32, #tpu.memory_space<vmem>>
      %dma_wait3A_415 = tpu.memref_squeeze %dma_wait3A_414 : memref<1x1x128xi32, #tpu.memory_space<vmem>> -> memref<128xi32, #tpu.memory_space<vmem>>
      %dma_wait3A_416 = tpu.memref_slice %arg3[%add3A_274] : memref<655360xi32, #tpu.memory_space<hbm>> -> memref<128xi32, #tpu.memory_space<hbm>>
      %dma_wait3A_417 = arith.constant 0 : i32
      %dma_wait3A_418 = tpu.memref_slice %arg9[%run_scoped3A_275, %run_scoped3A_276, %dma_wait3A_417] : memref<4x5x128xi32, #tpu.memory_space<vmem>> -> memref<1x1x128xi32, #tpu.memory_space<vmem>>
      %dma_wait3A_419 = tpu.memref_squeeze %dma_wait3A_418 : memref<1x1x128xi32, #tpu.memory_space<vmem>> -> memref<128xi32, #tpu.memory_space<vmem>>
      %dma_wait3A_420 = tpu.memref_slice %arg3[%add3A_274] : memref<655360xi32, #tpu.memory_space<hbm>> -> memref<128xi32, #tpu.memory_space<hbm>>
      tpu.wait_dma2 semaphore(%run_scoped3A_404 : memref<!tpu.dma_semaphore, #tpu.memory_space<semaphore_mem>>) src(%dma_wait3A_420 : memref<128xi32, #tpu.memory_space<hbm>>) dst(%dma_wait3A_419 : memref<128xi32, #tpu.memory_space<vmem>>)
      tpu.yield
    }) : () -> ()
    %add3A_277 = arith.constant 512 : i32
    %add3A_278 = arith.addi %add3A_260, %add3A_277 : i32
    %run_scoped3A_279 = arith.constant 2 : i32
    %run_scoped3A_280 = arith.constant 4 : i32
    "tpu.region"() ({
      %run_scoped3A_404 = tpu.sem_alloc : memref<!tpu.dma_semaphore, #tpu.memory_space<semaphore_mem>>
      %dma_start3A_405 = arith.constant 0 : i32
      %dma_start3A_406 = tpu.memref_slice %arg9[%run_scoped3A_279, %run_scoped3A_280, %dma_start3A_405] : memref<4x5x128xi32, #tpu.memory_space<vmem>> -> memref<1x1x128xi32, #tpu.memory_space<vmem>>
      %dma_start3A_407 = tpu.memref_squeeze %dma_start3A_406 : memref<1x1x128xi32, #tpu.memory_space<vmem>> -> memref<128xi32, #tpu.memory_space<vmem>>
      %dma_start3A_408 = tpu.memref_slice %arg3[%add3A_278] : memref<655360xi32, #tpu.memory_space<hbm>> -> memref<128xi32, #tpu.memory_space<hbm>>
      %dma_start3A_409 = arith.constant 0 : i32
      %dma_start3A_410 = tpu.memref_slice %arg9[%run_scoped3A_279, %run_scoped3A_280, %dma_start3A_409] : memref<4x5x128xi32, #tpu.memory_space<vmem>> -> memref<1x1x128xi32, #tpu.memory_space<vmem>>
      %dma_start3A_411 = tpu.memref_squeeze %dma_start3A_410 : memref<1x1x128xi32, #tpu.memory_space<vmem>> -> memref<128xi32, #tpu.memory_space<vmem>>
      %dma_start3A_412 = tpu.memref_slice %arg3[%add3A_278] : memref<655360xi32, #tpu.memory_space<hbm>> -> memref<128xi32, #tpu.memory_space<hbm>>
      tpu.enqueue_dma source(%dma_start3A_412 : memref<128xi32, #tpu.memory_space<hbm>>) target(%dma_start3A_411 : memref<128xi32, #tpu.memory_space<vmem>>) target_semaphore(%run_scoped3A_404 : memref<!tpu.dma_semaphore, #tpu.memory_space<semaphore_mem>>)
      %dma_wait3A_413 = arith.constant 0 : i32
      %dma_wait3A_414 = tpu.memref_slice %arg9[%run_scoped3A_279, %run_scoped3A_280, %dma_wait3A_413] : memref<4x5x128xi32, #tpu.memory_space<vmem>> -> memref<1x1x128xi32, #tpu.memory_space<vmem>>
      %dma_wait3A_415 = tpu.memref_squeeze %dma_wait3A_414 : memref<1x1x128xi32, #tpu.memory_space<vmem>> -> memref<128xi32, #tpu.memory_space<vmem>>
      %dma_wait3A_416 = tpu.memref_slice %arg3[%add3A_278] : memref<655360xi32, #tpu.memory_space<hbm>> -> memref<128xi32, #tpu.memory_space<hbm>>
      %dma_wait3A_417 = arith.constant 0 : i32
      %dma_wait3A_418 = tpu.memref_slice %arg9[%run_scoped3A_279, %run_scoped3A_280, %dma_wait3A_417] : memref<4x5x128xi32, #tpu.memory_space<vmem>> -> memref<1x1x128xi32, #tpu.memory_space<vmem>>
      %dma_wait3A_419 = tpu.memref_squeeze %dma_wait3A_418 : memref<1x1x128xi32, #tpu.memory_space<vmem>> -> memref<128xi32, #tpu.memory_space<vmem>>
      %dma_wait3A_420 = tpu.memref_slice %arg3[%add3A_278] : memref<655360xi32, #tpu.memory_space<hbm>> -> memref<128xi32, #tpu.memory_space<hbm>>
      tpu.wait_dma2 semaphore(%run_scoped3A_404 : memref<!tpu.dma_semaphore, #tpu.memory_space<semaphore_mem>>) src(%dma_wait3A_420 : memref<128xi32, #tpu.memory_space<hbm>>) dst(%dma_wait3A_419 : memref<128xi32, #tpu.memory_space<vmem>>)
      tpu.yield
    }) : () -> ()
    %run_scoped3A_281 = arith.constant 2 : i32
    "tpu.region"() ({
      %run_scoped3A_404 = tpu.sem_alloc : memref<!tpu.dma_semaphore, #tpu.memory_space<semaphore_mem>>
      %dma_start3A_405 = arith.constant 0 : i32
      %dma_start3A_406 = tpu.memref_slice %arg10[%run_scoped3A_281, %dma_start3A_405] : memref<4x640xf32, #tpu.memory_space<vmem>> -> memref<1x640xf32, #tpu.memory_space<vmem>>
      %dma_start3A_407 = tpu.memref_squeeze %dma_start3A_406 : memref<1x640xf32, #tpu.memory_space<vmem>> -> memref<640xf32, #tpu.memory_space<vmem>>
      %dma_start3A_408 = tpu.memref_slice %arg4[%add3A_260] : memref<655360xf32, #tpu.memory_space<hbm>> -> memref<640xf32, #tpu.memory_space<hbm>>
      %dma_start3A_409 = arith.constant 0 : i32
      %dma_start3A_410 = tpu.memref_slice %arg10[%run_scoped3A_281, %dma_start3A_409] : memref<4x640xf32, #tpu.memory_space<vmem>> -> memref<1x640xf32, #tpu.memory_space<vmem>>
      %dma_start3A_411 = tpu.memref_squeeze %dma_start3A_410 : memref<1x640xf32, #tpu.memory_space<vmem>> -> memref<640xf32, #tpu.memory_space<vmem>>
      %dma_start3A_412 = tpu.memref_slice %arg4[%add3A_260] : memref<655360xf32, #tpu.memory_space<hbm>> -> memref<640xf32, #tpu.memory_space<hbm>>
      tpu.enqueue_dma source(%dma_start3A_412 : memref<640xf32, #tpu.memory_space<hbm>>) target(%dma_start3A_411 : memref<640xf32, #tpu.memory_space<vmem>>) target_semaphore(%run_scoped3A_404 : memref<!tpu.dma_semaphore, #tpu.memory_space<semaphore_mem>>)
      %dma_wait3A_413 = arith.constant 0 : i32
      %dma_wait3A_414 = tpu.memref_slice %arg10[%run_scoped3A_281, %dma_wait3A_413] : memref<4x640xf32, #tpu.memory_space<vmem>> -> memref<1x640xf32, #tpu.memory_space<vmem>>
      %dma_wait3A_415 = tpu.memref_squeeze %dma_wait3A_414 : memref<1x640xf32, #tpu.memory_space<vmem>> -> memref<640xf32, #tpu.memory_space<vmem>>
      %dma_wait3A_416 = tpu.memref_slice %arg4[%add3A_260] : memref<655360xf32, #tpu.memory_space<hbm>> -> memref<640xf32, #tpu.memory_space<hbm>>
      %dma_wait3A_417 = arith.constant 0 : i32
      %dma_wait3A_418 = tpu.memref_slice %arg10[%run_scoped3A_281, %dma_wait3A_417] : memref<4x640xf32, #tpu.memory_space<vmem>> -> memref<1x640xf32, #tpu.memory_space<vmem>>
      %dma_wait3A_419 = tpu.memref_squeeze %dma_wait3A_418 : memref<1x640xf32, #tpu.memory_space<vmem>> -> memref<640xf32, #tpu.memory_space<vmem>>
      %dma_wait3A_420 = tpu.memref_slice %arg4[%add3A_260] : memref<655360xf32, #tpu.memory_space<hbm>> -> memref<640xf32, #tpu.memory_space<hbm>>
      tpu.wait_dma2 semaphore(%run_scoped3A_404 : memref<!tpu.dma_semaphore, #tpu.memory_space<semaphore_mem>>) src(%dma_wait3A_420 : memref<640xf32, #tpu.memory_space<hbm>>) dst(%dma_wait3A_419 : memref<640xf32, #tpu.memory_space<vmem>>)
      tpu.yield
    }) : () -> ()
    %dma_start3A_282 = arith.constant 2 : i32
    %dma_start3A_283 = arith.constant 0 : i32
    %dma_start3A_284 = arith.constant 2 : i32
    %dma_start3A_285 = arith.constant 2 : i32
    %dma_start3A_286 = arith.constant 0 : i32
    %dma_start3A_287 = arith.constant 0 : i32
    %dma_start3A_288 = tpu.memref_slice %arg11[%dma_start3A_284, %dma_start3A_286, %dma_start3A_287] : memref<4x640x32xf32, #tpu.memory_space<vmem>> -> memref<1x128x32xf32, #tpu.memory_space<vmem>>
    %dma_start3A_289 = tpu.memref_squeeze %dma_start3A_288 : memref<1x128x32xf32, #tpu.memory_space<vmem>> -> memref<128x32xf32, #tpu.memory_space<vmem>>
    %dma_start3A_290 = arith.constant 0 : i32
    %dma_start3A_291 = tpu.memref_slice %arg9[%dma_start3A_282, %dma_start3A_283, %dma_start3A_290] : memref<4x5x128xi32, #tpu.memory_space<vmem>> -> memref<1x1x128xi32, #tpu.memory_space<vmem>>
    %dma_start3A_292 = tpu.memref_squeeze %dma_start3A_291 : memref<1x1x128xi32, #tpu.memory_space<vmem>> -> memref<128xi32, #tpu.memory_space<vmem>>
    %dma_start3A_293 = arith.constant 0 : i32
    %dma_start3A_294 = arith.constant 0 : i32
    %dma_start3A_295 = tpu.memref_slice %arg2[%dma_start3A_293, %dma_start3A_294] : memref<100000x32xf32, #tpu.memory_space<hbm>> -> memref<100000x32xf32, #tpu.memory_space<hbm>>
    %dma_start3A_296 = tpu.memref_slice %arg14[%dma_start3A_285] : memref<4x!tpu.dma_semaphore, #tpu.memory_space<semaphore_mem>> -> memref<1x!tpu.dma_semaphore, #tpu.memory_space<semaphore_mem>>
    %dma_start3A_297 = tpu.memref_squeeze %dma_start3A_296 : memref<1x!tpu.dma_semaphore, #tpu.memory_space<semaphore_mem>> -> memref<!tpu.dma_semaphore, #tpu.memory_space<semaphore_mem>>
    tpu.enqueue_indirect_dma source(%dma_start3A_295 : memref<100000x32xf32, #tpu.memory_space<hbm>>) target(%dma_start3A_289 : memref<128x32xf32, #tpu.memory_space<vmem>>) offsets(%dma_start3A_292 : memref<128xi32, #tpu.memory_space<vmem>>) semaphore(%dma_start3A_297 : memref<!tpu.dma_semaphore, #tpu.memory_space<semaphore_mem>>)
    %dma_start3A_298 = arith.constant 2 : i32
    %dma_start3A_299 = arith.constant 1 : i32
    %dma_start3A_300 = arith.constant 2 : i32
    %dma_start3A_301 = arith.constant 2 : i32
    %dma_start3A_302 = arith.constant 128 : i32
    %dma_start3A_303 = arith.constant 0 : i32
    %dma_start3A_304 = tpu.memref_slice %arg11[%dma_start3A_300, %dma_start3A_302, %dma_start3A_303] : memref<4x640x32xf32, #tpu.memory_space<vmem>> -> memref<1x128x32xf32, #tpu.memory_space<vmem>>
    %dma_start3A_305 = tpu.memref_squeeze %dma_start3A_304 : memref<1x128x32xf32, #tpu.memory_space<vmem>> -> memref<128x32xf32, #tpu.memory_space<vmem>>
    %dma_start3A_306 = arith.constant 0 : i32
    %dma_start3A_307 = tpu.memref_slice %arg9[%dma_start3A_298, %dma_start3A_299, %dma_start3A_306] : memref<4x5x128xi32, #tpu.memory_space<vmem>> -> memref<1x1x128xi32, #tpu.memory_space<vmem>>
    %dma_start3A_308 = tpu.memref_squeeze %dma_start3A_307 : memref<1x1x128xi32, #tpu.memory_space<vmem>> -> memref<128xi32, #tpu.memory_space<vmem>>
    %dma_start3A_309 = arith.constant 0 : i32
    %dma_start3A_310 = arith.constant 0 : i32
    %dma_start3A_311 = tpu.memref_slice %arg2[%dma_start3A_309, %dma_start3A_310] : memref<100000x32xf32, #tpu.memory_space<hbm>> -> memref<100000x32xf32, #tpu.memory_space<hbm>>
    %dma_start3A_312 = tpu.memref_slice %arg14[%dma_start3A_301] : memref<4x!tpu.dma_semaphore, #tpu.memory_space<semaphore_mem>> -> memref<1x!tpu.dma_semaphore, #tpu.memory_space<semaphore_mem>>
    %dma_start3A_313 = tpu.memref_squeeze %dma_start3A_312 : memref<1x!tpu.dma_semaphore, #tpu.memory_space<semaphore_mem>> -> memref<!tpu.dma_semaphore, #tpu.memory_space<semaphore_mem>>
    tpu.enqueue_indirect_dma source(%dma_start3A_311 : memref<100000x32xf32, #tpu.memory_space<hbm>>) target(%dma_start3A_305 : memref<128x32xf32, #tpu.memory_space<vmem>>) offsets(%dma_start3A_308 : memref<128xi32, #tpu.memory_space<vmem>>) semaphore(%dma_start3A_313 : memref<!tpu.dma_semaphore, #tpu.memory_space<semaphore_mem>>)
    %dma_start3A_314 = arith.constant 2 : i32
    %dma_start3A_315 = arith.constant 2 : i32
    %dma_start3A_316 = arith.constant 2 : i32
    %dma_start3A_317 = arith.constant 2 : i32
    %dma_start3A_318 = arith.constant 256 : i32
    %dma_start3A_319 = arith.constant 0 : i32
    %dma_start3A_320 = tpu.memref_slice %arg11[%dma_start3A_316, %dma_start3A_318, %dma_start3A_319] : memref<4x640x32xf32, #tpu.memory_space<vmem>> -> memref<1x128x32xf32, #tpu.memory_space<vmem>>
    %dma_start3A_321 = tpu.memref_squeeze %dma_start3A_320 : memref<1x128x32xf32, #tpu.memory_space<vmem>> -> memref<128x32xf32, #tpu.memory_space<vmem>>
    %dma_start3A_322 = arith.constant 0 : i32
    %dma_start3A_323 = tpu.memref_slice %arg9[%dma_start3A_314, %dma_start3A_315, %dma_start3A_322] : memref<4x5x128xi32, #tpu.memory_space<vmem>> -> memref<1x1x128xi32, #tpu.memory_space<vmem>>
    %dma_start3A_324 = tpu.memref_squeeze %dma_start3A_323 : memref<1x1x128xi32, #tpu.memory_space<vmem>> -> memref<128xi32, #tpu.memory_space<vmem>>
    %dma_start3A_325 = arith.constant 0 : i32
    %dma_start3A_326 = arith.constant 0 : i32
    %dma_start3A_327 = tpu.memref_slice %arg2[%dma_start3A_325, %dma_start3A_326] : memref<100000x32xf32, #tpu.memory_space<hbm>> -> memref<100000x32xf32, #tpu.memory_space<hbm>>
    %dma_start3A_328 = tpu.memref_slice %arg14[%dma_start3A_317] : memref<4x!tpu.dma_semaphore, #tpu.memory_space<semaphore_mem>> -> memref<1x!tpu.dma_semaphore, #tpu.memory_space<semaphore_mem>>
    %dma_start3A_329 = tpu.memref_squeeze %dma_start3A_328 : memref<1x!tpu.dma_semaphore, #tpu.memory_space<semaphore_mem>> -> memref<!tpu.dma_semaphore, #tpu.memory_space<semaphore_mem>>
    tpu.enqueue_indirect_dma source(%dma_start3A_327 : memref<100000x32xf32, #tpu.memory_space<hbm>>) target(%dma_start3A_321 : memref<128x32xf32, #tpu.memory_space<vmem>>) offsets(%dma_start3A_324 : memref<128xi32, #tpu.memory_space<vmem>>) semaphore(%dma_start3A_329 : memref<!tpu.dma_semaphore, #tpu.memory_space<semaphore_mem>>)
    %dma_start3A_330 = arith.constant 2 : i32
    %dma_start3A_331 = arith.constant 3 : i32
    %dma_start3A_332 = arith.constant 2 : i32
    %dma_start3A_333 = arith.constant 2 : i32
    %dma_start3A_334 = arith.constant 384 : i32
    %dma_start3A_335 = arith.constant 0 : i32
    %dma_start3A_336 = tpu.memref_slice %arg11[%dma_start3A_332, %dma_start3A_334, %dma_start3A_335] : memref<4x640x32xf32, #tpu.memory_space<vmem>> -> memref<1x128x32xf32, #tpu.memory_space<vmem>>
    %dma_start3A_337 = tpu.memref_squeeze %dma_start3A_336 : memref<1x128x32xf32, #tpu.memory_space<vmem>> -> memref<128x32xf32, #tpu.memory_space<vmem>>
    %dma_start3A_338 = arith.constant 0 : i32
    %dma_start3A_339 = tpu.memref_slice %arg9[%dma_start3A_330, %dma_start3A_331, %dma_start3A_338] : memref<4x5x128xi32, #tpu.memory_space<vmem>> -> memref<1x1x128xi32, #tpu.memory_space<vmem>>
    %dma_start3A_340 = tpu.memref_squeeze %dma_start3A_339 : memref<1x1x128xi32, #tpu.memory_space<vmem>> -> memref<128xi32, #tpu.memory_space<vmem>>
    %dma_start3A_341 = arith.constant 0 : i32
    %dma_start3A_342 = arith.constant 0 : i32
    %dma_start3A_343 = tpu.memref_slice %arg2[%dma_start3A_341, %dma_start3A_342] : memref<100000x32xf32, #tpu.memory_space<hbm>> -> memref<100000x32xf32, #tpu.memory_space<hbm>>
    %dma_start3A_344 = tpu.memref_slice %arg14[%dma_start3A_333] : memref<4x!tpu.dma_semaphore, #tpu.memory_space<semaphore_mem>> -> memref<1x!tpu.dma_semaphore, #tpu.memory_space<semaphore_mem>>
    %dma_start3A_345 = tpu.memref_squeeze %dma_start3A_344 : memref<1x!tpu.dma_semaphore, #tpu.memory_space<semaphore_mem>> -> memref<!tpu.dma_semaphore, #tpu.memory_space<semaphore_mem>>
    tpu.enqueue_indirect_dma source(%dma_start3A_343 : memref<100000x32xf32, #tpu.memory_space<hbm>>) target(%dma_start3A_337 : memref<128x32xf32, #tpu.memory_space<vmem>>) offsets(%dma_start3A_340 : memref<128xi32, #tpu.memory_space<vmem>>) semaphore(%dma_start3A_345 : memref<!tpu.dma_semaphore, #tpu.memory_space<semaphore_mem>>)
    %dma_start3A_346 = arith.constant 2 : i32
    %dma_start3A_347 = arith.constant 4 : i32
    %dma_start3A_348 = arith.constant 2 : i32
    %dma_start3A_349 = arith.constant 2 : i32
    %dma_start3A_350 = arith.constant 512 : i32
    %dma_start3A_351 = arith.constant 0 : i32
    %dma_start3A_352 = tpu.memref_slice %arg11[%dma_start3A_348, %dma_start3A_350, %dma_start3A_351] : memref<4x640x32xf32, #tpu.memory_space<vmem>> -> memref<1x128x32xf32, #tpu.memory_space<vmem>>
    %dma_start3A_353 = tpu.memref_squeeze %dma_start3A_352 : memref<1x128x32xf32, #tpu.memory_space<vmem>> -> memref<128x32xf32, #tpu.memory_space<vmem>>
    %dma_start3A_354 = arith.constant 0 : i32
    %dma_start3A_355 = tpu.memref_slice %arg9[%dma_start3A_346, %dma_start3A_347, %dma_start3A_354] : memref<4x5x128xi32, #tpu.memory_space<vmem>> -> memref<1x1x128xi32, #tpu.memory_space<vmem>>
    %dma_start3A_356 = tpu.memref_squeeze %dma_start3A_355 : memref<1x1x128xi32, #tpu.memory_space<vmem>> -> memref<128xi32, #tpu.memory_space<vmem>>
    %dma_start3A_357 = arith.constant 0 : i32
    %dma_start3A_358 = arith.constant 0 : i32
    %dma_start3A_359 = tpu.memref_slice %arg2[%dma_start3A_357, %dma_start3A_358] : memref<100000x32xf32, #tpu.memory_space<hbm>> -> memref<100000x32xf32, #tpu.memory_space<hbm>>
    %dma_start3A_360 = tpu.memref_slice %arg14[%dma_start3A_349] : memref<4x!tpu.dma_semaphore, #tpu.memory_space<semaphore_mem>> -> memref<1x!tpu.dma_semaphore, #tpu.memory_space<semaphore_mem>>
    %dma_start3A_361 = tpu.memref_squeeze %dma_start3A_360 : memref<1x!tpu.dma_semaphore, #tpu.memory_space<semaphore_mem>> -> memref<!tpu.dma_semaphore, #tpu.memory_space<semaphore_mem>>
    tpu.enqueue_indirect_dma source(%dma_start3A_359 : memref<100000x32xf32, #tpu.memory_space<hbm>>) target(%dma_start3A_353 : memref<128x32xf32, #tpu.memory_space<vmem>>) offsets(%dma_start3A_356 : memref<128xi32, #tpu.memory_space<vmem>>) semaphore(%dma_start3A_361 : memref<!tpu.dma_semaphore, #tpu.memory_space<semaphore_mem>>)
    %while3A = arith.constant 0 : i32
    %while3A_362 = arith.constant 0 : i32
    %while3A_363 = arith.subi %select_n3A, %while3A_362 : i32
    %while3A_364 = arith.addi %while3A_362, %while3A_363 : i32
    %while3A_365 = arith.constant 1 : i32
    %while3A_366 = arith.divsi %while3A_363, %while3A_365 : i32
    %while3A_367 = arith.muli %while3A_366, %while3A_365 : i32
    %while3A_368 = arith.addi %while3A_362, %while3A_367 : i32
    %while3A_369 = arith.constant 1 : i32
    scf.for %while3A_404 = %while3A_362 to %while3A_368 step %while3A_369  : i32 {
      %add3A_405 = arith.constant 4 : i32
      %add3A_406 = arith.addi %while3A_404, %add3A_405 : i32
      %sub3A = arith.constant 1 : i32
      %sub3A_407 = arith.subi %add3A_406, %sub3A : i32
      %lt3A = arith.cmpi slt, %sub3A_407, %select_n3A : i32
      %convert_element_type3A = arith.extui %lt3A : i1 to i32
      %cond3A = arith.constant 0 : i32
      %cond3A_408 = arith.cmpi ne, %convert_element_type3A, %cond3A : i32
      scf.if %cond3A_408 {
        %add3A_511 = arith.constant 4 : i32
        %add3A_512 = arith.addi %while3A_404, %add3A_511 : i32
        %sub3A_513 = arith.constant 1 : i32
        %sub3A_514 = arith.subi %add3A_512, %sub3A_513 : i32
        %jit3A_515 = arith.constant 4 : i32
        %eq3A_516 = arith.constant 0 : i32
        %eq3A_517 = arith.cmpi eq, %jit3A_515, %eq3A_516 : i32
        %jit3A_518 = arith.constant 1 : i32
        %select_n3A_519 = arith.select %eq3A_517, %jit3A_518, %jit3A_515 : i32
        %rem3A_520 = arith.remsi %sub3A_514, %select_n3A_519 : i32
        %ne3A_521 = arith.constant 0 : i32
        %ne3A_522 = arith.cmpi ne, %rem3A_520, %ne3A_521 : i32
        %lt3A_523 = arith.constant 0 : i32
        %lt3A_524 = arith.cmpi slt, %rem3A_520, %lt3A_523 : i32
        %lt3A_525 = arith.constant 0 : i32
        %lt3A_526 = arith.cmpi slt, %select_n3A_519, %lt3A_525 : i32
        %ne3A_527 = arith.xori %lt3A_524, %lt3A_526 : i1
        %and3A_528 = arith.andi %ne3A_527, %ne3A_522 : i1
        %add3A_529 = arith.addi %rem3A_520, %select_n3A_519 : i32
        %select_n3A_530 = arith.select %and3A_528, %add3A_529, %rem3A_520 : i32
        %add3A_531 = arith.constant 4 : i32
        %add3A_532 = arith.addi %while3A_404, %add3A_531 : i32
        %sub3A_533 = arith.constant 1 : i32
        %sub3A_534 = arith.subi %add3A_532, %sub3A_533 : i32
        %mul3A_535 = arith.constant 640 : i32
        %mul3A_536 = arith.muli %sub3A_534, %mul3A_535 : i32
        %add3A_537 = arith.addi %mul3A_52, %mul3A_536 : i32
        %add3A_538 = arith.constant 0 : i32
        %add3A_539 = arith.addi %add3A_537, %add3A_538 : i32
        %run_scoped3A_540 = arith.constant 0 : i32
        "tpu.region"() ({
          %run_scoped3A_618 = tpu.sem_alloc : memref<!tpu.dma_semaphore, #tpu.memory_space<semaphore_mem>>
          %dma_start3A_619 = arith.constant 0 : i32
          %dma_start3A_620 = tpu.memref_slice %arg9[%select_n3A_530, %run_scoped3A_540, %dma_start3A_619] : memref<4x5x128xi32, #tpu.memory_space<vmem>> -> memref<1x1x128xi32, #tpu.memory_space<vmem>>
          %dma_start3A_621 = tpu.memref_squeeze %dma_start3A_620 : memref<1x1x128xi32, #tpu.memory_space<vmem>> -> memref<128xi32, #tpu.memory_space<vmem>>
          %dma_start3A_622 = tpu.memref_slice %arg3[%add3A_539] : memref<655360xi32, #tpu.memory_space<hbm>> -> memref<128xi32, #tpu.memory_space<hbm>>
          %dma_start3A_623 = arith.constant 0 : i32
          %dma_start3A_624 = tpu.memref_slice %arg9[%select_n3A_530, %run_scoped3A_540, %dma_start3A_623] : memref<4x5x128xi32, #tpu.memory_space<vmem>> -> memref<1x1x128xi32, #tpu.memory_space<vmem>>
          %dma_start3A_625 = tpu.memref_squeeze %dma_start3A_624 : memref<1x1x128xi32, #tpu.memory_space<vmem>> -> memref<128xi32, #tpu.memory_space<vmem>>
          %dma_start3A_626 = tpu.memref_slice %arg3[%add3A_539] : memref<655360xi32, #tpu.memory_space<hbm>> -> memref<128xi32, #tpu.memory_space<hbm>>
          tpu.enqueue_dma source(%dma_start3A_626 : memref<128xi32, #tpu.memory_space<hbm>>) target(%dma_start3A_625 : memref<128xi32, #tpu.memory_space<vmem>>) target_semaphore(%run_scoped3A_618 : memref<!tpu.dma_semaphore, #tpu.memory_space<semaphore_mem>>)
          %dma_wait3A_627 = arith.constant 0 : i32
          %dma_wait3A_628 = tpu.memref_slice %arg9[%select_n3A_530, %run_scoped3A_540, %dma_wait3A_627] : memref<4x5x128xi32, #tpu.memory_space<vmem>> -> memref<1x1x128xi32, #tpu.memory_space<vmem>>
          %dma_wait3A_629 = tpu.memref_squeeze %dma_wait3A_628 : memref<1x1x128xi32, #tpu.memory_space<vmem>> -> memref<128xi32, #tpu.memory_space<vmem>>
          %dma_wait3A_630 = tpu.memref_slice %arg3[%add3A_539] : memref<655360xi32, #tpu.memory_space<hbm>> -> memref<128xi32, #tpu.memory_space<hbm>>
          %dma_wait3A_631 = arith.constant 0 : i32
          %dma_wait3A_632 = tpu.memref_slice %arg9[%select_n3A_530, %run_scoped3A_540, %dma_wait3A_631] : memref<4x5x128xi32, #tpu.memory_space<vmem>> -> memref<1x1x128xi32, #tpu.memory_space<vmem>>
          %dma_wait3A_633 = tpu.memref_squeeze %dma_wait3A_632 : memref<1x1x128xi32, #tpu.memory_space<vmem>> -> memref<128xi32, #tpu.memory_space<vmem>>
          %dma_wait3A_634 = tpu.memref_slice %arg3[%add3A_539] : memref<655360xi32, #tpu.memory_space<hbm>> -> memref<128xi32, #tpu.memory_space<hbm>>
          tpu.wait_dma2 semaphore(%run_scoped3A_618 : memref<!tpu.dma_semaphore, #tpu.memory_space<semaphore_mem>>) src(%dma_wait3A_634 : memref<128xi32, #tpu.memory_space<hbm>>) dst(%dma_wait3A_633 : memref<128xi32, #tpu.memory_space<vmem>>)
          tpu.yield
        }) : () -> ()
        %add3A_541 = arith.constant 128 : i32
        %add3A_542 = arith.addi %add3A_537, %add3A_541 : i32
        %run_scoped3A_543 = arith.constant 1 : i32
        "tpu.region"() ({
          %run_scoped3A_618 = tpu.sem_alloc : memref<!tpu.dma_semaphore, #tpu.memory_space<semaphore_mem>>
          %dma_start3A_619 = arith.constant 0 : i32
          %dma_start3A_620 = tpu.memref_slice %arg9[%select_n3A_530, %run_scoped3A_543, %dma_start3A_619] : memref<4x5x128xi32, #tpu.memory_space<vmem>> -> memref<1x1x128xi32, #tpu.memory_space<vmem>>
          %dma_start3A_621 = tpu.memref_squeeze %dma_start3A_620 : memref<1x1x128xi32, #tpu.memory_space<vmem>> -> memref<128xi32, #tpu.memory_space<vmem>>
          %dma_start3A_622 = tpu.memref_slice %arg3[%add3A_542] : memref<655360xi32, #tpu.memory_space<hbm>> -> memref<128xi32, #tpu.memory_space<hbm>>
          %dma_start3A_623 = arith.constant 0 : i32
          %dma_start3A_624 = tpu.memref_slice %arg9[%select_n3A_530, %run_scoped3A_543, %dma_start3A_623] : memref<4x5x128xi32, #tpu.memory_space<vmem>> -> memref<1x1x128xi32, #tpu.memory_space<vmem>>
          %dma_start3A_625 = tpu.memref_squeeze %dma_start3A_624 : memref<1x1x128xi32, #tpu.memory_space<vmem>> -> memref<128xi32, #tpu.memory_space<vmem>>
          %dma_start3A_626 = tpu.memref_slice %arg3[%add3A_542] : memref<655360xi32, #tpu.memory_space<hbm>> -> memref<128xi32, #tpu.memory_space<hbm>>
          tpu.enqueue_dma source(%dma_start3A_626 : memref<128xi32, #tpu.memory_space<hbm>>) target(%dma_start3A_625 : memref<128xi32, #tpu.memory_space<vmem>>) target_semaphore(%run_scoped3A_618 : memref<!tpu.dma_semaphore, #tpu.memory_space<semaphore_mem>>)
          %dma_wait3A_627 = arith.constant 0 : i32
          %dma_wait3A_628 = tpu.memref_slice %arg9[%select_n3A_530, %run_scoped3A_543, %dma_wait3A_627] : memref<4x5x128xi32, #tpu.memory_space<vmem>> -> memref<1x1x128xi32, #tpu.memory_space<vmem>>
          %dma_wait3A_629 = tpu.memref_squeeze %dma_wait3A_628 : memref<1x1x128xi32, #tpu.memory_space<vmem>> -> memref<128xi32, #tpu.memory_space<vmem>>
          %dma_wait3A_630 = tpu.memref_slice %arg3[%add3A_542] : memref<655360xi32, #tpu.memory_space<hbm>> -> memref<128xi32, #tpu.memory_space<hbm>>
          %dma_wait3A_631 = arith.constant 0 : i32
          %dma_wait3A_632 = tpu.memref_slice %arg9[%select_n3A_530, %run_scoped3A_543, %dma_wait3A_631] : memref<4x5x128xi32, #tpu.memory_space<vmem>> -> memref<1x1x128xi32, #tpu.memory_space<vmem>>
          %dma_wait3A_633 = tpu.memref_squeeze %dma_wait3A_632 : memref<1x1x128xi32, #tpu.memory_space<vmem>> -> memref<128xi32, #tpu.memory_space<vmem>>
          %dma_wait3A_634 = tpu.memref_slice %arg3[%add3A_542] : memref<655360xi32, #tpu.memory_space<hbm>> -> memref<128xi32, #tpu.memory_space<hbm>>
          tpu.wait_dma2 semaphore(%run_scoped3A_618 : memref<!tpu.dma_semaphore, #tpu.memory_space<semaphore_mem>>) src(%dma_wait3A_634 : memref<128xi32, #tpu.memory_space<hbm>>) dst(%dma_wait3A_633 : memref<128xi32, #tpu.memory_space<vmem>>)
          tpu.yield
        }) : () -> ()
        %add3A_544 = arith.constant 256 : i32
        %add3A_545 = arith.addi %add3A_537, %add3A_544 : i32
        %run_scoped3A_546 = arith.constant 2 : i32
        "tpu.region"() ({
          %run_scoped3A_618 = tpu.sem_alloc : memref<!tpu.dma_semaphore, #tpu.memory_space<semaphore_mem>>
          %dma_start3A_619 = arith.constant 0 : i32
          %dma_start3A_620 = tpu.memref_slice %arg9[%select_n3A_530, %run_scoped3A_546, %dma_start3A_619] : memref<4x5x128xi32, #tpu.memory_space<vmem>> -> memref<1x1x128xi32, #tpu.memory_space<vmem>>
          %dma_start3A_621 = tpu.memref_squeeze %dma_start3A_620 : memref<1x1x128xi32, #tpu.memory_space<vmem>> -> memref<128xi32, #tpu.memory_space<vmem>>
          %dma_start3A_622 = tpu.memref_slice %arg3[%add3A_545] : memref<655360xi32, #tpu.memory_space<hbm>> -> memref<128xi32, #tpu.memory_space<hbm>>
          %dma_start3A_623 = arith.constant 0 : i32
          %dma_start3A_624 = tpu.memref_slice %arg9[%select_n3A_530, %run_scoped3A_546, %dma_start3A_623] : memref<4x5x128xi32, #tpu.memory_space<vmem>> -> memref<1x1x128xi32, #tpu.memory_space<vmem>>
          %dma_start3A_625 = tpu.memref_squeeze %dma_start3A_624 : memref<1x1x128xi32, #tpu.memory_space<vmem>> -> memref<128xi32, #tpu.memory_space<vmem>>
          %dma_start3A_626 = tpu.memref_slice %arg3[%add3A_545] : memref<655360xi32, #tpu.memory_space<hbm>> -> memref<128xi32, #tpu.memory_space<hbm>>
          tpu.enqueue_dma source(%dma_start3A_626 : memref<128xi32, #tpu.memory_space<hbm>>) target(%dma_start3A_625 : memref<128xi32, #tpu.memory_space<vmem>>) target_semaphore(%run_scoped3A_618 : memref<!tpu.dma_semaphore, #tpu.memory_space<semaphore_mem>>)
          %dma_wait3A_627 = arith.constant 0 : i32
          %dma_wait3A_628 = tpu.memref_slice %arg9[%select_n3A_530, %run_scoped3A_546, %dma_wait3A_627] : memref<4x5x128xi32, #tpu.memory_space<vmem>> -> memref<1x1x128xi32, #tpu.memory_space<vmem>>
          %dma_wait3A_629 = tpu.memref_squeeze %dma_wait3A_628 : memref<1x1x128xi32, #tpu.memory_space<vmem>> -> memref<128xi32, #tpu.memory_space<vmem>>
          %dma_wait3A_630 = tpu.memref_slice %arg3[%add3A_545] : memref<655360xi32, #tpu.memory_space<hbm>> -> memref<128xi32, #tpu.memory_space<hbm>>
          %dma_wait3A_631 = arith.constant 0 : i32
          %dma_wait3A_632 = tpu.memref_slice %arg9[%select_n3A_530, %run_scoped3A_546, %dma_wait3A_631] : memref<4x5x128xi32, #tpu.memory_space<vmem>> -> memref<1x1x128xi32, #tpu.memory_space<vmem>>
          %dma_wait3A_633 = tpu.memref_squeeze %dma_wait3A_632 : memref<1x1x128xi32, #tpu.memory_space<vmem>> -> memref<128xi32, #tpu.memory_space<vmem>>
          %dma_wait3A_634 = tpu.memref_slice %arg3[%add3A_545] : memref<655360xi32, #tpu.memory_space<hbm>> -> memref<128xi32, #tpu.memory_space<hbm>>
          tpu.wait_dma2 semaphore(%run_scoped3A_618 : memref<!tpu.dma_semaphore, #tpu.memory_space<semaphore_mem>>) src(%dma_wait3A_634 : memref<128xi32, #tpu.memory_space<hbm>>) dst(%dma_wait3A_633 : memref<128xi32, #tpu.memory_space<vmem>>)
          tpu.yield
        }) : () -> ()
        %add3A_547 = arith.constant 384 : i32
        %add3A_548 = arith.addi %add3A_537, %add3A_547 : i32
        %run_scoped3A_549 = arith.constant 3 : i32
        "tpu.region"() ({
          %run_scoped3A_618 = tpu.sem_alloc : memref<!tpu.dma_semaphore, #tpu.memory_space<semaphore_mem>>
          %dma_start3A_619 = arith.constant 0 : i32
          %dma_start3A_620 = tpu.memref_slice %arg9[%select_n3A_530, %run_scoped3A_549, %dma_start3A_619] : memref<4x5x128xi32, #tpu.memory_space<vmem>> -> memref<1x1x128xi32, #tpu.memory_space<vmem>>
          %dma_start3A_621 = tpu.memref_squeeze %dma_start3A_620 : memref<1x1x128xi32, #tpu.memory_space<vmem>> -> memref<128xi32, #tpu.memory_space<vmem>>
          %dma_start3A_622 = tpu.memref_slice %arg3[%add3A_548] : memref<655360xi32, #tpu.memory_space<hbm>> -> memref<128xi32, #tpu.memory_space<hbm>>
          %dma_start3A_623 = arith.constant 0 : i32
          %dma_start3A_624 = tpu.memref_slice %arg9[%select_n3A_530, %run_scoped3A_549, %dma_start3A_623] : memref<4x5x128xi32, #tpu.memory_space<vmem>> -> memref<1x1x128xi32, #tpu.memory_space<vmem>>
          %dma_start3A_625 = tpu.memref_squeeze %dma_start3A_624 : memref<1x1x128xi32, #tpu.memory_space<vmem>> -> memref<128xi32, #tpu.memory_space<vmem>>
          %dma_start3A_626 = tpu.memref_slice %arg3[%add3A_548] : memref<655360xi32, #tpu.memory_space<hbm>> -> memref<128xi32, #tpu.memory_space<hbm>>
          tpu.enqueue_dma source(%dma_start3A_626 : memref<128xi32, #tpu.memory_space<hbm>>) target(%dma_start3A_625 : memref<128xi32, #tpu.memory_space<vmem>>) target_semaphore(%run_scoped3A_618 : memref<!tpu.dma_semaphore, #tpu.memory_space<semaphore_mem>>)
          %dma_wait3A_627 = arith.constant 0 : i32
          %dma_wait3A_628 = tpu.memref_slice %arg9[%select_n3A_530, %run_scoped3A_549, %dma_wait3A_627] : memref<4x5x128xi32, #tpu.memory_space<vmem>> -> memref<1x1x128xi32, #tpu.memory_space<vmem>>
          %dma_wait3A_629 = tpu.memref_squeeze %dma_wait3A_628 : memref<1x1x128xi32, #tpu.memory_space<vmem>> -> memref<128xi32, #tpu.memory_space<vmem>>
          %dma_wait3A_630 = tpu.memref_slice %arg3[%add3A_548] : memref<655360xi32, #tpu.memory_space<hbm>> -> memref<128xi32, #tpu.memory_space<hbm>>
          %dma_wait3A_631 = arith.constant 0 : i32
          %dma_wait3A_632 = tpu.memref_slice %arg9[%select_n3A_530, %run_scoped3A_549, %dma_wait3A_631] : memref<4x5x128xi32, #tpu.memory_space<vmem>> -> memref<1x1x128xi32, #tpu.memory_space<vmem>>
          %dma_wait3A_633 = tpu.memref_squeeze %dma_wait3A_632 : memref<1x1x128xi32, #tpu.memory_space<vmem>> -> memref<128xi32, #tpu.memory_space<vmem>>
          %dma_wait3A_634 = tpu.memref_slice %arg3[%add3A_548] : memref<655360xi32, #tpu.memory_space<hbm>> -> memref<128xi32, #tpu.memory_space<hbm>>
          tpu.wait_dma2 semaphore(%run_scoped3A_618 : memref<!tpu.dma_semaphore, #tpu.memory_space<semaphore_mem>>) src(%dma_wait3A_634 : memref<128xi32, #tpu.memory_space<hbm>>) dst(%dma_wait3A_633 : memref<128xi32, #tpu.memory_space<vmem>>)
          tpu.yield
        }) : () -> ()
        %add3A_550 = arith.constant 512 : i32
        %add3A_551 = arith.addi %add3A_537, %add3A_550 : i32
        %run_scoped3A_552 = arith.constant 4 : i32
        "tpu.region"() ({
          %run_scoped3A_618 = tpu.sem_alloc : memref<!tpu.dma_semaphore, #tpu.memory_space<semaphore_mem>>
          %dma_start3A_619 = arith.constant 0 : i32
          %dma_start3A_620 = tpu.memref_slice %arg9[%select_n3A_530, %run_scoped3A_552, %dma_start3A_619] : memref<4x5x128xi32, #tpu.memory_space<vmem>> -> memref<1x1x128xi32, #tpu.memory_space<vmem>>
          %dma_start3A_621 = tpu.memref_squeeze %dma_start3A_620 : memref<1x1x128xi32, #tpu.memory_space<vmem>> -> memref<128xi32, #tpu.memory_space<vmem>>
          %dma_start3A_622 = tpu.memref_slice %arg3[%add3A_551] : memref<655360xi32, #tpu.memory_space<hbm>> -> memref<128xi32, #tpu.memory_space<hbm>>
          %dma_start3A_623 = arith.constant 0 : i32
          %dma_start3A_624 = tpu.memref_slice %arg9[%select_n3A_530, %run_scoped3A_552, %dma_start3A_623] : memref<4x5x128xi32, #tpu.memory_space<vmem>> -> memref<1x1x128xi32, #tpu.memory_space<vmem>>
          %dma_start3A_625 = tpu.memref_squeeze %dma_start3A_624 : memref<1x1x128xi32, #tpu.memory_space<vmem>> -> memref<128xi32, #tpu.memory_space<vmem>>
          %dma_start3A_626 = tpu.memref_slice %arg3[%add3A_551] : memref<655360xi32, #tpu.memory_space<hbm>> -> memref<128xi32, #tpu.memory_space<hbm>>
          tpu.enqueue_dma source(%dma_start3A_626 : memref<128xi32, #tpu.memory_space<hbm>>) target(%dma_start3A_625 : memref<128xi32, #tpu.memory_space<vmem>>) target_semaphore(%run_scoped3A_618 : memref<!tpu.dma_semaphore, #tpu.memory_space<semaphore_mem>>)
          %dma_wait3A_627 = arith.constant 0 : i32
          %dma_wait3A_628 = tpu.memref_slice %arg9[%select_n3A_530, %run_scoped3A_552, %dma_wait3A_627] : memref<4x5x128xi32, #tpu.memory_space<vmem>> -> memref<1x1x128xi32, #tpu.memory_space<vmem>>
          %dma_wait3A_629 = tpu.memref_squeeze %dma_wait3A_628 : memref<1x1x128xi32, #tpu.memory_space<vmem>> -> memref<128xi32, #tpu.memory_space<vmem>>
          %dma_wait3A_630 = tpu.memref_slice %arg3[%add3A_551] : memref<655360xi32, #tpu.memory_space<hbm>> -> memref<128xi32, #tpu.memory_space<hbm>>
          %dma_wait3A_631 = arith.constant 0 : i32
          %dma_wait3A_632 = tpu.memref_slice %arg9[%select_n3A_530, %run_scoped3A_552, %dma_wait3A_631] : memref<4x5x128xi32, #tpu.memory_space<vmem>> -> memref<1x1x128xi32, #tpu.memory_space<vmem>>
          %dma_wait3A_633 = tpu.memref_squeeze %dma_wait3A_632 : memref<1x1x128xi32, #tpu.memory_space<vmem>> -> memref<128xi32, #tpu.memory_space<vmem>>
          %dma_wait3A_634 = tpu.memref_slice %arg3[%add3A_551] : memref<655360xi32, #tpu.memory_space<hbm>> -> memref<128xi32, #tpu.memory_space<hbm>>
          tpu.wait_dma2 semaphore(%run_scoped3A_618 : memref<!tpu.dma_semaphore, #tpu.memory_space<semaphore_mem>>) src(%dma_wait3A_634 : memref<128xi32, #tpu.memory_space<hbm>>) dst(%dma_wait3A_633 : memref<128xi32, #tpu.memory_space<vmem>>)
          tpu.yield
        }) : () -> ()
        "tpu.region"() ({
          %run_scoped3A_618 = tpu.sem_alloc : memref<!tpu.dma_semaphore, #tpu.memory_space<semaphore_mem>>
          %dma_start3A_619 = arith.constant 0 : i32
          %dma_start3A_620 = tpu.memref_slice %arg10[%select_n3A_530, %dma_start3A_619] : memref<4x640xf32, #tpu.memory_space<vmem>> -> memref<1x640xf32, #tpu.memory_space<vmem>>
          %dma_start3A_621 = tpu.memref_squeeze %dma_start3A_620 : memref<1x640xf32, #tpu.memory_space<vmem>> -> memref<640xf32, #tpu.memory_space<vmem>>
          %dma_start3A_622 = tpu.memref_slice %arg4[%add3A_537] : memref<655360xf32, #tpu.memory_space<hbm>> -> memref<640xf32, #tpu.memory_space<hbm>>
          %dma_start3A_623 = arith.constant 0 : i32
          %dma_start3A_624 = tpu.memref_slice %arg10[%select_n3A_530, %dma_start3A_623] : memref<4x640xf32, #tpu.memory_space<vmem>> -> memref<1x640xf32, #tpu.memory_space<vmem>>
          %dma_start3A_625 = tpu.memref_squeeze %dma_start3A_624 : memref<1x640xf32, #tpu.memory_space<vmem>> -> memref<640xf32, #tpu.memory_space<vmem>>
          %dma_start3A_626 = tpu.memref_slice %arg4[%add3A_537] : memref<655360xf32, #tpu.memory_space<hbm>> -> memref<640xf32, #tpu.memory_space<hbm>>
          tpu.enqueue_dma source(%dma_start3A_626 : memref<640xf32, #tpu.memory_space<hbm>>) target(%dma_start3A_625 : memref<640xf32, #tpu.memory_space<vmem>>) target_semaphore(%run_scoped3A_618 : memref<!tpu.dma_semaphore, #tpu.memory_space<semaphore_mem>>)
          %dma_wait3A_627 = arith.constant 0 : i32
          %dma_wait3A_628 = tpu.memref_slice %arg10[%select_n3A_530, %dma_wait3A_627] : memref<4x640xf32, #tpu.memory_space<vmem>> -> memref<1x640xf32, #tpu.memory_space<vmem>>
          %dma_wait3A_629 = tpu.memref_squeeze %dma_wait3A_628 : memref<1x640xf32, #tpu.memory_space<vmem>> -> memref<640xf32, #tpu.memory_space<vmem>>
          %dma_wait3A_630 = tpu.memref_slice %arg4[%add3A_537] : memref<655360xf32, #tpu.memory_space<hbm>> -> memref<640xf32, #tpu.memory_space<hbm>>
          %dma_wait3A_631 = arith.constant 0 : i32
          %dma_wait3A_632 = tpu.memref_slice %arg10[%select_n3A_530, %dma_wait3A_631] : memref<4x640xf32, #tpu.memory_space<vmem>> -> memref<1x640xf32, #tpu.memory_space<vmem>>
          %dma_wait3A_633 = tpu.memref_squeeze %dma_wait3A_632 : memref<1x640xf32, #tpu.memory_space<vmem>> -> memref<640xf32, #tpu.memory_space<vmem>>
          %dma_wait3A_634 = tpu.memref_slice %arg4[%add3A_537] : memref<655360xf32, #tpu.memory_space<hbm>> -> memref<640xf32, #tpu.memory_space<hbm>>
          tpu.wait_dma2 semaphore(%run_scoped3A_618 : memref<!tpu.dma_semaphore, #tpu.memory_space<semaphore_mem>>) src(%dma_wait3A_634 : memref<640xf32, #tpu.memory_space<hbm>>) dst(%dma_wait3A_633 : memref<640xf32, #tpu.memory_space<vmem>>)
          tpu.yield
        }) : () -> ()
        %dma_start3A_553 = arith.constant 0 : i32
        %dma_start3A_554 = arith.constant 0 : i32
        %dma_start3A_555 = arith.constant 0 : i32
        %dma_start3A_556 = tpu.memref_slice %arg11[%select_n3A_530, %dma_start3A_554, %dma_start3A_555] : memref<4x640x32xf32, #tpu.memory_space<vmem>> -> memref<1x128x32xf32, #tpu.memory_space<vmem>>
        %dma_start3A_557 = tpu.memref_squeeze %dma_start3A_556 : memref<1x128x32xf32, #tpu.memory_space<vmem>> -> memref<128x32xf32, #tpu.memory_space<vmem>>
        %dma_start3A_558 = arith.constant 0 : i32
        %dma_start3A_559 = tpu.memref_slice %arg9[%select_n3A_530, %dma_start3A_553, %dma_start3A_558] : memref<4x5x128xi32, #tpu.memory_space<vmem>> -> memref<1x1x128xi32, #tpu.memory_space<vmem>>
        %dma_start3A_560 = tpu.memref_squeeze %dma_start3A_559 : memref<1x1x128xi32, #tpu.memory_space<vmem>> -> memref<128xi32, #tpu.memory_space<vmem>>
        %dma_start3A_561 = arith.constant 0 : i32
        %dma_start3A_562 = arith.constant 0 : i32
        %dma_start3A_563 = tpu.memref_slice %arg2[%dma_start3A_561, %dma_start3A_562] : memref<100000x32xf32, #tpu.memory_space<hbm>> -> memref<100000x32xf32, #tpu.memory_space<hbm>>
        %dma_start3A_564 = tpu.memref_slice %arg14[%select_n3A_530] : memref<4x!tpu.dma_semaphore, #tpu.memory_space<semaphore_mem>> -> memref<1x!tpu.dma_semaphore, #tpu.memory_space<semaphore_mem>>
        %dma_start3A_565 = tpu.memref_squeeze %dma_start3A_564 : memref<1x!tpu.dma_semaphore, #tpu.memory_space<semaphore_mem>> -> memref<!tpu.dma_semaphore, #tpu.memory_space<semaphore_mem>>
        tpu.enqueue_indirect_dma source(%dma_start3A_563 : memref<100000x32xf32, #tpu.memory_space<hbm>>) target(%dma_start3A_557 : memref<128x32xf32, #tpu.memory_space<vmem>>) offsets(%dma_start3A_560 : memref<128xi32, #tpu.memory_space<vmem>>) semaphore(%dma_start3A_565 : memref<!tpu.dma_semaphore, #tpu.memory_space<semaphore_mem>>)
        %dma_start3A_566 = arith.constant 1 : i32
        %dma_start3A_567 = arith.constant 128 : i32
        %dma_start3A_568 = arith.constant 0 : i32
        %dma_start3A_569 = tpu.memref_slice %arg11[%select_n3A_530, %dma_start3A_567, %dma_start3A_568] : memref<4x640x32xf32, #tpu.memory_space<vmem>> -> memref<1x128x32xf32, #tpu.memory_space<vmem>>
        %dma_start3A_570 = tpu.memref_squeeze %dma_start3A_569 : memref<1x128x32xf32, #tpu.memory_space<vmem>> -> memref<128x32xf32, #tpu.memory_space<vmem>>
        %dma_start3A_571 = arith.constant 0 : i32
        %dma_start3A_572 = tpu.memref_slice %arg9[%select_n3A_530, %dma_start3A_566, %dma_start3A_571] : memref<4x5x128xi32, #tpu.memory_space<vmem>> -> memref<1x1x128xi32, #tpu.memory_space<vmem>>
        %dma_start3A_573 = tpu.memref_squeeze %dma_start3A_572 : memref<1x1x128xi32, #tpu.memory_space<vmem>> -> memref<128xi32, #tpu.memory_space<vmem>>
        %dma_start3A_574 = arith.constant 0 : i32
        %dma_start3A_575 = arith.constant 0 : i32
        %dma_start3A_576 = tpu.memref_slice %arg2[%dma_start3A_574, %dma_start3A_575] : memref<100000x32xf32, #tpu.memory_space<hbm>> -> memref<100000x32xf32, #tpu.memory_space<hbm>>
        %dma_start3A_577 = tpu.memref_slice %arg14[%select_n3A_530] : memref<4x!tpu.dma_semaphore, #tpu.memory_space<semaphore_mem>> -> memref<1x!tpu.dma_semaphore, #tpu.memory_space<semaphore_mem>>
        %dma_start3A_578 = tpu.memref_squeeze %dma_start3A_577 : memref<1x!tpu.dma_semaphore, #tpu.memory_space<semaphore_mem>> -> memref<!tpu.dma_semaphore, #tpu.memory_space<semaphore_mem>>
        tpu.enqueue_indirect_dma source(%dma_start3A_576 : memref<100000x32xf32, #tpu.memory_space<hbm>>) target(%dma_start3A_570 : memref<128x32xf32, #tpu.memory_space<vmem>>) offsets(%dma_start3A_573 : memref<128xi32, #tpu.memory_space<vmem>>) semaphore(%dma_start3A_578 : memref<!tpu.dma_semaphore, #tpu.memory_space<semaphore_mem>>)
        %dma_start3A_579 = arith.constant 2 : i32
        %dma_start3A_580 = arith.constant 256 : i32
        %dma_start3A_581 = arith.constant 0 : i32
        %dma_start3A_582 = tpu.memref_slice %arg11[%select_n3A_530, %dma_start3A_580, %dma_start3A_581] : memref<4x640x32xf32, #tpu.memory_space<vmem>> -> memref<1x128x32xf32, #tpu.memory_space<vmem>>
        %dma_start3A_583 = tpu.memref_squeeze %dma_start3A_582 : memref<1x128x32xf32, #tpu.memory_space<vmem>> -> memref<128x32xf32, #tpu.memory_space<vmem>>
        %dma_start3A_584 = arith.constant 0 : i32
        %dma_start3A_585 = tpu.memref_slice %arg9[%select_n3A_530, %dma_start3A_579, %dma_start3A_584] : memref<4x5x128xi32, #tpu.memory_space<vmem>> -> memref<1x1x128xi32, #tpu.memory_space<vmem>>
        %dma_start3A_586 = tpu.memref_squeeze %dma_start3A_585 : memref<1x1x128xi32, #tpu.memory_space<vmem>> -> memref<128xi32, #tpu.memory_space<vmem>>
        %dma_start3A_587 = arith.constant 0 : i32
        %dma_start3A_588 = arith.constant 0 : i32
        %dma_start3A_589 = tpu.memref_slice %arg2[%dma_start3A_587, %dma_start3A_588] : memref<100000x32xf32, #tpu.memory_space<hbm>> -> memref<100000x32xf32, #tpu.memory_space<hbm>>
        %dma_start3A_590 = tpu.memref_slice %arg14[%select_n3A_530] : memref<4x!tpu.dma_semaphore, #tpu.memory_space<semaphore_mem>> -> memref<1x!tpu.dma_semaphore, #tpu.memory_space<semaphore_mem>>
        %dma_start3A_591 = tpu.memref_squeeze %dma_start3A_590 : memref<1x!tpu.dma_semaphore, #tpu.memory_space<semaphore_mem>> -> memref<!tpu.dma_semaphore, #tpu.memory_space<semaphore_mem>>
        tpu.enqueue_indirect_dma source(%dma_start3A_589 : memref<100000x32xf32, #tpu.memory_space<hbm>>) target(%dma_start3A_583 : memref<128x32xf32, #tpu.memory_space<vmem>>) offsets(%dma_start3A_586 : memref<128xi32, #tpu.memory_space<vmem>>) semaphore(%dma_start3A_591 : memref<!tpu.dma_semaphore, #tpu.memory_space<semaphore_mem>>)
        %dma_start3A_592 = arith.constant 3 : i32
        %dma_start3A_593 = arith.constant 384 : i32
        %dma_start3A_594 = arith.constant 0 : i32
        %dma_start3A_595 = tpu.memref_slice %arg11[%select_n3A_530, %dma_start3A_593, %dma_start3A_594] : memref<4x640x32xf32, #tpu.memory_space<vmem>> -> memref<1x128x32xf32, #tpu.memory_space<vmem>>
        %dma_start3A_596 = tpu.memref_squeeze %dma_start3A_595 : memref<1x128x32xf32, #tpu.memory_space<vmem>> -> memref<128x32xf32, #tpu.memory_space<vmem>>
        %dma_start3A_597 = arith.constant 0 : i32
        %dma_start3A_598 = tpu.memref_slice %arg9[%select_n3A_530, %dma_start3A_592, %dma_start3A_597] : memref<4x5x128xi32, #tpu.memory_space<vmem>> -> memref<1x1x128xi32, #tpu.memory_space<vmem>>
        %dma_start3A_599 = tpu.memref_squeeze %dma_start3A_598 : memref<1x1x128xi32, #tpu.memory_space<vmem>> -> memref<128xi32, #tpu.memory_space<vmem>>
        %dma_start3A_600 = arith.constant 0 : i32
        %dma_start3A_601 = arith.constant 0 : i32
        %dma_start3A_602 = tpu.memref_slice %arg2[%dma_start3A_600, %dma_start3A_601] : memref<100000x32xf32, #tpu.memory_space<hbm>> -> memref<100000x32xf32, #tpu.memory_space<hbm>>
        %dma_start3A_603 = tpu.memref_slice %arg14[%select_n3A_530] : memref<4x!tpu.dma_semaphore, #tpu.memory_space<semaphore_mem>> -> memref<1x!tpu.dma_semaphore, #tpu.memory_space<semaphore_mem>>
        %dma_start3A_604 = tpu.memref_squeeze %dma_start3A_603 : memref<1x!tpu.dma_semaphore, #tpu.memory_space<semaphore_mem>> -> memref<!tpu.dma_semaphore, #tpu.memory_space<semaphore_mem>>
        tpu.enqueue_indirect_dma source(%dma_start3A_602 : memref<100000x32xf32, #tpu.memory_space<hbm>>) target(%dma_start3A_596 : memref<128x32xf32, #tpu.memory_space<vmem>>) offsets(%dma_start3A_599 : memref<128xi32, #tpu.memory_space<vmem>>) semaphore(%dma_start3A_604 : memref<!tpu.dma_semaphore, #tpu.memory_space<semaphore_mem>>)
        %dma_start3A_605 = arith.constant 4 : i32
        %dma_start3A_606 = arith.constant 512 : i32
        %dma_start3A_607 = arith.constant 0 : i32
        %dma_start3A_608 = tpu.memref_slice %arg11[%select_n3A_530, %dma_start3A_606, %dma_start3A_607] : memref<4x640x32xf32, #tpu.memory_space<vmem>> -> memref<1x128x32xf32, #tpu.memory_space<vmem>>
        %dma_start3A_609 = tpu.memref_squeeze %dma_start3A_608 : memref<1x128x32xf32, #tpu.memory_space<vmem>> -> memref<128x32xf32, #tpu.memory_space<vmem>>
        %dma_start3A_610 = arith.constant 0 : i32
        %dma_start3A_611 = tpu.memref_slice %arg9[%select_n3A_530, %dma_start3A_605, %dma_start3A_610] : memref<4x5x128xi32, #tpu.memory_space<vmem>> -> memref<1x1x128xi32, #tpu.memory_space<vmem>>
        %dma_start3A_612 = tpu.memref_squeeze %dma_start3A_611 : memref<1x1x128xi32, #tpu.memory_space<vmem>> -> memref<128xi32, #tpu.memory_space<vmem>>
        %dma_start3A_613 = arith.constant 0 : i32
        %dma_start3A_614 = arith.constant 0 : i32
        %dma_start3A_615 = tpu.memref_slice %arg2[%dma_start3A_613, %dma_start3A_614] : memref<100000x32xf32, #tpu.memory_space<hbm>> -> memref<100000x32xf32, #tpu.memory_space<hbm>>
        %dma_start3A_616 = tpu.memref_slice %arg14[%select_n3A_530] : memref<4x!tpu.dma_semaphore, #tpu.memory_space<semaphore_mem>> -> memref<1x!tpu.dma_semaphore, #tpu.memory_space<semaphore_mem>>
        %dma_start3A_617 = tpu.memref_squeeze %dma_start3A_616 : memref<1x!tpu.dma_semaphore, #tpu.memory_space<semaphore_mem>> -> memref<!tpu.dma_semaphore, #tpu.memory_space<semaphore_mem>>
        tpu.enqueue_indirect_dma source(%dma_start3A_615 : memref<100000x32xf32, #tpu.memory_space<hbm>>) target(%dma_start3A_609 : memref<128x32xf32, #tpu.memory_space<vmem>>) offsets(%dma_start3A_612 : memref<128xi32, #tpu.memory_space<vmem>>) semaphore(%dma_start3A_617 : memref<!tpu.dma_semaphore, #tpu.memory_space<semaphore_mem>>)
      } else {
      }
      %jit3A_409 = arith.constant 4 : i32
      %eq3A_410 = arith.constant 0 : i32
      %eq3A_411 = arith.cmpi eq, %jit3A_409, %eq3A_410 : i32
      %jit3A_412 = arith.constant 1 : i32
      %select_n3A_413 = arith.select %eq3A_411, %jit3A_412, %jit3A_409 : i32
      %rem3A = arith.remsi %while3A_404, %select_n3A_413 : i32
      %ne3A = arith.constant 0 : i32
      %ne3A_414 = arith.cmpi ne, %rem3A, %ne3A : i32
      %lt3A_415 = arith.constant 0 : i32
      %lt3A_416 = arith.cmpi slt, %rem3A, %lt3A_415 : i32
      %lt3A_417 = arith.constant 0 : i32
      %lt3A_418 = arith.cmpi slt, %select_n3A_413, %lt3A_417 : i32
      %ne3A_419 = arith.xori %lt3A_416, %lt3A_418 : i1
      %and3A = arith.andi %ne3A_419, %ne3A_414 : i1
      %add3A_420 = arith.addi %rem3A, %select_n3A_413 : i32
      %select_n3A_421 = arith.select %and3A, %add3A_420, %rem3A : i32
      %dma_wait3A_422 = arith.constant 0 : i32
      %dma_wait3A_423 = arith.constant 0 : i32
      %dma_wait3A_424 = arith.constant 0 : i32
      %dma_wait3A_425 = tpu.memref_slice %arg11[%select_n3A_421, %dma_wait3A_423, %dma_wait3A_424] : memref<4x640x32xf32, #tpu.memory_space<vmem>> -> memref<1x128x32xf32, #tpu.memory_space<vmem>>
      %dma_wait3A_426 = tpu.memref_squeeze %dma_wait3A_425 : memref<1x128x32xf32, #tpu.memory_space<vmem>> -> memref<128x32xf32, #tpu.memory_space<vmem>>
      %dma_wait3A_427 = arith.constant 0 : i32
      %dma_wait3A_428 = tpu.memref_slice %arg9[%select_n3A_421, %dma_wait3A_422, %dma_wait3A_427] : memref<4x5x128xi32, #tpu.memory_space<vmem>> -> memref<1x1x128xi32, #tpu.memory_space<vmem>>
      %dma_wait3A_429 = tpu.memref_squeeze %dma_wait3A_428 : memref<1x1x128xi32, #tpu.memory_space<vmem>> -> memref<128xi32, #tpu.memory_space<vmem>>
      %dma_wait3A_430 = arith.constant 0 : i32
      %dma_wait3A_431 = arith.constant 0 : i32
      %dma_wait3A_432 = tpu.memref_slice %arg2[%dma_wait3A_430, %dma_wait3A_431] : memref<100000x32xf32, #tpu.memory_space<hbm>> -> memref<100000x32xf32, #tpu.memory_space<hbm>>
      %dma_wait3A_433 = tpu.memref_slice %arg14[%select_n3A_421] : memref<4x!tpu.dma_semaphore, #tpu.memory_space<semaphore_mem>> -> memref<1x!tpu.dma_semaphore, #tpu.memory_space<semaphore_mem>>
      %dma_wait3A_434 = tpu.memref_squeeze %dma_wait3A_433 : memref<1x!tpu.dma_semaphore, #tpu.memory_space<semaphore_mem>> -> memref<!tpu.dma_semaphore, #tpu.memory_space<semaphore_mem>>
      tpu.wait_indirect_dma semaphore(%dma_wait3A_434 : memref<!tpu.dma_semaphore, #tpu.memory_space<semaphore_mem>>) src(%dma_wait3A_432 : memref<100000x32xf32, #tpu.memory_space<hbm>>) dst(%dma_wait3A_426 : memref<128x32xf32, #tpu.memory_space<vmem>>)
      %dma_wait3A_435 = arith.constant 1 : i32
      %dma_wait3A_436 = arith.constant 128 : i32
      %dma_wait3A_437 = arith.constant 0 : i32
      %dma_wait3A_438 = tpu.memref_slice %arg11[%select_n3A_421, %dma_wait3A_436, %dma_wait3A_437] : memref<4x640x32xf32, #tpu.memory_space<vmem>> -> memref<1x128x32xf32, #tpu.memory_space<vmem>>
      %dma_wait3A_439 = tpu.memref_squeeze %dma_wait3A_438 : memref<1x128x32xf32, #tpu.memory_space<vmem>> -> memref<128x32xf32, #tpu.memory_space<vmem>>
      %dma_wait3A_440 = arith.constant 0 : i32
      %dma_wait3A_441 = tpu.memref_slice %arg9[%select_n3A_421, %dma_wait3A_435, %dma_wait3A_440] : memref<4x5x128xi32, #tpu.memory_space<vmem>> -> memref<1x1x128xi32, #tpu.memory_space<vmem>>
      %dma_wait3A_442 = tpu.memref_squeeze %dma_wait3A_441 : memref<1x1x128xi32, #tpu.memory_space<vmem>> -> memref<128xi32, #tpu.memory_space<vmem>>
      %dma_wait3A_443 = arith.constant 0 : i32
      %dma_wait3A_444 = arith.constant 0 : i32
      %dma_wait3A_445 = tpu.memref_slice %arg2[%dma_wait3A_443, %dma_wait3A_444] : memref<100000x32xf32, #tpu.memory_space<hbm>> -> memref<100000x32xf32, #tpu.memory_space<hbm>>
      %dma_wait3A_446 = tpu.memref_slice %arg14[%select_n3A_421] : memref<4x!tpu.dma_semaphore, #tpu.memory_space<semaphore_mem>> -> memref<1x!tpu.dma_semaphore, #tpu.memory_space<semaphore_mem>>
      %dma_wait3A_447 = tpu.memref_squeeze %dma_wait3A_446 : memref<1x!tpu.dma_semaphore, #tpu.memory_space<semaphore_mem>> -> memref<!tpu.dma_semaphore, #tpu.memory_space<semaphore_mem>>
      tpu.wait_indirect_dma semaphore(%dma_wait3A_447 : memref<!tpu.dma_semaphore, #tpu.memory_space<semaphore_mem>>) src(%dma_wait3A_445 : memref<100000x32xf32, #tpu.memory_space<hbm>>) dst(%dma_wait3A_439 : memref<128x32xf32, #tpu.memory_space<vmem>>)
      %dma_wait3A_448 = arith.constant 2 : i32
      %dma_wait3A_449 = arith.constant 256 : i32
      %dma_wait3A_450 = arith.constant 0 : i32
      %dma_wait3A_451 = tpu.memref_slice %arg11[%select_n3A_421, %dma_wait3A_449, %dma_wait3A_450] : memref<4x640x32xf32, #tpu.memory_space<vmem>> -> memref<1x128x32xf32, #tpu.memory_space<vmem>>
      %dma_wait3A_452 = tpu.memref_squeeze %dma_wait3A_451 : memref<1x128x32xf32, #tpu.memory_space<vmem>> -> memref<128x32xf32, #tpu.memory_space<vmem>>
      %dma_wait3A_453 = arith.constant 0 : i32
      %dma_wait3A_454 = tpu.memref_slice %arg9[%select_n3A_421, %dma_wait3A_448, %dma_wait3A_453] : memref<4x5x128xi32, #tpu.memory_space<vmem>> -> memref<1x1x128xi32, #tpu.memory_space<vmem>>
      %dma_wait3A_455 = tpu.memref_squeeze %dma_wait3A_454 : memref<1x1x128xi32, #tpu.memory_space<vmem>> -> memref<128xi32, #tpu.memory_space<vmem>>
      %dma_wait3A_456 = arith.constant 0 : i32
      %dma_wait3A_457 = arith.constant 0 : i32
      %dma_wait3A_458 = tpu.memref_slice %arg2[%dma_wait3A_456, %dma_wait3A_457] : memref<100000x32xf32, #tpu.memory_space<hbm>> -> memref<100000x32xf32, #tpu.memory_space<hbm>>
      %dma_wait3A_459 = tpu.memref_slice %arg14[%select_n3A_421] : memref<4x!tpu.dma_semaphore, #tpu.memory_space<semaphore_mem>> -> memref<1x!tpu.dma_semaphore, #tpu.memory_space<semaphore_mem>>
      %dma_wait3A_460 = tpu.memref_squeeze %dma_wait3A_459 : memref<1x!tpu.dma_semaphore, #tpu.memory_space<semaphore_mem>> -> memref<!tpu.dma_semaphore, #tpu.memory_space<semaphore_mem>>
      tpu.wait_indirect_dma semaphore(%dma_wait3A_460 : memref<!tpu.dma_semaphore, #tpu.memory_space<semaphore_mem>>) src(%dma_wait3A_458 : memref<100000x32xf32, #tpu.memory_space<hbm>>) dst(%dma_wait3A_452 : memref<128x32xf32, #tpu.memory_space<vmem>>)
      %dma_wait3A_461 = arith.constant 3 : i32
      %dma_wait3A_462 = arith.constant 384 : i32
      %dma_wait3A_463 = arith.constant 0 : i32
      %dma_wait3A_464 = tpu.memref_slice %arg11[%select_n3A_421, %dma_wait3A_462, %dma_wait3A_463] : memref<4x640x32xf32, #tpu.memory_space<vmem>> -> memref<1x128x32xf32, #tpu.memory_space<vmem>>
      %dma_wait3A_465 = tpu.memref_squeeze %dma_wait3A_464 : memref<1x128x32xf32, #tpu.memory_space<vmem>> -> memref<128x32xf32, #tpu.memory_space<vmem>>
      %dma_wait3A_466 = arith.constant 0 : i32
      %dma_wait3A_467 = tpu.memref_slice %arg9[%select_n3A_421, %dma_wait3A_461, %dma_wait3A_466] : memref<4x5x128xi32, #tpu.memory_space<vmem>> -> memref<1x1x128xi32, #tpu.memory_space<vmem>>
      %dma_wait3A_468 = tpu.memref_squeeze %dma_wait3A_467 : memref<1x1x128xi32, #tpu.memory_space<vmem>> -> memref<128xi32, #tpu.memory_space<vmem>>
      %dma_wait3A_469 = arith.constant 0 : i32
      %dma_wait3A_470 = arith.constant 0 : i32
      %dma_wait3A_471 = tpu.memref_slice %arg2[%dma_wait3A_469, %dma_wait3A_470] : memref<100000x32xf32, #tpu.memory_space<hbm>> -> memref<100000x32xf32, #tpu.memory_space<hbm>>
      %dma_wait3A_472 = tpu.memref_slice %arg14[%select_n3A_421] : memref<4x!tpu.dma_semaphore, #tpu.memory_space<semaphore_mem>> -> memref<1x!tpu.dma_semaphore, #tpu.memory_space<semaphore_mem>>
      %dma_wait3A_473 = tpu.memref_squeeze %dma_wait3A_472 : memref<1x!tpu.dma_semaphore, #tpu.memory_space<semaphore_mem>> -> memref<!tpu.dma_semaphore, #tpu.memory_space<semaphore_mem>>
      tpu.wait_indirect_dma semaphore(%dma_wait3A_473 : memref<!tpu.dma_semaphore, #tpu.memory_space<semaphore_mem>>) src(%dma_wait3A_471 : memref<100000x32xf32, #tpu.memory_space<hbm>>) dst(%dma_wait3A_465 : memref<128x32xf32, #tpu.memory_space<vmem>>)
      %dma_wait3A_474 = arith.constant 4 : i32
      %dma_wait3A_475 = arith.constant 512 : i32
      %dma_wait3A_476 = arith.constant 0 : i32
      %dma_wait3A_477 = tpu.memref_slice %arg11[%select_n3A_421, %dma_wait3A_475, %dma_wait3A_476] : memref<4x640x32xf32, #tpu.memory_space<vmem>> -> memref<1x128x32xf32, #tpu.memory_space<vmem>>
      %dma_wait3A_478 = tpu.memref_squeeze %dma_wait3A_477 : memref<1x128x32xf32, #tpu.memory_space<vmem>> -> memref<128x32xf32, #tpu.memory_space<vmem>>
      %dma_wait3A_479 = arith.constant 0 : i32
      %dma_wait3A_480 = tpu.memref_slice %arg9[%select_n3A_421, %dma_wait3A_474, %dma_wait3A_479] : memref<4x5x128xi32, #tpu.memory_space<vmem>> -> memref<1x1x128xi32, #tpu.memory_space<vmem>>
      %dma_wait3A_481 = tpu.memref_squeeze %dma_wait3A_480 : memref<1x1x128xi32, #tpu.memory_space<vmem>> -> memref<128xi32, #tpu.memory_space<vmem>>
      %dma_wait3A_482 = arith.constant 0 : i32
      %dma_wait3A_483 = arith.constant 0 : i32
      %dma_wait3A_484 = tpu.memref_slice %arg2[%dma_wait3A_482, %dma_wait3A_483] : memref<100000x32xf32, #tpu.memory_space<hbm>> -> memref<100000x32xf32, #tpu.memory_space<hbm>>
      %dma_wait3A_485 = tpu.memref_slice %arg14[%select_n3A_421] : memref<4x!tpu.dma_semaphore, #tpu.memory_space<semaphore_mem>> -> memref<1x!tpu.dma_semaphore, #tpu.memory_space<semaphore_mem>>
      %dma_wait3A_486 = tpu.memref_squeeze %dma_wait3A_485 : memref<1x!tpu.dma_semaphore, #tpu.memory_space<semaphore_mem>> -> memref<!tpu.dma_semaphore, #tpu.memory_space<semaphore_mem>>
      tpu.wait_indirect_dma semaphore(%dma_wait3A_486 : memref<!tpu.dma_semaphore, #tpu.memory_space<semaphore_mem>>) src(%dma_wait3A_484 : memref<100000x32xf32, #tpu.memory_space<hbm>>) dst(%dma_wait3A_478 : memref<128x32xf32, #tpu.memory_space<vmem>>)
      %jit3A_487 = arith.constant 4 : i32
      %eq3A_488 = arith.constant 0 : i32
      %eq3A_489 = arith.cmpi eq, %jit3A_487, %eq3A_488 : i32
      %jit3A_490 = arith.constant 1 : i32
      %select_n3A_491 = arith.select %eq3A_489, %jit3A_490, %jit3A_487 : i32
      %rem3A_492 = arith.remsi %while3A_404, %select_n3A_491 : i32
      %ne3A_493 = arith.constant 0 : i32
      %ne3A_494 = arith.cmpi ne, %rem3A_492, %ne3A_493 : i32
      %lt3A_495 = arith.constant 0 : i32
      %lt3A_496 = arith.cmpi slt, %rem3A_492, %lt3A_495 : i32
      %lt3A_497 = arith.constant 0 : i32
      %lt3A_498 = arith.cmpi slt, %select_n3A_491, %lt3A_497 : i32
      %ne3A_499 = arith.xori %lt3A_496, %lt3A_498 : i1
      %and3A_500 = arith.andi %ne3A_499, %ne3A_494 : i1
      %add3A_501 = arith.addi %rem3A_492, %select_n3A_491 : i32
      %select_n3A_502 = arith.select %and3A_500, %add3A_501, %rem3A_492 : i32
      %scan3A = arith.constant 0 : i32
      %scan3A_503 = arith.constant 0 : i32
      %scan3A_504 = arith.constant 40 : i32
      %scan3A_505 = arith.addi %scan3A_503, %scan3A_504 : i32
      %scan3A_506 = arith.constant 1 : i32
      scf.for %scan3A_511 = %scan3A_503 to %scan3A_505 step %scan3A_506  : i32 {
        %mul3A_512 = arith.constant 16 : i32
        %mul3A_513 = arith.muli %scan3A_511, %mul3A_512 : i32
        %get3A = arith.index_cast %select_n3A_502 : i32 to index
        %get3A_514 = arith.index_cast %mul3A_513 : i32 to index
        %get3A_515 = tpu.vector_load %arg10[%get3A, %get3A_514] {strides = array<i32>} : memref<4x640xf32, #tpu.memory_space<vmem>>, vector<1x16xf32>,
        %get3A_516 = vector.shape_cast %get3A_515 : vector<1x16xf32> to vector<16xf32>
        %exp3A = math.exp %get3A_516 : vector<16xf32>
        %iota3A = tpu.iota {dimensions = array<i32: 0>} : vector<16xi32>
        %xor3A = arith.constant 1 : i32
        %xor3A_517 = vector.broadcast %xor3A : i32 to vector<16xi32>
        %xor3A_518 = arith.xori %iota3A, %xor3A_517 : vector<16xi32>
        %broadcast_in_dim3A = vector.shape_cast %xor3A_518 : vector<16xi32> to vector<16x1xi32>
        %gather3A = vector.shape_cast %broadcast_in_dim3A : vector<16x1xi32> to vector<16xi32>
        %gather3A_519 = tpu.dynamic_gather %exp3A[%gather3A] in [0] : vector<16xf32>, vector<16xi32> -> vector<16xf32>
        %add3A_520 = arith.addf %exp3A, %gather3A_519 : vector<16xf32>
        %xor3A_521 = arith.constant 2 : i32
        %xor3A_522 = vector.broadcast %xor3A_521 : i32 to vector<16xi32>
        %xor3A_523 = arith.xori %iota3A, %xor3A_522 : vector<16xi32>
        %broadcast_in_dim3A_524 = vector.shape_cast %xor3A_523 : vector<16xi32> to vector<16x1xi32>
        %gather3A_525 = vector.shape_cast %broadcast_in_dim3A_524 : vector<16x1xi32> to vector<16xi32>
        %gather3A_526 = tpu.dynamic_gather %add3A_520[%gather3A_525] in [0] : vector<16xf32>, vector<16xi32> -> vector<16xf32>
        %add3A_527 = arith.addf %add3A_520, %gather3A_526 : vector<16xf32>
        %xor3A_528 = arith.constant 4 : i32
        %xor3A_529 = vector.broadcast %xor3A_528 : i32 to vector<16xi32>
        %xor3A_530 = arith.xori %iota3A, %xor3A_529 : vector<16xi32>
        %broadcast_in_dim3A_531 = vector.shape_cast %xor3A_530 : vector<16xi32> to vector<16x1xi32>
        %gather3A_532 = vector.shape_cast %broadcast_in_dim3A_531 : vector<16x1xi32> to vector<16xi32>
        %gather3A_533 = tpu.dynamic_gather %add3A_527[%gather3A_532] in [0] : vector<16xf32>, vector<16xi32> -> vector<16xf32>
        %add3A_534 = arith.addf %add3A_527, %gather3A_533 : vector<16xf32>
        %xor3A_535 = arith.constant 8 : i32
        %xor3A_536 = vector.broadcast %xor3A_535 : i32 to vector<16xi32>
        %xor3A_537 = arith.xori %iota3A, %xor3A_536 : vector<16xi32>
        %broadcast_in_dim3A_538 = vector.shape_cast %xor3A_537 : vector<16xi32> to vector<16x1xi32>
        %gather3A_539 = vector.shape_cast %broadcast_in_dim3A_538 : vector<16x1xi32> to vector<16xi32>
        %gather3A_540 = tpu.dynamic_gather %add3A_534[%gather3A_539] in [0] : vector<16xf32>, vector<16xi32> -> vector<16xf32>
        %add3A_541 = arith.addf %add3A_534, %gather3A_540 : vector<16xf32>
        %broadcast_in_dim3A_542 = arith.constant 0.000000e+00 : f32
        %broadcast_in_dim3A_543 = vector.broadcast %broadcast_in_dim3A_542 : f32 to vector<16xf32>
        %broadcast_in_dim3A_544 = arith.constant 0.000000e+00 : f32
        %broadcast_in_dim3A_545 = vector.broadcast %broadcast_in_dim3A_544 : f32 to vector<16xf32>
        %slice3A = vector.extract_strided_slice %get3A_516 {offsets = [0], sizes = [1], strides = [1]} : vector<16xf32> to vector<1xf32>
        %squeeze3A = vector.extract %slice3A[0] : f32 from vector<1xf32>
        %add3A_546 = arith.constant 0 : i32
        %add3A_547 = arith.addi %mul3A_513, %add3A_546 : i32
        %get3A_548 = arith.index_cast %select_n3A_502 : i32 to index
        %get3A_549 = arith.index_cast %add3A_547 : i32 to index
        %get3A_550 = arith.constant 0 : index
        %get3A_551 = tpu.vector_load %arg11[%get3A_548, %get3A_549, %get3A_550] {strides = array<i32>} : memref<4x640x32xf32, #tpu.memory_space<vmem>>, vector<1x1x16xf32>,
        %get3A_552 = vector.shape_cast %get3A_551 : vector<1x1x16xf32> to vector<16xf32>
        %add3A_553 = vector.broadcast %squeeze3A : f32 to vector<16xf32>
        %add3A_554 = arith.addf %get3A_552, %add3A_553 : vector<16xf32>
        %exp3A_555 = math.exp %add3A_554 : vector<16xf32>
        %add3A_556 = arith.addf %broadcast_in_dim3A_543, %exp3A_555 : vector<16xf32>
        %add3A_557 = arith.constant 0 : i32
        %add3A_558 = arith.addi %mul3A_513, %add3A_557 : i32
        %get3A_559 = arith.index_cast %select_n3A_502 : i32 to index
        %get3A_560 = arith.index_cast %add3A_558 : i32 to index
        %get3A_561 = arith.constant 16 : index
        %get3A_562 = tpu.vector_load %arg11[%get3A_559, %get3A_560, %get3A_561] {strides = array<i32>} : memref<4x640x32xf32, #tpu.memory_space<vmem>>, vector<1x1x16xf32>,
        %get3A_563 = vector.shape_cast %get3A_562 : vector<1x1x16xf32> to vector<16xf32>
        %add3A_564 = vector.broadcast %squeeze3A : f32 to vector<16xf32>
        %add3A_565 = arith.addf %get3A_563, %add3A_564 : vector<16xf32>
        %exp3A_566 = math.exp %add3A_565 : vector<16xf32>
        %add3A_567 = arith.addf %broadcast_in_dim3A_545, %exp3A_566 : vector<16xf32>
        %slice3A_568 = vector.extract_strided_slice %get3A_516 {offsets = [1], sizes = [1], strides = [1]} : vector<16xf32> to vector<1xf32>
        %squeeze3A_569 = vector.extract %slice3A_568[0] : f32 from vector<1xf32>
        %add3A_570 = arith.constant 1 : i32
        %add3A_571 = arith.addi %mul3A_513, %add3A_570 : i32
        %get3A_572 = arith.index_cast %select_n3A_502 : i32 to index
        %get3A_573 = arith.index_cast %add3A_571 : i32 to index
        %get3A_574 = arith.constant 0 : index
        %get3A_575 = tpu.vector_load %arg11[%get3A_572, %get3A_573, %get3A_574] {strides = array<i32>} : memref<4x640x32xf32, #tpu.memory_space<vmem>>, vector<1x1x16xf32>,
        %get3A_576 = vector.shape_cast %get3A_575 : vector<1x1x16xf32> to vector<16xf32>
        %add3A_577 = vector.broadcast %squeeze3A_569 : f32 to vector<16xf32>
        %add3A_578 = arith.addf %get3A_576, %add3A_577 : vector<16xf32>
        %exp3A_579 = math.exp %add3A_578 : vector<16xf32>
        %add3A_580 = arith.addf %add3A_556, %exp3A_579 : vector<16xf32>
        %add3A_581 = arith.constant 1 : i32
        %add3A_582 = arith.addi %mul3A_513, %add3A_581 : i32
        %get3A_583 = arith.index_cast %select_n3A_502 : i32 to index
        %get3A_584 = arith.index_cast %add3A_582 : i32 to index
        %get3A_585 = arith.constant 16 : index
        %get3A_586 = tpu.vector_load %arg11[%get3A_583, %get3A_584, %get3A_585] {strides = array<i32>} : memref<4x640x32xf32, #tpu.memory_space<vmem>>, vector<1x1x16xf32>,
        %get3A_587 = vector.shape_cast %get3A_586 : vector<1x1x16xf32> to vector<16xf32>
        %add3A_588 = vector.broadcast %squeeze3A_569 : f32 to vector<16xf32>
        %add3A_589 = arith.addf %get3A_587, %add3A_588 : vector<16xf32>
        %exp3A_590 = math.exp %add3A_589 : vector<16xf32>
        %add3A_591 = arith.addf %add3A_567, %exp3A_590 : vector<16xf32>
        %slice3A_592 = vector.extract_strided_slice %get3A_516 {offsets = [2], sizes = [1], strides = [1]} : vector<16xf32> to vector<1xf32>
        %squeeze3A_593 = vector.extract %slice3A_592[0] : f32 from vector<1xf32>
        %add3A_594 = arith.constant 2 : i32
        %add3A_595 = arith.addi %mul3A_513, %add3A_594 : i32
        %get3A_596 = arith.index_cast %select_n3A_502 : i32 to index
        %get3A_597 = arith.index_cast %add3A_595 : i32 to index
        %get3A_598 = arith.constant 0 : index
        %get3A_599 = tpu.vector_load %arg11[%get3A_596, %get3A_597, %get3A_598] {strides = array<i32>} : memref<4x640x32xf32, #tpu.memory_space<vmem>>, vector<1x1x16xf32>,
        %get3A_600 = vector.shape_cast %get3A_599 : vector<1x1x16xf32> to vector<16xf32>
        %add3A_601 = vector.broadcast %squeeze3A_593 : f32 to vector<16xf32>
        %add3A_602 = arith.addf %get3A_600, %add3A_601 : vector<16xf32>
        %exp3A_603 = math.exp %add3A_602 : vector<16xf32>
        %add3A_604 = arith.addf %add3A_580, %exp3A_603 : vector<16xf32>
        %add3A_605 = arith.constant 2 : i32
        %add3A_606 = arith.addi %mul3A_513, %add3A_605 : i32
        %get3A_607 = arith.index_cast %select_n3A_502 : i32 to index
        %get3A_608 = arith.index_cast %add3A_606 : i32 to index
        %get3A_609 = arith.constant 16 : index
        %get3A_610 = tpu.vector_load %arg11[%get3A_607, %get3A_608, %get3A_609] {strides = array<i32>} : memref<4x640x32xf32, #tpu.memory_space<vmem>>, vector<1x1x16xf32>,
        %get3A_611 = vector.shape_cast %get3A_610 : vector<1x1x16xf32> to vector<16xf32>
        %add3A_612 = vector.broadcast %squeeze3A_593 : f32 to vector<16xf32>
        %add3A_613 = arith.addf %get3A_611, %add3A_612 : vector<16xf32>
        %exp3A_614 = math.exp %add3A_613 : vector<16xf32>
        %add3A_615 = arith.addf %add3A_591, %exp3A_614 : vector<16xf32>
        %slice3A_616 = vector.extract_strided_slice %get3A_516 {offsets = [3], sizes = [1], strides = [1]} : vector<16xf32> to vector<1xf32>
        %squeeze3A_617 = vector.extract %slice3A_616[0] : f32 from vector<1xf32>
        %add3A_618 = arith.constant 3 : i32
        %add3A_619 = arith.addi %mul3A_513, %add3A_618 : i32
        %get3A_620 = arith.index_cast %select_n3A_502 : i32 to index
        %get3A_621 = arith.index_cast %add3A_619 : i32 to index
        %get3A_622 = arith.constant 0 : index
        %get3A_623 = tpu.vector_load %arg11[%get3A_620, %get3A_621, %get3A_622] {strides = array<i32>} : memref<4x640x32xf32, #tpu.memory_space<vmem>>, vector<1x1x16xf32>,
        %get3A_624 = vector.shape_cast %get3A_623 : vector<1x1x16xf32> to vector<16xf32>
        %add3A_625 = vector.broadcast %squeeze3A_617 : f32 to vector<16xf32>
        %add3A_626 = arith.addf %get3A_624, %add3A_625 : vector<16xf32>
        %exp3A_627 = math.exp %add3A_626 : vector<16xf32>
        %add3A_628 = arith.addf %add3A_604, %exp3A_627 : vector<16xf32>
        %add3A_629 = arith.constant 3 : i32
        %add3A_630 = arith.addi %mul3A_513, %add3A_629 : i32
        %get3A_631 = arith.index_cast %select_n3A_502 : i32 to index
        %get3A_632 = arith.index_cast %add3A_630 : i32 to index
        %get3A_633 = arith.constant 16 : index
        %get3A_634 = tpu.vector_load %arg11[%get3A_631, %get3A_632, %get3A_633] {strides = array<i32>} : memref<4x640x32xf32, #tpu.memory_space<vmem>>, vector<1x1x16xf32>,
        %get3A_635 = vector.shape_cast %get3A_634 : vector<1x1x16xf32> to vector<16xf32>
        %add3A_636 = vector.broadcast %squeeze3A_617 : f32 to vector<16xf32>
        %add3A_637 = arith.addf %get3A_635, %add3A_636 : vector<16xf32>
        %exp3A_638 = math.exp %add3A_637 : vector<16xf32>
        %add3A_639 = arith.addf %add3A_615, %exp3A_638 : vector<16xf32>
        %slice3A_640 = vector.extract_strided_slice %get3A_516 {offsets = [4], sizes = [1], strides = [1]} : vector<16xf32> to vector<1xf32>
        %squeeze3A_641 = vector.extract %slice3A_640[0] : f32 from vector<1xf32>
        %add3A_642 = arith.constant 4 : i32
        %add3A_643 = arith.addi %mul3A_513, %add3A_642 : i32
        %get3A_644 = arith.index_cast %select_n3A_502 : i32 to index
        %get3A_645 = arith.index_cast %add3A_643 : i32 to index
        %get3A_646 = arith.constant 0 : index
        %get3A_647 = tpu.vector_load %arg11[%get3A_644, %get3A_645, %get3A_646] {strides = array<i32>} : memref<4x640x32xf32, #tpu.memory_space<vmem>>, vector<1x1x16xf32>,
        %get3A_648 = vector.shape_cast %get3A_647 : vector<1x1x16xf32> to vector<16xf32>
        %add3A_649 = vector.broadcast %squeeze3A_641 : f32 to vector<16xf32>
        %add3A_650 = arith.addf %get3A_648, %add3A_649 : vector<16xf32>
        %exp3A_651 = math.exp %add3A_650 : vector<16xf32>
        %add3A_652 = arith.addf %add3A_628, %exp3A_651 : vector<16xf32>
        %add3A_653 = arith.constant 4 : i32
        %add3A_654 = arith.addi %mul3A_513, %add3A_653 : i32
        %get3A_655 = arith.index_cast %select_n3A_502 : i32 to index
        %get3A_656 = arith.index_cast %add3A_654 : i32 to index
        %get3A_657 = arith.constant 16 : index
        %get3A_658 = tpu.vector_load %arg11[%get3A_655, %get3A_656, %get3A_657] {strides = array<i32>} : memref<4x640x32xf32, #tpu.memory_space<vmem>>, vector<1x1x16xf32>,
        %get3A_659 = vector.shape_cast %get3A_658 : vector<1x1x16xf32> to vector<16xf32>
        %add3A_660 = vector.broadcast %squeeze3A_641 : f32 to vector<16xf32>
        %add3A_661 = arith.addf %get3A_659, %add3A_660 : vector<16xf32>
        %exp3A_662 = math.exp %add3A_661 : vector<16xf32>
        %add3A_663 = arith.addf %add3A_639, %exp3A_662 : vector<16xf32>
        %slice3A_664 = vector.extract_strided_slice %get3A_516 {offsets = [5], sizes = [1], strides = [1]} : vector<16xf32> to vector<1xf32>
        %squeeze3A_665 = vector.extract %slice3A_664[0] : f32 from vector<1xf32>
        %add3A_666 = arith.constant 5 : i32
        %add3A_667 = arith.addi %mul3A_513, %add3A_666 : i32
        %get3A_668 = arith.index_cast %select_n3A_502 : i32 to index
        %get3A_669 = arith.index_cast %add3A_667 : i32 to index
        %get3A_670 = arith.constant 0 : index
        %get3A_671 = tpu.vector_load %arg11[%get3A_668, %get3A_669, %get3A_670] {strides = array<i32>} : memref<4x640x32xf32, #tpu.memory_space<vmem>>, vector<1x1x16xf32>,
        %get3A_672 = vector.shape_cast %get3A_671 : vector<1x1x16xf32> to vector<16xf32>
        %add3A_673 = vector.broadcast %squeeze3A_665 : f32 to vector<16xf32>
        %add3A_674 = arith.addf %get3A_672, %add3A_673 : vector<16xf32>
        %exp3A_675 = math.exp %add3A_674 : vector<16xf32>
        %add3A_676 = arith.addf %add3A_652, %exp3A_675 : vector<16xf32>
        %add3A_677 = arith.constant 5 : i32
        %add3A_678 = arith.addi %mul3A_513, %add3A_677 : i32
        %get3A_679 = arith.index_cast %select_n3A_502 : i32 to index
        %get3A_680 = arith.index_cast %add3A_678 : i32 to index
        %get3A_681 = arith.constant 16 : index
        %get3A_682 = tpu.vector_load %arg11[%get3A_679, %get3A_680, %get3A_681] {strides = array<i32>} : memref<4x640x32xf32, #tpu.memory_space<vmem>>, vector<1x1x16xf32>,
        %get3A_683 = vector.shape_cast %get3A_682 : vector<1x1x16xf32> to vector<16xf32>
        %add3A_684 = vector.broadcast %squeeze3A_665 : f32 to vector<16xf32>
        %add3A_685 = arith.addf %get3A_683, %add3A_684 : vector<16xf32>
        %exp3A_686 = math.exp %add3A_685 : vector<16xf32>
        %add3A_687 = arith.addf %add3A_663, %exp3A_686 : vector<16xf32>
        %slice3A_688 = vector.extract_strided_slice %get3A_516 {offsets = [6], sizes = [1], strides = [1]} : vector<16xf32> to vector<1xf32>
        %squeeze3A_689 = vector.extract %slice3A_688[0] : f32 from vector<1xf32>
        %add3A_690 = arith.constant 6 : i32
        %add3A_691 = arith.addi %mul3A_513, %add3A_690 : i32
        %get3A_692 = arith.index_cast %select_n3A_502 : i32 to index
        %get3A_693 = arith.index_cast %add3A_691 : i32 to index
        %get3A_694 = arith.constant 0 : index
        %get3A_695 = tpu.vector_load %arg11[%get3A_692, %get3A_693, %get3A_694] {strides = array<i32>} : memref<4x640x32xf32, #tpu.memory_space<vmem>>, vector<1x1x16xf32>,
        %get3A_696 = vector.shape_cast %get3A_695 : vector<1x1x16xf32> to vector<16xf32>
        %add3A_697 = vector.broadcast %squeeze3A_689 : f32 to vector<16xf32>
        %add3A_698 = arith.addf %get3A_696, %add3A_697 : vector<16xf32>
        %exp3A_699 = math.exp %add3A_698 : vector<16xf32>
        %add3A_700 = arith.addf %add3A_676, %exp3A_699 : vector<16xf32>
        %add3A_701 = arith.constant 6 : i32
        %add3A_702 = arith.addi %mul3A_513, %add3A_701 : i32
        %get3A_703 = arith.index_cast %select_n3A_502 : i32 to index
        %get3A_704 = arith.index_cast %add3A_702 : i32 to index
        %get3A_705 = arith.constant 16 : index
        %get3A_706 = tpu.vector_load %arg11[%get3A_703, %get3A_704, %get3A_705] {strides = array<i32>} : memref<4x640x32xf32, #tpu.memory_space<vmem>>, vector<1x1x16xf32>,
        %get3A_707 = vector.shape_cast %get3A_706 : vector<1x1x16xf32> to vector<16xf32>
        %add3A_708 = vector.broadcast %squeeze3A_689 : f32 to vector<16xf32>
        %add3A_709 = arith.addf %get3A_707, %add3A_708 : vector<16xf32>
        %exp3A_710 = math.exp %add3A_709 : vector<16xf32>
        %add3A_711 = arith.addf %add3A_687, %exp3A_710 : vector<16xf32>
        %slice3A_712 = vector.extract_strided_slice %get3A_516 {offsets = [7], sizes = [1], strides = [1]} : vector<16xf32> to vector<1xf32>
        %squeeze3A_713 = vector.extract %slice3A_712[0] : f32 from vector<1xf32>
        %add3A_714 = arith.constant 7 : i32
        %add3A_715 = arith.addi %mul3A_513, %add3A_714 : i32
        %get3A_716 = arith.index_cast %select_n3A_502 : i32 to index
        %get3A_717 = arith.index_cast %add3A_715 : i32 to index
        %get3A_718 = arith.constant 0 : index
        %get3A_719 = tpu.vector_load %arg11[%get3A_716, %get3A_717, %get3A_718] {strides = array<i32>} : memref<4x640x32xf32, #tpu.memory_space<vmem>>, vector<1x1x16xf32>,
        %get3A_720 = vector.shape_cast %get3A_719 : vector<1x1x16xf32> to vector<16xf32>
        %add3A_721 = vector.broadcast %squeeze3A_713 : f32 to vector<16xf32>
        %add3A_722 = arith.addf %get3A_720, %add3A_721 : vector<16xf32>
        %exp3A_723 = math.exp %add3A_722 : vector<16xf32>
        %add3A_724 = arith.addf %add3A_700, %exp3A_723 : vector<16xf32>
        %add3A_725 = arith.constant 7 : i32
        %add3A_726 = arith.addi %mul3A_513, %add3A_725 : i32
        %get3A_727 = arith.index_cast %select_n3A_502 : i32 to index
        %get3A_728 = arith.index_cast %add3A_726 : i32 to index
        %get3A_729 = arith.constant 16 : index
        %get3A_730 = tpu.vector_load %arg11[%get3A_727, %get3A_728, %get3A_729] {strides = array<i32>} : memref<4x640x32xf32, #tpu.memory_space<vmem>>, vector<1x1x16xf32>,
        %get3A_731 = vector.shape_cast %get3A_730 : vector<1x1x16xf32> to vector<16xf32>
        %add3A_732 = vector.broadcast %squeeze3A_713 : f32 to vector<16xf32>
        %add3A_733 = arith.addf %get3A_731, %add3A_732 : vector<16xf32>
        %exp3A_734 = math.exp %add3A_733 : vector<16xf32>
        %add3A_735 = arith.addf %add3A_711, %exp3A_734 : vector<16xf32>
        %slice3A_736 = vector.extract_strided_slice %get3A_516 {offsets = [8], sizes = [1], strides = [1]} : vector<16xf32> to vector<1xf32>
        %squeeze3A_737 = vector.extract %slice3A_736[0] : f32 from vector<1xf32>
        %add3A_738 = arith.constant 8 : i32
        %add3A_739 = arith.addi %mul3A_513, %add3A_738 : i32
        %get3A_740 = arith.index_cast %select_n3A_502 : i32 to index
        %get3A_741 = arith.index_cast %add3A_739 : i32 to index
        %get3A_742 = arith.constant 0 : index
        %get3A_743 = tpu.vector_load %arg11[%get3A_740, %get3A_741, %get3A_742] {strides = array<i32>} : memref<4x640x32xf32, #tpu.memory_space<vmem>>, vector<1x1x16xf32>,
        %get3A_744 = vector.shape_cast %get3A_743 : vector<1x1x16xf32> to vector<16xf32>
        %add3A_745 = vector.broadcast %squeeze3A_737 : f32 to vector<16xf32>
        %add3A_746 = arith.addf %get3A_744, %add3A_745 : vector<16xf32>
        %exp3A_747 = math.exp %add3A_746 : vector<16xf32>
        %add3A_748 = arith.addf %add3A_724, %exp3A_747 : vector<16xf32>
        %add3A_749 = arith.constant 8 : i32
        %add3A_750 = arith.addi %mul3A_513, %add3A_749 : i32
        %get3A_751 = arith.index_cast %select_n3A_502 : i32 to index
        %get3A_752 = arith.index_cast %add3A_750 : i32 to index
        %get3A_753 = arith.constant 16 : index
        %get3A_754 = tpu.vector_load %arg11[%get3A_751, %get3A_752, %get3A_753] {strides = array<i32>} : memref<4x640x32xf32, #tpu.memory_space<vmem>>, vector<1x1x16xf32>,
        %get3A_755 = vector.shape_cast %get3A_754 : vector<1x1x16xf32> to vector<16xf32>
        %add3A_756 = vector.broadcast %squeeze3A_737 : f32 to vector<16xf32>
        %add3A_757 = arith.addf %get3A_755, %add3A_756 : vector<16xf32>
        %exp3A_758 = math.exp %add3A_757 : vector<16xf32>
        %add3A_759 = arith.addf %add3A_735, %exp3A_758 : vector<16xf32>
        %slice3A_760 = vector.extract_strided_slice %get3A_516 {offsets = [9], sizes = [1], strides = [1]} : vector<16xf32> to vector<1xf32>
        %squeeze3A_761 = vector.extract %slice3A_760[0] : f32 from vector<1xf32>
        %add3A_762 = arith.constant 9 : i32
        %add3A_763 = arith.addi %mul3A_513, %add3A_762 : i32
        %get3A_764 = arith.index_cast %select_n3A_502 : i32 to index
        %get3A_765 = arith.index_cast %add3A_763 : i32 to index
        %get3A_766 = arith.constant 0 : index
        %get3A_767 = tpu.vector_load %arg11[%get3A_764, %get3A_765, %get3A_766] {strides = array<i32>} : memref<4x640x32xf32, #tpu.memory_space<vmem>>, vector<1x1x16xf32>,
        %get3A_768 = vector.shape_cast %get3A_767 : vector<1x1x16xf32> to vector<16xf32>
        %add3A_769 = vector.broadcast %squeeze3A_761 : f32 to vector<16xf32>
        %add3A_770 = arith.addf %get3A_768, %add3A_769 : vector<16xf32>
        %exp3A_771 = math.exp %add3A_770 : vector<16xf32>
        %add3A_772 = arith.addf %add3A_748, %exp3A_771 : vector<16xf32>
        %add3A_773 = arith.constant 9 : i32
        %add3A_774 = arith.addi %mul3A_513, %add3A_773 : i32
        %get3A_775 = arith.index_cast %select_n3A_502 : i32 to index
        %get3A_776 = arith.index_cast %add3A_774 : i32 to index
        %get3A_777 = arith.constant 16 : index
        %get3A_778 = tpu.vector_load %arg11[%get3A_775, %get3A_776, %get3A_777] {strides = array<i32>} : memref<4x640x32xf32, #tpu.memory_space<vmem>>, vector<1x1x16xf32>,
        %get3A_779 = vector.shape_cast %get3A_778 : vector<1x1x16xf32> to vector<16xf32>
        %add3A_780 = vector.broadcast %squeeze3A_761 : f32 to vector<16xf32>
        %add3A_781 = arith.addf %get3A_779, %add3A_780 : vector<16xf32>
        %exp3A_782 = math.exp %add3A_781 : vector<16xf32>
        %add3A_783 = arith.addf %add3A_759, %exp3A_782 : vector<16xf32>
        %slice3A_784 = vector.extract_strided_slice %get3A_516 {offsets = [10], sizes = [1], strides = [1]} : vector<16xf32> to vector<1xf32>
        %squeeze3A_785 = vector.extract %slice3A_784[0] : f32 from vector<1xf32>
        %add3A_786 = arith.constant 10 : i32
        %add3A_787 = arith.addi %mul3A_513, %add3A_786 : i32
        %get3A_788 = arith.index_cast %select_n3A_502 : i32 to index
        %get3A_789 = arith.index_cast %add3A_787 : i32 to index
        %get3A_790 = arith.constant 0 : index
        %get3A_791 = tpu.vector_load %arg11[%get3A_788, %get3A_789, %get3A_790] {strides = array<i32>} : memref<4x640x32xf32, #tpu.memory_space<vmem>>, vector<1x1x16xf32>,
        %get3A_792 = vector.shape_cast %get3A_791 : vector<1x1x16xf32> to vector<16xf32>
        %add3A_793 = vector.broadcast %squeeze3A_785 : f32 to vector<16xf32>
        %add3A_794 = arith.addf %get3A_792, %add3A_793 : vector<16xf32>
        %exp3A_795 = math.exp %add3A_794 : vector<16xf32>
        %add3A_796 = arith.addf %add3A_772, %exp3A_795 : vector<16xf32>
        %add3A_797 = arith.constant 10 : i32
        %add3A_798 = arith.addi %mul3A_513, %add3A_797 : i32
        %get3A_799 = arith.index_cast %select_n3A_502 : i32 to index
        %get3A_800 = arith.index_cast %add3A_798 : i32 to index
        %get3A_801 = arith.constant 16 : index
        %get3A_802 = tpu.vector_load %arg11[%get3A_799, %get3A_800, %get3A_801] {strides = array<i32>} : memref<4x640x32xf32, #tpu.memory_space<vmem>>, vector<1x1x16xf32>,
        %get3A_803 = vector.shape_cast %get3A_802 : vector<1x1x16xf32> to vector<16xf32>
        %add3A_804 = vector.broadcast %squeeze3A_785 : f32 to vector<16xf32>
        %add3A_805 = arith.addf %get3A_803, %add3A_804 : vector<16xf32>
        %exp3A_806 = math.exp %add3A_805 : vector<16xf32>
        %add3A_807 = arith.addf %add3A_783, %exp3A_806 : vector<16xf32>
        %slice3A_808 = vector.extract_strided_slice %get3A_516 {offsets = [11], sizes = [1], strides = [1]} : vector<16xf32> to vector<1xf32>
        %squeeze3A_809 = vector.extract %slice3A_808[0] : f32 from vector<1xf32>
        %add3A_810 = arith.constant 11 : i32
        %add3A_811 = arith.addi %mul3A_513, %add3A_810 : i32
        %get3A_812 = arith.index_cast %select_n3A_502 : i32 to index
        %get3A_813 = arith.index_cast %add3A_811 : i32 to index
        %get3A_814 = arith.constant 0 : index
        %get3A_815 = tpu.vector_load %arg11[%get3A_812, %get3A_813, %get3A_814] {strides = array<i32>} : memref<4x640x32xf32, #tpu.memory_space<vmem>>, vector<1x1x16xf32>,
        %get3A_816 = vector.shape_cast %get3A_815 : vector<1x1x16xf32> to vector<16xf32>
        %add3A_817 = vector.broadcast %squeeze3A_809 : f32 to vector<16xf32>
        %add3A_818 = arith.addf %get3A_816, %add3A_817 : vector<16xf32>
        %exp3A_819 = math.exp %add3A_818 : vector<16xf32>
        %add3A_820 = arith.addf %add3A_796, %exp3A_819 : vector<16xf32>
        %add3A_821 = arith.constant 11 : i32
        %add3A_822 = arith.addi %mul3A_513, %add3A_821 : i32
        %get3A_823 = arith.index_cast %select_n3A_502 : i32 to index
        %get3A_824 = arith.index_cast %add3A_822 : i32 to index
        %get3A_825 = arith.constant 16 : index
        %get3A_826 = tpu.vector_load %arg11[%get3A_823, %get3A_824, %get3A_825] {strides = array<i32>} : memref<4x640x32xf32, #tpu.memory_space<vmem>>, vector<1x1x16xf32>,
        %get3A_827 = vector.shape_cast %get3A_826 : vector<1x1x16xf32> to vector<16xf32>
        %add3A_828 = vector.broadcast %squeeze3A_809 : f32 to vector<16xf32>
        %add3A_829 = arith.addf %get3A_827, %add3A_828 : vector<16xf32>
        %exp3A_830 = math.exp %add3A_829 : vector<16xf32>
        %add3A_831 = arith.addf %add3A_807, %exp3A_830 : vector<16xf32>
        %slice3A_832 = vector.extract_strided_slice %get3A_516 {offsets = [12], sizes = [1], strides = [1]} : vector<16xf32> to vector<1xf32>
        %squeeze3A_833 = vector.extract %slice3A_832[0] : f32 from vector<1xf32>
        %add3A_834 = arith.constant 12 : i32
        %add3A_835 = arith.addi %mul3A_513, %add3A_834 : i32
        %get3A_836 = arith.index_cast %select_n3A_502 : i32 to index
        %get3A_837 = arith.index_cast %add3A_835 : i32 to index
        %get3A_838 = arith.constant 0 : index
        %get3A_839 = tpu.vector_load %arg11[%get3A_836, %get3A_837, %get3A_838] {strides = array<i32>} : memref<4x640x32xf32, #tpu.memory_space<vmem>>, vector<1x1x16xf32>,
        %get3A_840 = vector.shape_cast %get3A_839 : vector<1x1x16xf32> to vector<16xf32>
        %add3A_841 = vector.broadcast %squeeze3A_833 : f32 to vector<16xf32>
        %add3A_842 = arith.addf %get3A_840, %add3A_841 : vector<16xf32>
        %exp3A_843 = math.exp %add3A_842 : vector<16xf32>
        %add3A_844 = arith.addf %add3A_820, %exp3A_843 : vector<16xf32>
        %add3A_845 = arith.constant 12 : i32
        %add3A_846 = arith.addi %mul3A_513, %add3A_845 : i32
        %get3A_847 = arith.index_cast %select_n3A_502 : i32 to index
        %get3A_848 = arith.index_cast %add3A_846 : i32 to index
        %get3A_849 = arith.constant 16 : index
        %get3A_850 = tpu.vector_load %arg11[%get3A_847, %get3A_848, %get3A_849] {strides = array<i32>} : memref<4x640x32xf32, #tpu.memory_space<vmem>>, vector<1x1x16xf32>,
        %get3A_851 = vector.shape_cast %get3A_850 : vector<1x1x16xf32> to vector<16xf32>
        %add3A_852 = vector.broadcast %squeeze3A_833 : f32 to vector<16xf32>
        %add3A_853 = arith.addf %get3A_851, %add3A_852 : vector<16xf32>
        %exp3A_854 = math.exp %add3A_853 : vector<16xf32>
        %add3A_855 = arith.addf %add3A_831, %exp3A_854 : vector<16xf32>
        %slice3A_856 = vector.extract_strided_slice %get3A_516 {offsets = [13], sizes = [1], strides = [1]} : vector<16xf32> to vector<1xf32>
        %squeeze3A_857 = vector.extract %slice3A_856[0] : f32 from vector<1xf32>
        %add3A_858 = arith.constant 13 : i32
        %add3A_859 = arith.addi %mul3A_513, %add3A_858 : i32
        %get3A_860 = arith.index_cast %select_n3A_502 : i32 to index
        %get3A_861 = arith.index_cast %add3A_859 : i32 to index
        %get3A_862 = arith.constant 0 : index
        %get3A_863 = tpu.vector_load %arg11[%get3A_860, %get3A_861, %get3A_862] {strides = array<i32>} : memref<4x640x32xf32, #tpu.memory_space<vmem>>, vector<1x1x16xf32>,
        %get3A_864 = vector.shape_cast %get3A_863 : vector<1x1x16xf32> to vector<16xf32>
        %add3A_865 = vector.broadcast %squeeze3A_857 : f32 to vector<16xf32>
        %add3A_866 = arith.addf %get3A_864, %add3A_865 : vector<16xf32>
        %exp3A_867 = math.exp %add3A_866 : vector<16xf32>
        %add3A_868 = arith.addf %add3A_844, %exp3A_867 : vector<16xf32>
        %add3A_869 = arith.constant 13 : i32
        %add3A_870 = arith.addi %mul3A_513, %add3A_869 : i32
        %get3A_871 = arith.index_cast %select_n3A_502 : i32 to index
        %get3A_872 = arith.index_cast %add3A_870 : i32 to index
        %get3A_873 = arith.constant 16 : index
        %get3A_874 = tpu.vector_load %arg11[%get3A_871, %get3A_872, %get3A_873] {strides = array<i32>} : memref<4x640x32xf32, #tpu.memory_space<vmem>>, vector<1x1x16xf32>,
        %get3A_875 = vector.shape_cast %get3A_874 : vector<1x1x16xf32> to vector<16xf32>
        %add3A_876 = vector.broadcast %squeeze3A_857 : f32 to vector<16xf32>
        %add3A_877 = arith.addf %get3A_875, %add3A_876 : vector<16xf32>
        %exp3A_878 = math.exp %add3A_877 : vector<16xf32>
        %add3A_879 = arith.addf %add3A_855, %exp3A_878 : vector<16xf32>
        %slice3A_880 = vector.extract_strided_slice %get3A_516 {offsets = [14], sizes = [1], strides = [1]} : vector<16xf32> to vector<1xf32>
        %squeeze3A_881 = vector.extract %slice3A_880[0] : f32 from vector<1xf32>
        %add3A_882 = arith.constant 14 : i32
        %add3A_883 = arith.addi %mul3A_513, %add3A_882 : i32
        %get3A_884 = arith.index_cast %select_n3A_502 : i32 to index
        %get3A_885 = arith.index_cast %add3A_883 : i32 to index
        %get3A_886 = arith.constant 0 : index
        %get3A_887 = tpu.vector_load %arg11[%get3A_884, %get3A_885, %get3A_886] {strides = array<i32>} : memref<4x640x32xf32, #tpu.memory_space<vmem>>, vector<1x1x16xf32>,
        %get3A_888 = vector.shape_cast %get3A_887 : vector<1x1x16xf32> to vector<16xf32>
        %add3A_889 = vector.broadcast %squeeze3A_881 : f32 to vector<16xf32>
        %add3A_890 = arith.addf %get3A_888, %add3A_889 : vector<16xf32>
        %exp3A_891 = math.exp %add3A_890 : vector<16xf32>
        %add3A_892 = arith.addf %add3A_868, %exp3A_891 : vector<16xf32>
        %add3A_893 = arith.constant 14 : i32
        %add3A_894 = arith.addi %mul3A_513, %add3A_893 : i32
        %get3A_895 = arith.index_cast %select_n3A_502 : i32 to index
        %get3A_896 = arith.index_cast %add3A_894 : i32 to index
        %get3A_897 = arith.constant 16 : index
        %get3A_898 = tpu.vector_load %arg11[%get3A_895, %get3A_896, %get3A_897] {strides = array<i32>} : memref<4x640x32xf32, #tpu.memory_space<vmem>>, vector<1x1x16xf32>,
        %get3A_899 = vector.shape_cast %get3A_898 : vector<1x1x16xf32> to vector<16xf32>
        %add3A_900 = vector.broadcast %squeeze3A_881 : f32 to vector<16xf32>
        %add3A_901 = arith.addf %get3A_899, %add3A_900 : vector<16xf32>
        %exp3A_902 = math.exp %add3A_901 : vector<16xf32>
        %add3A_903 = arith.addf %add3A_879, %exp3A_902 : vector<16xf32>
        %slice3A_904 = vector.extract_strided_slice %get3A_516 {offsets = [15], sizes = [1], strides = [1]} : vector<16xf32> to vector<1xf32>
        %squeeze3A_905 = vector.extract %slice3A_904[0] : f32 from vector<1xf32>
        %add3A_906 = arith.constant 15 : i32
        %add3A_907 = arith.addi %mul3A_513, %add3A_906 : i32
        %get3A_908 = arith.index_cast %select_n3A_502 : i32 to index
        %get3A_909 = arith.index_cast %add3A_907 : i32 to index
        %get3A_910 = arith.constant 0 : index
        %get3A_911 = tpu.vector_load %arg11[%get3A_908, %get3A_909, %get3A_910] {strides = array<i32>} : memref<4x640x32xf32, #tpu.memory_space<vmem>>, vector<1x1x16xf32>,
        %get3A_912 = vector.shape_cast %get3A_911 : vector<1x1x16xf32> to vector<16xf32>
        %add3A_913 = vector.broadcast %squeeze3A_905 : f32 to vector<16xf32>
        %add3A_914 = arith.addf %get3A_912, %add3A_913 : vector<16xf32>
        %exp3A_915 = math.exp %add3A_914 : vector<16xf32>
        %add3A_916 = arith.addf %add3A_892, %exp3A_915 : vector<16xf32>
        %add3A_917 = arith.constant 15 : i32
        %add3A_918 = arith.addi %mul3A_513, %add3A_917 : i32
        %get3A_919 = arith.index_cast %select_n3A_502 : i32 to index
        %get3A_920 = arith.index_cast %add3A_918 : i32 to index
        %get3A_921 = arith.constant 16 : index
        %get3A_922 = tpu.vector_load %arg11[%get3A_919, %get3A_920, %get3A_921] {strides = array<i32>} : memref<4x640x32xf32, #tpu.memory_space<vmem>>, vector<1x1x16xf32>,
        %get3A_923 = vector.shape_cast %get3A_922 : vector<1x1x16xf32> to vector<16xf32>
        %add3A_924 = vector.broadcast %squeeze3A_905 : f32 to vector<16xf32>
        %add3A_925 = arith.addf %get3A_923, %add3A_924 : vector<16xf32>
        %exp3A_926 = math.exp %add3A_925 : vector<16xf32>
        %add3A_927 = arith.addf %add3A_903, %exp3A_926 : vector<16xf32>
        %div3A = arith.divf %add3A_916, %add3A_541 : vector<16xf32>
        %swap3A = arith.index_cast %scan3A_511 : i32 to index
        %swap3A_928 = arith.constant 0 : index
        %swap3A_929 = tpu.vector_load %arg12[%swap3A, %swap3A_928] {strides = array<i32>} : memref<40x32xf32, #tpu.memory_space<vmem>>, vector<1x16xf32>,
        %swap3A_930 = vector.shape_cast %swap3A_929 : vector<1x16xf32> to vector<16xf32>
        %swap3A_931 = vector.shape_cast %div3A : vector<16xf32> to vector<1x16xf32>
        tpu.vector_store %arg12[%swap3A, %swap3A_928], %swap3A_931 {strides = array<i32>} : memref<40x32xf32, #tpu.memory_space<vmem>>, vector<1x16xf32>,
        %div3A_932 = arith.divf %add3A_927, %add3A_541 : vector<16xf32>
        %swap3A_933 = arith.index_cast %scan3A_511 : i32 to index
        %swap3A_934 = arith.constant 16 : index
        %swap3A_935 = tpu.vector_load %arg12[%swap3A_933, %swap3A_934] {strides = array<i32>} : memref<40x32xf32, #tpu.memory_space<vmem>>, vector<1x16xf32>,
        %swap3A_936 = vector.shape_cast %swap3A_935 : vector<1x16xf32> to vector<16xf32>
        %swap3A_937 = vector.shape_cast %div3A_932 : vector<16xf32> to vector<1x16xf32>
        tpu.vector_store %arg12[%swap3A_933, %swap3A_934], %swap3A_937 {strides = array<i32>} : memref<40x32xf32, #tpu.memory_space<vmem>>, vector<1x16xf32>,
      }
      %scan3A_507 = arith.constant 40 : i32
      %mul3A_508 = arith.constant 40 : i32
      %mul3A_509 = arith.muli %while3A_404, %mul3A_508 : i32
      %add3A_510 = arith.addi %add3A_50, %mul3A_509 : i32
      "tpu.region"() ({
        %run_scoped3A_511 = tpu.sem_alloc : memref<!tpu.dma_semaphore, #tpu.memory_space<semaphore_mem>>
        %dma_start3A_512 = arith.constant 0 : i32
        %dma_start3A_513 = tpu.memref_slice %arg6[%add3A_510, %dma_start3A_512] : memref<53248x32xf32, #tpu.memory_space<hbm>> -> memref<40x32xf32, #tpu.memory_space<hbm>>
        %dma_start3A_514 = arith.constant 0 : i32
        %dma_start3A_515 = tpu.memref_slice %arg6[%add3A_510, %dma_start3A_514] : memref<53248x32xf32, #tpu.memory_space<hbm>> -> memref<40x32xf32, #tpu.memory_space<hbm>>
        tpu.enqueue_dma source(%arg12 : memref<40x32xf32, #tpu.memory_space<vmem>>) target(%dma_start3A_515 : memref<40x32xf32, #tpu.memory_space<hbm>>) target_semaphore(%run_scoped3A_511 : memref<!tpu.dma_semaphore, #tpu.memory_space<semaphore_mem>>)
        %dma_wait3A_516 = arith.constant 0 : i32
        %dma_wait3A_517 = tpu.memref_slice %arg6[%add3A_510, %dma_wait3A_516] : memref<53248x32xf32, #tpu.memory_space<hbm>> -> memref<40x32xf32, #tpu.memory_space<hbm>>
        %dma_wait3A_518 = arith.constant 0 : i32
        %dma_wait3A_519 = tpu.memref_slice %arg6[%add3A_510, %dma_wait3A_518] : memref<53248x32xf32, #tpu.memory_space<hbm>> -> memref<40x32xf32, #tpu.memory_space<hbm>>
        tpu.wait_dma2 semaphore(%run_scoped3A_511 : memref<!tpu.dma_semaphore, #tpu.memory_space<semaphore_mem>>) src(%arg12 : memref<40x32xf32, #tpu.memory_space<vmem>>) dst(%dma_wait3A_519 : memref<40x32xf32, #tpu.memory_space<hbm>>)
        tpu.yield
      }) : () -> ()
    }
    %while3A_370 = arith.constant 1 : i32
    scf.for %while3A_404 = %while3A_368 to %while3A_364 step %while3A_370  : i32 {
      %add3A_405 = arith.constant 4 : i32
      %add3A_406 = arith.addi %while3A_404, %add3A_405 : i32
      %sub3A = arith.constant 1 : i32
      %sub3A_407 = arith.subi %add3A_406, %sub3A : i32
      %lt3A = arith.cmpi slt, %sub3A_407, %select_n3A : i32
      %convert_element_type3A = arith.extui %lt3A : i1 to i32
      %cond3A = arith.constant 0 : i32
      %cond3A_408 = arith.cmpi ne, %convert_element_type3A, %cond3A : i32
      scf.if %cond3A_408 {
        %add3A_511 = arith.constant 4 : i32
        %add3A_512 = arith.addi %while3A_404, %add3A_511 : i32
        %sub3A_513 = arith.constant 1 : i32
        %sub3A_514 = arith.subi %add3A_512, %sub3A_513 : i32
        %jit3A_515 = arith.constant 4 : i32
        %eq3A_516 = arith.constant 0 : i32
        %eq3A_517 = arith.cmpi eq, %jit3A_515, %eq3A_516 : i32
        %jit3A_518 = arith.constant 1 : i32
        %select_n3A_519 = arith.select %eq3A_517, %jit3A_518, %jit3A_515 : i32
        %rem3A_520 = arith.remsi %sub3A_514, %select_n3A_519 : i32
        %ne3A_521 = arith.constant 0 : i32
        %ne3A_522 = arith.cmpi ne, %rem3A_520, %ne3A_521 : i32
        %lt3A_523 = arith.constant 0 : i32
        %lt3A_524 = arith.cmpi slt, %rem3A_520, %lt3A_523 : i32
        %lt3A_525 = arith.constant 0 : i32
        %lt3A_526 = arith.cmpi slt, %select_n3A_519, %lt3A_525 : i32
        %ne3A_527 = arith.xori %lt3A_524, %lt3A_526 : i1
        %and3A_528 = arith.andi %ne3A_527, %ne3A_522 : i1
        %add3A_529 = arith.addi %rem3A_520, %select_n3A_519 : i32
        %select_n3A_530 = arith.select %and3A_528, %add3A_529, %rem3A_520 : i32
        %add3A_531 = arith.constant 4 : i32
        %add3A_532 = arith.addi %while3A_404, %add3A_531 : i32
        %sub3A_533 = arith.constant 1 : i32
        %sub3A_534 = arith.subi %add3A_532, %sub3A_533 : i32
        %mul3A_535 = arith.constant 640 : i32
        %mul3A_536 = arith.muli %sub3A_534, %mul3A_535 : i32
        %add3A_537 = arith.addi %mul3A_52, %mul3A_536 : i32
        %add3A_538 = arith.constant 0 : i32
        %add3A_539 = arith.addi %add3A_537, %add3A_538 : i32
        %run_scoped3A_540 = arith.constant 0 : i32
        "tpu.region"() ({
          %run_scoped3A_618 = tpu.sem_alloc : memref<!tpu.dma_semaphore, #tpu.memory_space<semaphore_mem>>
          %dma_start3A_619 = arith.constant 0 : i32
          %dma_start3A_620 = tpu.memref_slice %arg9[%select_n3A_530, %run_scoped3A_540, %dma_start3A_619] : memref<4x5x128xi32, #tpu.memory_space<vmem>> -> memref<1x1x128xi32, #tpu.memory_space<vmem>>
          %dma_start3A_621 = tpu.memref_squeeze %dma_start3A_620 : memref<1x1x128xi32, #tpu.memory_space<vmem>> -> memref<128xi32, #tpu.memory_space<vmem>>
          %dma_start3A_622 = tpu.memref_slice %arg3[%add3A_539] : memref<655360xi32, #tpu.memory_space<hbm>> -> memref<128xi32, #tpu.memory_space<hbm>>
          %dma_start3A_623 = arith.constant 0 : i32
          %dma_start3A_624 = tpu.memref_slice %arg9[%select_n3A_530, %run_scoped3A_540, %dma_start3A_623] : memref<4x5x128xi32, #tpu.memory_space<vmem>> -> memref<1x1x128xi32, #tpu.memory_space<vmem>>
          %dma_start3A_625 = tpu.memref_squeeze %dma_start3A_624 : memref<1x1x128xi32, #tpu.memory_space<vmem>> -> memref<128xi32, #tpu.memory_space<vmem>>
          %dma_start3A_626 = tpu.memref_slice %arg3[%add3A_539] : memref<655360xi32, #tpu.memory_space<hbm>> -> memref<128xi32, #tpu.memory_space<hbm>>
          tpu.enqueue_dma source(%dma_start3A_626 : memref<128xi32, #tpu.memory_space<hbm>>) target(%dma_start3A_625 : memref<128xi32, #tpu.memory_space<vmem>>) target_semaphore(%run_scoped3A_618 : memref<!tpu.dma_semaphore, #tpu.memory_space<semaphore_mem>>)
          %dma_wait3A_627 = arith.constant 0 : i32
          %dma_wait3A_628 = tpu.memref_slice %arg9[%select_n3A_530, %run_scoped3A_540, %dma_wait3A_627] : memref<4x5x128xi32, #tpu.memory_space<vmem>> -> memref<1x1x128xi32, #tpu.memory_space<vmem>>
          %dma_wait3A_629 = tpu.memref_squeeze %dma_wait3A_628 : memref<1x1x128xi32, #tpu.memory_space<vmem>> -> memref<128xi32, #tpu.memory_space<vmem>>
          %dma_wait3A_630 = tpu.memref_slice %arg3[%add3A_539] : memref<655360xi32, #tpu.memory_space<hbm>> -> memref<128xi32, #tpu.memory_space<hbm>>
          %dma_wait3A_631 = arith.constant 0 : i32
          %dma_wait3A_632 = tpu.memref_slice %arg9[%select_n3A_530, %run_scoped3A_540, %dma_wait3A_631] : memref<4x5x128xi32, #tpu.memory_space<vmem>> -> memref<1x1x128xi32, #tpu.memory_space<vmem>>
          %dma_wait3A_633 = tpu.memref_squeeze %dma_wait3A_632 : memref<1x1x128xi32, #tpu.memory_space<vmem>> -> memref<128xi32, #tpu.memory_space<vmem>>
          %dma_wait3A_634 = tpu.memref_slice %arg3[%add3A_539] : memref<655360xi32, #tpu.memory_space<hbm>> -> memref<128xi32, #tpu.memory_space<hbm>>
          tpu.wait_dma2 semaphore(%run_scoped3A_618 : memref<!tpu.dma_semaphore, #tpu.memory_space<semaphore_mem>>) src(%dma_wait3A_634 : memref<128xi32, #tpu.memory_space<hbm>>) dst(%dma_wait3A_633 : memref<128xi32, #tpu.memory_space<vmem>>)
          tpu.yield
        }) : () -> ()
        %add3A_541 = arith.constant 128 : i32
        %add3A_542 = arith.addi %add3A_537, %add3A_541 : i32
        %run_scoped3A_543 = arith.constant 1 : i32
        "tpu.region"() ({
          %run_scoped3A_618 = tpu.sem_alloc : memref<!tpu.dma_semaphore, #tpu.memory_space<semaphore_mem>>
          %dma_start3A_619 = arith.constant 0 : i32
          %dma_start3A_620 = tpu.memref_slice %arg9[%select_n3A_530, %run_scoped3A_543, %dma_start3A_619] : memref<4x5x128xi32, #tpu.memory_space<vmem>> -> memref<1x1x128xi32, #tpu.memory_space<vmem>>
          %dma_start3A_621 = tpu.memref_squeeze %dma_start3A_620 : memref<1x1x128xi32, #tpu.memory_space<vmem>> -> memref<128xi32, #tpu.memory_space<vmem>>
          %dma_start3A_622 = tpu.memref_slice %arg3[%add3A_542] : memref<655360xi32, #tpu.memory_space<hbm>> -> memref<128xi32, #tpu.memory_space<hbm>>
          %dma_start3A_623 = arith.constant 0 : i32
          %dma_start3A_624 = tpu.memref_slice %arg9[%select_n3A_530, %run_scoped3A_543, %dma_start3A_623] : memref<4x5x128xi32, #tpu.memory_space<vmem>> -> memref<1x1x128xi32, #tpu.memory_space<vmem>>
          %dma_start3A_625 = tpu.memref_squeeze %dma_start3A_624 : memref<1x1x128xi32, #tpu.memory_space<vmem>> -> memref<128xi32, #tpu.memory_space<vmem>>
          %dma_start3A_626 = tpu.memref_slice %arg3[%add3A_542] : memref<655360xi32, #tpu.memory_space<hbm>> -> memref<128xi32, #tpu.memory_space<hbm>>
          tpu.enqueue_dma source(%dma_start3A_626 : memref<128xi32, #tpu.memory_space<hbm>>) target(%dma_start3A_625 : memref<128xi32, #tpu.memory_space<vmem>>) target_semaphore(%run_scoped3A_618 : memref<!tpu.dma_semaphore, #tpu.memory_space<semaphore_mem>>)
          %dma_wait3A_627 = arith.constant 0 : i32
          %dma_wait3A_628 = tpu.memref_slice %arg9[%select_n3A_530, %run_scoped3A_543, %dma_wait3A_627] : memref<4x5x128xi32, #tpu.memory_space<vmem>> -> memref<1x1x128xi32, #tpu.memory_space<vmem>>
          %dma_wait3A_629 = tpu.memref_squeeze %dma_wait3A_628 : memref<1x1x128xi32, #tpu.memory_space<vmem>> -> memref<128xi32, #tpu.memory_space<vmem>>
          %dma_wait3A_630 = tpu.memref_slice %arg3[%add3A_542] : memref<655360xi32, #tpu.memory_space<hbm>> -> memref<128xi32, #tpu.memory_space<hbm>>
          %dma_wait3A_631 = arith.constant 0 : i32
          %dma_wait3A_632 = tpu.memref_slice %arg9[%select_n3A_530, %run_scoped3A_543, %dma_wait3A_631] : memref<4x5x128xi32, #tpu.memory_space<vmem>> -> memref<1x1x128xi32, #tpu.memory_space<vmem>>
          %dma_wait3A_633 = tpu.memref_squeeze %dma_wait3A_632 : memref<1x1x128xi32, #tpu.memory_space<vmem>> -> memref<128xi32, #tpu.memory_space<vmem>>
          %dma_wait3A_634 = tpu.memref_slice %arg3[%add3A_542] : memref<655360xi32, #tpu.memory_space<hbm>> -> memref<128xi32, #tpu.memory_space<hbm>>
          tpu.wait_dma2 semaphore(%run_scoped3A_618 : memref<!tpu.dma_semaphore, #tpu.memory_space<semaphore_mem>>) src(%dma_wait3A_634 : memref<128xi32, #tpu.memory_space<hbm>>) dst(%dma_wait3A_633 : memref<128xi32, #tpu.memory_space<vmem>>)
          tpu.yield
        }) : () -> ()
        %add3A_544 = arith.constant 256 : i32
        %add3A_545 = arith.addi %add3A_537, %add3A_544 : i32
        %run_scoped3A_546 = arith.constant 2 : i32
        "tpu.region"() ({
          %run_scoped3A_618 = tpu.sem_alloc : memref<!tpu.dma_semaphore, #tpu.memory_space<semaphore_mem>>
          %dma_start3A_619 = arith.constant 0 : i32
          %dma_start3A_620 = tpu.memref_slice %arg9[%select_n3A_530, %run_scoped3A_546, %dma_start3A_619] : memref<4x5x128xi32, #tpu.memory_space<vmem>> -> memref<1x1x128xi32, #tpu.memory_space<vmem>>
          %dma_start3A_621 = tpu.memref_squeeze %dma_start3A_620 : memref<1x1x128xi32, #tpu.memory_space<vmem>> -> memref<128xi32, #tpu.memory_space<vmem>>
          %dma_start3A_622 = tpu.memref_slice %arg3[%add3A_545] : memref<655360xi32, #tpu.memory_space<hbm>> -> memref<128xi32, #tpu.memory_space<hbm>>
          %dma_start3A_623 = arith.constant 0 : i32
          %dma_start3A_624 = tpu.memref_slice %arg9[%select_n3A_530, %run_scoped3A_546, %dma_start3A_623] : memref<4x5x128xi32, #tpu.memory_space<vmem>> -> memref<1x1x128xi32, #tpu.memory_space<vmem>>
          %dma_start3A_625 = tpu.memref_squeeze %dma_start3A_624 : memref<1x1x128xi32, #tpu.memory_space<vmem>> -> memref<128xi32, #tpu.memory_space<vmem>>
          %dma_start3A_626 = tpu.memref_slice %arg3[%add3A_545] : memref<655360xi32, #tpu.memory_space<hbm>> -> memref<128xi32, #tpu.memory_space<hbm>>
          tpu.enqueue_dma source(%dma_start3A_626 : memref<128xi32, #tpu.memory_space<hbm>>) target(%dma_start3A_625 : memref<128xi32, #tpu.memory_space<vmem>>) target_semaphore(%run_scoped3A_618 : memref<!tpu.dma_semaphore, #tpu.memory_space<semaphore_mem>>)
          %dma_wait3A_627 = arith.constant 0 : i32
          %dma_wait3A_628 = tpu.memref_slice %arg9[%select_n3A_530, %run_scoped3A_546, %dma_wait3A_627] : memref<4x5x128xi32, #tpu.memory_space<vmem>> -> memref<1x1x128xi32, #tpu.memory_space<vmem>>
          %dma_wait3A_629 = tpu.memref_squeeze %dma_wait3A_628 : memref<1x1x128xi32, #tpu.memory_space<vmem>> -> memref<128xi32, #tpu.memory_space<vmem>>
          %dma_wait3A_630 = tpu.memref_slice %arg3[%add3A_545] : memref<655360xi32, #tpu.memory_space<hbm>> -> memref<128xi32, #tpu.memory_space<hbm>>
          %dma_wait3A_631 = arith.constant 0 : i32
          %dma_wait3A_632 = tpu.memref_slice %arg9[%select_n3A_530, %run_scoped3A_546, %dma_wait3A_631] : memref<4x5x128xi32, #tpu.memory_space<vmem>> -> memref<1x1x128xi32, #tpu.memory_space<vmem>>
          %dma_wait3A_633 = tpu.memref_squeeze %dma_wait3A_632 : memref<1x1x128xi32, #tpu.memory_space<vmem>> -> memref<128xi32, #tpu.memory_space<vmem>>
          %dma_wait3A_634 = tpu.memref_slice %arg3[%add3A_545] : memref<655360xi32, #tpu.memory_space<hbm>> -> memref<128xi32, #tpu.memory_space<hbm>>
          tpu.wait_dma2 semaphore(%run_scoped3A_618 : memref<!tpu.dma_semaphore, #tpu.memory_space<semaphore_mem>>) src(%dma_wait3A_634 : memref<128xi32, #tpu.memory_space<hbm>>) dst(%dma_wait3A_633 : memref<128xi32, #tpu.memory_space<vmem>>)
          tpu.yield
        }) : () -> ()
        %add3A_547 = arith.constant 384 : i32
        %add3A_548 = arith.addi %add3A_537, %add3A_547 : i32
        %run_scoped3A_549 = arith.constant 3 : i32
        "tpu.region"() ({
          %run_scoped3A_618 = tpu.sem_alloc : memref<!tpu.dma_semaphore, #tpu.memory_space<semaphore_mem>>
          %dma_start3A_619 = arith.constant 0 : i32
          %dma_start3A_620 = tpu.memref_slice %arg9[%select_n3A_530, %run_scoped3A_549, %dma_start3A_619] : memref<4x5x128xi32, #tpu.memory_space<vmem>> -> memref<1x1x128xi32, #tpu.memory_space<vmem>>
          %dma_start3A_621 = tpu.memref_squeeze %dma_start3A_620 : memref<1x1x128xi32, #tpu.memory_space<vmem>> -> memref<128xi32, #tpu.memory_space<vmem>>
          %dma_start3A_622 = tpu.memref_slice %arg3[%add3A_548] : memref<655360xi32, #tpu.memory_space<hbm>> -> memref<128xi32, #tpu.memory_space<hbm>>
          %dma_start3A_623 = arith.constant 0 : i32
          %dma_start3A_624 = tpu.memref_slice %arg9[%select_n3A_530, %run_scoped3A_549, %dma_start3A_623] : memref<4x5x128xi32, #tpu.memory_space<vmem>> -> memref<1x1x128xi32, #tpu.memory_space<vmem>>
          %dma_start3A_625 = tpu.memref_squeeze %dma_start3A_624 : memref<1x1x128xi32, #tpu.memory_space<vmem>> -> memref<128xi32, #tpu.memory_space<vmem>>
          %dma_start3A_626 = tpu.memref_slice %arg3[%add3A_548] : memref<655360xi32, #tpu.memory_space<hbm>> -> memref<128xi32, #tpu.memory_space<hbm>>
          tpu.enqueue_dma source(%dma_start3A_626 : memref<128xi32, #tpu.memory_space<hbm>>) target(%dma_start3A_625 : memref<128xi32, #tpu.memory_space<vmem>>) target_semaphore(%run_scoped3A_618 : memref<!tpu.dma_semaphore, #tpu.memory_space<semaphore_mem>>)
          %dma_wait3A_627 = arith.constant 0 : i32
          %dma_wait3A_628 = tpu.memref_slice %arg9[%select_n3A_530, %run_scoped3A_549, %dma_wait3A_627] : memref<4x5x128xi32, #tpu.memory_space<vmem>> -> memref<1x1x128xi32, #tpu.memory_space<vmem>>
          %dma_wait3A_629 = tpu.memref_squeeze %dma_wait3A_628 : memref<1x1x128xi32, #tpu.memory_space<vmem>> -> memref<128xi32, #tpu.memory_space<vmem>>
          %dma_wait3A_630 = tpu.memref_slice %arg3[%add3A_548] : memref<655360xi32, #tpu.memory_space<hbm>> -> memref<128xi32, #tpu.memory_space<hbm>>
          %dma_wait3A_631 = arith.constant 0 : i32
          %dma_wait3A_632 = tpu.memref_slice %arg9[%select_n3A_530, %run_scoped3A_549, %dma_wait3A_631] : memref<4x5x128xi32, #tpu.memory_space<vmem>> -> memref<1x1x128xi32, #tpu.memory_space<vmem>>
          %dma_wait3A_633 = tpu.memref_squeeze %dma_wait3A_632 : memref<1x1x128xi32, #tpu.memory_space<vmem>> -> memref<128xi32, #tpu.memory_space<vmem>>
          %dma_wait3A_634 = tpu.memref_slice %arg3[%add3A_548] : memref<655360xi32, #tpu.memory_space<hbm>> -> memref<128xi32, #tpu.memory_space<hbm>>
          tpu.wait_dma2 semaphore(%run_scoped3A_618 : memref<!tpu.dma_semaphore, #tpu.memory_space<semaphore_mem>>) src(%dma_wait3A_634 : memref<128xi32, #tpu.memory_space<hbm>>) dst(%dma_wait3A_633 : memref<128xi32, #tpu.memory_space<vmem>>)
          tpu.yield
        }) : () -> ()
        %add3A_550 = arith.constant 512 : i32
        %add3A_551 = arith.addi %add3A_537, %add3A_550 : i32
        %run_scoped3A_552 = arith.constant 4 : i32
        "tpu.region"() ({
          %run_scoped3A_618 = tpu.sem_alloc : memref<!tpu.dma_semaphore, #tpu.memory_space<semaphore_mem>>
          %dma_start3A_619 = arith.constant 0 : i32
          %dma_start3A_620 = tpu.memref_slice %arg9[%select_n3A_530, %run_scoped3A_552, %dma_start3A_619] : memref<4x5x128xi32, #tpu.memory_space<vmem>> -> memref<1x1x128xi32, #tpu.memory_space<vmem>>
          %dma_start3A_621 = tpu.memref_squeeze %dma_start3A_620 : memref<1x1x128xi32, #tpu.memory_space<vmem>> -> memref<128xi32, #tpu.memory_space<vmem>>
          %dma_start3A_622 = tpu.memref_slice %arg3[%add3A_551] : memref<655360xi32, #tpu.memory_space<hbm>> -> memref<128xi32, #tpu.memory_space<hbm>>
          %dma_start3A_623 = arith.constant 0 : i32
          %dma_start3A_624 = tpu.memref_slice %arg9[%select_n3A_530, %run_scoped3A_552, %dma_start3A_623] : memref<4x5x128xi32, #tpu.memory_space<vmem>> -> memref<1x1x128xi32, #tpu.memory_space<vmem>>
          %dma_start3A_625 = tpu.memref_squeeze %dma_start3A_624 : memref<1x1x128xi32, #tpu.memory_space<vmem>> -> memref<128xi32, #tpu.memory_space<vmem>>
          %dma_start3A_626 = tpu.memref_slice %arg3[%add3A_551] : memref<655360xi32, #tpu.memory_space<hbm>> -> memref<128xi32, #tpu.memory_space<hbm>>
          tpu.enqueue_dma source(%dma_start3A_626 : memref<128xi32, #tpu.memory_space<hbm>>) target(%dma_start3A_625 : memref<128xi32, #tpu.memory_space<vmem>>) target_semaphore(%run_scoped3A_618 : memref<!tpu.dma_semaphore, #tpu.memory_space<semaphore_mem>>)
          %dma_wait3A_627 = arith.constant 0 : i32
          %dma_wait3A_628 = tpu.memref_slice %arg9[%select_n3A_530, %run_scoped3A_552, %dma_wait3A_627] : memref<4x5x128xi32, #tpu.memory_space<vmem>> -> memref<1x1x128xi32, #tpu.memory_space<vmem>>
          %dma_wait3A_629 = tpu.memref_squeeze %dma_wait3A_628 : memref<1x1x128xi32, #tpu.memory_space<vmem>> -> memref<128xi32, #tpu.memory_space<vmem>>
          %dma_wait3A_630 = tpu.memref_slice %arg3[%add3A_551] : memref<655360xi32, #tpu.memory_space<hbm>> -> memref<128xi32, #tpu.memory_space<hbm>>
          %dma_wait3A_631 = arith.constant 0 : i32
          %dma_wait3A_632 = tpu.memref_slice %arg9[%select_n3A_530, %run_scoped3A_552, %dma_wait3A_631] : memref<4x5x128xi32, #tpu.memory_space<vmem>> -> memref<1x1x128xi32, #tpu.memory_space<vmem>>
          %dma_wait3A_633 = tpu.memref_squeeze %dma_wait3A_632 : memref<1x1x128xi32, #tpu.memory_space<vmem>> -> memref<128xi32, #tpu.memory_space<vmem>>
          %dma_wait3A_634 = tpu.memref_slice %arg3[%add3A_551] : memref<655360xi32, #tpu.memory_space<hbm>> -> memref<128xi32, #tpu.memory_space<hbm>>
          tpu.wait_dma2 semaphore(%run_scoped3A_618 : memref<!tpu.dma_semaphore, #tpu.memory_space<semaphore_mem>>) src(%dma_wait3A_634 : memref<128xi32, #tpu.memory_space<hbm>>) dst(%dma_wait3A_633 : memref<128xi32, #tpu.memory_space<vmem>>)
          tpu.yield
        }) : () -> ()
        "tpu.region"() ({
          %run_scoped3A_618 = tpu.sem_alloc : memref<!tpu.dma_semaphore, #tpu.memory_space<semaphore_mem>>
          %dma_start3A_619 = arith.constant 0 : i32
          %dma_start3A_620 = tpu.memref_slice %arg10[%select_n3A_530, %dma_start3A_619] : memref<4x640xf32, #tpu.memory_space<vmem>> -> memref<1x640xf32, #tpu.memory_space<vmem>>
          %dma_start3A_621 = tpu.memref_squeeze %dma_start3A_620 : memref<1x640xf32, #tpu.memory_space<vmem>> -> memref<640xf32, #tpu.memory_space<vmem>>
          %dma_start3A_622 = tpu.memref_slice %arg4[%add3A_537] : memref<655360xf32, #tpu.memory_space<hbm>> -> memref<640xf32, #tpu.memory_space<hbm>>
          %dma_start3A_623 = arith.constant 0 : i32
          %dma_start3A_624 = tpu.memref_slice %arg10[%select_n3A_530, %dma_start3A_623] : memref<4x640xf32, #tpu.memory_space<vmem>> -> memref<1x640xf32, #tpu.memory_space<vmem>>
          %dma_start3A_625 = tpu.memref_squeeze %dma_start3A_624 : memref<1x640xf32, #tpu.memory_space<vmem>> -> memref<640xf32, #tpu.memory_space<vmem>>
          %dma_start3A_626 = tpu.memref_slice %arg4[%add3A_537] : memref<655360xf32, #tpu.memory_space<hbm>> -> memref<640xf32, #tpu.memory_space<hbm>>
          tpu.enqueue_dma source(%dma_start3A_626 : memref<640xf32, #tpu.memory_space<hbm>>) target(%dma_start3A_625 : memref<640xf32, #tpu.memory_space<vmem>>) target_semaphore(%run_scoped3A_618 : memref<!tpu.dma_semaphore, #tpu.memory_space<semaphore_mem>>)
          %dma_wait3A_627 = arith.constant 0 : i32
          %dma_wait3A_628 = tpu.memref_slice %arg10[%select_n3A_530, %dma_wait3A_627] : memref<4x640xf32, #tpu.memory_space<vmem>> -> memref<1x640xf32, #tpu.memory_space<vmem>>
          %dma_wait3A_629 = tpu.memref_squeeze %dma_wait3A_628 : memref<1x640xf32, #tpu.memory_space<vmem>> -> memref<640xf32, #tpu.memory_space<vmem>>
          %dma_wait3A_630 = tpu.memref_slice %arg4[%add3A_537] : memref<655360xf32, #tpu.memory_space<hbm>> -> memref<640xf32, #tpu.memory_space<hbm>>
          %dma_wait3A_631 = arith.constant 0 : i32
          %dma_wait3A_632 = tpu.memref_slice %arg10[%select_n3A_530, %dma_wait3A_631] : memref<4x640xf32, #tpu.memory_space<vmem>> -> memref<1x640xf32, #tpu.memory_space<vmem>>
          %dma_wait3A_633 = tpu.memref_squeeze %dma_wait3A_632 : memref<1x640xf32, #tpu.memory_space<vmem>> -> memref<640xf32, #tpu.memory_space<vmem>>
          %dma_wait3A_634 = tpu.memref_slice %arg4[%add3A_537] : memref<655360xf32, #tpu.memory_space<hbm>> -> memref<640xf32, #tpu.memory_space<hbm>>
          tpu.wait_dma2 semaphore(%run_scoped3A_618 : memref<!tpu.dma_semaphore, #tpu.memory_space<semaphore_mem>>) src(%dma_wait3A_634 : memref<640xf32, #tpu.memory_space<hbm>>) dst(%dma_wait3A_633 : memref<640xf32, #tpu.memory_space<vmem>>)
          tpu.yield
        }) : () -> ()
        %dma_start3A_553 = arith.constant 0 : i32
        %dma_start3A_554 = arith.constant 0 : i32
        %dma_start3A_555 = arith.constant 0 : i32
        %dma_start3A_556 = tpu.memref_slice %arg11[%select_n3A_530, %dma_start3A_554, %dma_start3A_555] : memref<4x640x32xf32, #tpu.memory_space<vmem>> -> memref<1x128x32xf32, #tpu.memory_space<vmem>>
        %dma_start3A_557 = tpu.memref_squeeze %dma_start3A_556 : memref<1x128x32xf32, #tpu.memory_space<vmem>> -> memref<128x32xf32, #tpu.memory_space<vmem>>
        %dma_start3A_558 = arith.constant 0 : i32
        %dma_start3A_559 = tpu.memref_slice %arg9[%select_n3A_530, %dma_start3A_553, %dma_start3A_558] : memref<4x5x128xi32, #tpu.memory_space<vmem>> -> memref<1x1x128xi32, #tpu.memory_space<vmem>>
        %dma_start3A_560 = tpu.memref_squeeze %dma_start3A_559 : memref<1x1x128xi32, #tpu.memory_space<vmem>> -> memref<128xi32, #tpu.memory_space<vmem>>
        %dma_start3A_561 = arith.constant 0 : i32
        %dma_start3A_562 = arith.constant 0 : i32
        %dma_start3A_563 = tpu.memref_slice %arg2[%dma_start3A_561, %dma_start3A_562] : memref<100000x32xf32, #tpu.memory_space<hbm>> -> memref<100000x32xf32, #tpu.memory_space<hbm>>
        %dma_start3A_564 = tpu.memref_slice %arg14[%select_n3A_530] : memref<4x!tpu.dma_semaphore, #tpu.memory_space<semaphore_mem>> -> memref<1x!tpu.dma_semaphore, #tpu.memory_space<semaphore_mem>>
        %dma_start3A_565 = tpu.memref_squeeze %dma_start3A_564 : memref<1x!tpu.dma_semaphore, #tpu.memory_space<semaphore_mem>> -> memref<!tpu.dma_semaphore, #tpu.memory_space<semaphore_mem>>
        tpu.enqueue_indirect_dma source(%dma_start3A_563 : memref<100000x32xf32, #tpu.memory_space<hbm>>) target(%dma_start3A_557 : memref<128x32xf32, #tpu.memory_space<vmem>>) offsets(%dma_start3A_560 : memref<128xi32, #tpu.memory_space<vmem>>) semaphore(%dma_start3A_565 : memref<!tpu.dma_semaphore, #tpu.memory_space<semaphore_mem>>)
        %dma_start3A_566 = arith.constant 1 : i32
        %dma_start3A_567 = arith.constant 128 : i32
        %dma_start3A_568 = arith.constant 0 : i32
        %dma_start3A_569 = tpu.memref_slice %arg11[%select_n3A_530, %dma_start3A_567, %dma_start3A_568] : memref<4x640x32xf32, #tpu.memory_space<vmem>> -> memref<1x128x32xf32, #tpu.memory_space<vmem>>
        %dma_start3A_570 = tpu.memref_squeeze %dma_start3A_569 : memref<1x128x32xf32, #tpu.memory_space<vmem>> -> memref<128x32xf32, #tpu.memory_space<vmem>>
        %dma_start3A_571 = arith.constant 0 : i32
        %dma_start3A_572 = tpu.memref_slice %arg9[%select_n3A_530, %dma_start3A_566, %dma_start3A_571] : memref<4x5x128xi32, #tpu.memory_space<vmem>> -> memref<1x1x128xi32, #tpu.memory_space<vmem>>
        %dma_start3A_573 = tpu.memref_squeeze %dma_start3A_572 : memref<1x1x128xi32, #tpu.memory_space<vmem>> -> memref<128xi32, #tpu.memory_space<vmem>>
        %dma_start3A_574 = arith.constant 0 : i32
        %dma_start3A_575 = arith.constant 0 : i32
        %dma_start3A_576 = tpu.memref_slice %arg2[%dma_start3A_574, %dma_start3A_575] : memref<100000x32xf32, #tpu.memory_space<hbm>> -> memref<100000x32xf32, #tpu.memory_space<hbm>>
        %dma_start3A_577 = tpu.memref_slice %arg14[%select_n3A_530] : memref<4x!tpu.dma_semaphore, #tpu.memory_space<semaphore_mem>> -> memref<1x!tpu.dma_semaphore, #tpu.memory_space<semaphore_mem>>
        %dma_start3A_578 = tpu.memref_squeeze %dma_start3A_577 : memref<1x!tpu.dma_semaphore, #tpu.memory_space<semaphore_mem>> -> memref<!tpu.dma_semaphore, #tpu.memory_space<semaphore_mem>>
        tpu.enqueue_indirect_dma source(%dma_start3A_576 : memref<100000x32xf32, #tpu.memory_space<hbm>>) target(%dma_start3A_570 : memref<128x32xf32, #tpu.memory_space<vmem>>) offsets(%dma_start3A_573 : memref<128xi32, #tpu.memory_space<vmem>>) semaphore(%dma_start3A_578 : memref<!tpu.dma_semaphore, #tpu.memory_space<semaphore_mem>>)
        %dma_start3A_579 = arith.constant 2 : i32
        %dma_start3A_580 = arith.constant 256 : i32
        %dma_start3A_581 = arith.constant 0 : i32
        %dma_start3A_582 = tpu.memref_slice %arg11[%select_n3A_530, %dma_start3A_580, %dma_start3A_581] : memref<4x640x32xf32, #tpu.memory_space<vmem>> -> memref<1x128x32xf32, #tpu.memory_space<vmem>>
        %dma_start3A_583 = tpu.memref_squeeze %dma_start3A_582 : memref<1x128x32xf32, #tpu.memory_space<vmem>> -> memref<128x32xf32, #tpu.memory_space<vmem>>
        %dma_start3A_584 = arith.constant 0 : i32
        %dma_start3A_585 = tpu.memref_slice %arg9[%select_n3A_530, %dma_start3A_579, %dma_start3A_584] : memref<4x5x128xi32, #tpu.memory_space<vmem>> -> memref<1x1x128xi32, #tpu.memory_space<vmem>>
        %dma_start3A_586 = tpu.memref_squeeze %dma_start3A_585 : memref<1x1x128xi32, #tpu.memory_space<vmem>> -> memref<128xi32, #tpu.memory_space<vmem>>
        %dma_start3A_587 = arith.constant 0 : i32
        %dma_start3A_588 = arith.constant 0 : i32
        %dma_start3A_589 = tpu.memref_slice %arg2[%dma_start3A_587, %dma_start3A_588] : memref<100000x32xf32, #tpu.memory_space<hbm>> -> memref<100000x32xf32, #tpu.memory_space<hbm>>
        %dma_start3A_590 = tpu.memref_slice %arg14[%select_n3A_530] : memref<4x!tpu.dma_semaphore, #tpu.memory_space<semaphore_mem>> -> memref<1x!tpu.dma_semaphore, #tpu.memory_space<semaphore_mem>>
        %dma_start3A_591 = tpu.memref_squeeze %dma_start3A_590 : memref<1x!tpu.dma_semaphore, #tpu.memory_space<semaphore_mem>> -> memref<!tpu.dma_semaphore, #tpu.memory_space<semaphore_mem>>
        tpu.enqueue_indirect_dma source(%dma_start3A_589 : memref<100000x32xf32, #tpu.memory_space<hbm>>) target(%dma_start3A_583 : memref<128x32xf32, #tpu.memory_space<vmem>>) offsets(%dma_start3A_586 : memref<128xi32, #tpu.memory_space<vmem>>) semaphore(%dma_start3A_591 : memref<!tpu.dma_semaphore, #tpu.memory_space<semaphore_mem>>)
        %dma_start3A_592 = arith.constant 3 : i32
        %dma_start3A_593 = arith.constant 384 : i32
        %dma_start3A_594 = arith.constant 0 : i32
        %dma_start3A_595 = tpu.memref_slice %arg11[%select_n3A_530, %dma_start3A_593, %dma_start3A_594] : memref<4x640x32xf32, #tpu.memory_space<vmem>> -> memref<1x128x32xf32, #tpu.memory_space<vmem>>
        %dma_start3A_596 = tpu.memref_squeeze %dma_start3A_595 : memref<1x128x32xf32, #tpu.memory_space<vmem>> -> memref<128x32xf32, #tpu.memory_space<vmem>>
        %dma_start3A_597 = arith.constant 0 : i32
        %dma_start3A_598 = tpu.memref_slice %arg9[%select_n3A_530, %dma_start3A_592, %dma_start3A_597] : memref<4x5x128xi32, #tpu.memory_space<vmem>> -> memref<1x1x128xi32, #tpu.memory_space<vmem>>
        %dma_start3A_599 = tpu.memref_squeeze %dma_start3A_598 : memref<1x1x128xi32, #tpu.memory_space<vmem>> -> memref<128xi32, #tpu.memory_space<vmem>>
        %dma_start3A_600 = arith.constant 0 : i32
        %dma_start3A_601 = arith.constant 0 : i32
        %dma_start3A_602 = tpu.memref_slice %arg2[%dma_start3A_600, %dma_start3A_601] : memref<100000x32xf32, #tpu.memory_space<hbm>> -> memref<100000x32xf32, #tpu.memory_space<hbm>>
        %dma_start3A_603 = tpu.memref_slice %arg14[%select_n3A_530] : memref<4x!tpu.dma_semaphore, #tpu.memory_space<semaphore_mem>> -> memref<1x!tpu.dma_semaphore, #tpu.memory_space<semaphore_mem>>
        %dma_start3A_604 = tpu.memref_squeeze %dma_start3A_603 : memref<1x!tpu.dma_semaphore, #tpu.memory_space<semaphore_mem>> -> memref<!tpu.dma_semaphore, #tpu.memory_space<semaphore_mem>>
        tpu.enqueue_indirect_dma source(%dma_start3A_602 : memref<100000x32xf32, #tpu.memory_space<hbm>>) target(%dma_start3A_596 : memref<128x32xf32, #tpu.memory_space<vmem>>) offsets(%dma_start3A_599 : memref<128xi32, #tpu.memory_space<vmem>>) semaphore(%dma_start3A_604 : memref<!tpu.dma_semaphore, #tpu.memory_space<semaphore_mem>>)
        %dma_start3A_605 = arith.constant 4 : i32
        %dma_start3A_606 = arith.constant 512 : i32
        %dma_start3A_607 = arith.constant 0 : i32
        %dma_start3A_608 = tpu.memref_slice %arg11[%select_n3A_530, %dma_start3A_606, %dma_start3A_607] : memref<4x640x32xf32, #tpu.memory_space<vmem>> -> memref<1x128x32xf32, #tpu.memory_space<vmem>>
        %dma_start3A_609 = tpu.memref_squeeze %dma_start3A_608 : memref<1x128x32xf32, #tpu.memory_space<vmem>> -> memref<128x32xf32, #tpu.memory_space<vmem>>
        %dma_start3A_610 = arith.constant 0 : i32
        %dma_start3A_611 = tpu.memref_slice %arg9[%select_n3A_530, %dma_start3A_605, %dma_start3A_610] : memref<4x5x128xi32, #tpu.memory_space<vmem>> -> memref<1x1x128xi32, #tpu.memory_space<vmem>>
        %dma_start3A_612 = tpu.memref_squeeze %dma_start3A_611 : memref<1x1x128xi32, #tpu.memory_space<vmem>> -> memref<128xi32, #tpu.memory_space<vmem>>
        %dma_start3A_613 = arith.constant 0 : i32
        %dma_start3A_614 = arith.constant 0 : i32
        %dma_start3A_615 = tpu.memref_slice %arg2[%dma_start3A_613, %dma_start3A_614] : memref<100000x32xf32, #tpu.memory_space<hbm>> -> memref<100000x32xf32, #tpu.memory_space<hbm>>
        %dma_start3A_616 = tpu.memref_slice %arg14[%select_n3A_530] : memref<4x!tpu.dma_semaphore, #tpu.memory_space<semaphore_mem>> -> memref<1x!tpu.dma_semaphore, #tpu.memory_space<semaphore_mem>>
        %dma_start3A_617 = tpu.memref_squeeze %dma_start3A_616 : memref<1x!tpu.dma_semaphore, #tpu.memory_space<semaphore_mem>> -> memref<!tpu.dma_semaphore, #tpu.memory_space<semaphore_mem>>
        tpu.enqueue_indirect_dma source(%dma_start3A_615 : memref<100000x32xf32, #tpu.memory_space<hbm>>) target(%dma_start3A_609 : memref<128x32xf32, #tpu.memory_space<vmem>>) offsets(%dma_start3A_612 : memref<128xi32, #tpu.memory_space<vmem>>) semaphore(%dma_start3A_617 : memref<!tpu.dma_semaphore, #tpu.memory_space<semaphore_mem>>)
      } else {
      }
      %jit3A_409 = arith.constant 4 : i32
      %eq3A_410 = arith.constant 0 : i32
      %eq3A_411 = arith.cmpi eq, %jit3A_409, %eq3A_410 : i32
      %jit3A_412 = arith.constant 1 : i32
      %select_n3A_413 = arith.select %eq3A_411, %jit3A_412, %jit3A_409 : i32
      %rem3A = arith.remsi %while3A_404, %select_n3A_413 : i32
      %ne3A = arith.constant 0 : i32
      %ne3A_414 = arith.cmpi ne, %rem3A, %ne3A : i32
      %lt3A_415 = arith.constant 0 : i32
      %lt3A_416 = arith.cmpi slt, %rem3A, %lt3A_415 : i32
      %lt3A_417 = arith.constant 0 : i32
      %lt3A_418 = arith.cmpi slt, %select_n3A_413, %lt3A_417 : i32
      %ne3A_419 = arith.xori %lt3A_416, %lt3A_418 : i1
      %and3A = arith.andi %ne3A_419, %ne3A_414 : i1
      %add3A_420 = arith.addi %rem3A, %select_n3A_413 : i32
      %select_n3A_421 = arith.select %and3A, %add3A_420, %rem3A : i32
      %dma_wait3A_422 = arith.constant 0 : i32
      %dma_wait3A_423 = arith.constant 0 : i32
      %dma_wait3A_424 = arith.constant 0 : i32
      %dma_wait3A_425 = tpu.memref_slice %arg11[%select_n3A_421, %dma_wait3A_423, %dma_wait3A_424] : memref<4x640x32xf32, #tpu.memory_space<vmem>> -> memref<1x128x32xf32, #tpu.memory_space<vmem>>
      %dma_wait3A_426 = tpu.memref_squeeze %dma_wait3A_425 : memref<1x128x32xf32, #tpu.memory_space<vmem>> -> memref<128x32xf32, #tpu.memory_space<vmem>>
      %dma_wait3A_427 = arith.constant 0 : i32
      %dma_wait3A_428 = tpu.memref_slice %arg9[%select_n3A_421, %dma_wait3A_422, %dma_wait3A_427] : memref<4x5x128xi32, #tpu.memory_space<vmem>> -> memref<1x1x128xi32, #tpu.memory_space<vmem>>
      %dma_wait3A_429 = tpu.memref_squeeze %dma_wait3A_428 : memref<1x1x128xi32, #tpu.memory_space<vmem>> -> memref<128xi32, #tpu.memory_space<vmem>>
      %dma_wait3A_430 = arith.constant 0 : i32
      %dma_wait3A_431 = arith.constant 0 : i32
      %dma_wait3A_432 = tpu.memref_slice %arg2[%dma_wait3A_430, %dma_wait3A_431] : memref<100000x32xf32, #tpu.memory_space<hbm>> -> memref<100000x32xf32, #tpu.memory_space<hbm>>
      %dma_wait3A_433 = tpu.memref_slice %arg14[%select_n3A_421] : memref<4x!tpu.dma_semaphore, #tpu.memory_space<semaphore_mem>> -> memref<1x!tpu.dma_semaphore, #tpu.memory_space<semaphore_mem>>
      %dma_wait3A_434 = tpu.memref_squeeze %dma_wait3A_433 : memref<1x!tpu.dma_semaphore, #tpu.memory_space<semaphore_mem>> -> memref<!tpu.dma_semaphore, #tpu.memory_space<semaphore_mem>>
      tpu.wait_indirect_dma semaphore(%dma_wait3A_434 : memref<!tpu.dma_semaphore, #tpu.memory_space<semaphore_mem>>) src(%dma_wait3A_432 : memref<100000x32xf32, #tpu.memory_space<hbm>>) dst(%dma_wait3A_426 : memref<128x32xf32, #tpu.memory_space<vmem>>)
      %dma_wait3A_435 = arith.constant 1 : i32
      %dma_wait3A_436 = arith.constant 128 : i32
      %dma_wait3A_437 = arith.constant 0 : i32
      %dma_wait3A_438 = tpu.memref_slice %arg11[%select_n3A_421, %dma_wait3A_436, %dma_wait3A_437] : memref<4x640x32xf32, #tpu.memory_space<vmem>> -> memref<1x128x32xf32, #tpu.memory_space<vmem>>
      %dma_wait3A_439 = tpu.memref_squeeze %dma_wait3A_438 : memref<1x128x32xf32, #tpu.memory_space<vmem>> -> memref<128x32xf32, #tpu.memory_space<vmem>>
      %dma_wait3A_440 = arith.constant 0 : i32
      %dma_wait3A_441 = tpu.memref_slice %arg9[%select_n3A_421, %dma_wait3A_435, %dma_wait3A_440] : memref<4x5x128xi32, #tpu.memory_space<vmem>> -> memref<1x1x128xi32, #tpu.memory_space<vmem>>
      %dma_wait3A_442 = tpu.memref_squeeze %dma_wait3A_441 : memref<1x1x128xi32, #tpu.memory_space<vmem>> -> memref<128xi32, #tpu.memory_space<vmem>>
      %dma_wait3A_443 = arith.constant 0 : i32
      %dma_wait3A_444 = arith.constant 0 : i32
      %dma_wait3A_445 = tpu.memref_slice %arg2[%dma_wait3A_443, %dma_wait3A_444] : memref<100000x32xf32, #tpu.memory_space<hbm>> -> memref<100000x32xf32, #tpu.memory_space<hbm>>
      %dma_wait3A_446 = tpu.memref_slice %arg14[%select_n3A_421] : memref<4x!tpu.dma_semaphore, #tpu.memory_space<semaphore_mem>> -> memref<1x!tpu.dma_semaphore, #tpu.memory_space<semaphore_mem>>
      %dma_wait3A_447 = tpu.memref_squeeze %dma_wait3A_446 : memref<1x!tpu.dma_semaphore, #tpu.memory_space<semaphore_mem>> -> memref<!tpu.dma_semaphore, #tpu.memory_space<semaphore_mem>>
      tpu.wait_indirect_dma semaphore(%dma_wait3A_447 : memref<!tpu.dma_semaphore, #tpu.memory_space<semaphore_mem>>) src(%dma_wait3A_445 : memref<100000x32xf32, #tpu.memory_space<hbm>>) dst(%dma_wait3A_439 : memref<128x32xf32, #tpu.memory_space<vmem>>)
      %dma_wait3A_448 = arith.constant 2 : i32
      %dma_wait3A_449 = arith.constant 256 : i32
      %dma_wait3A_450 = arith.constant 0 : i32
      %dma_wait3A_451 = tpu.memref_slice %arg11[%select_n3A_421, %dma_wait3A_449, %dma_wait3A_450] : memref<4x640x32xf32, #tpu.memory_space<vmem>> -> memref<1x128x32xf32, #tpu.memory_space<vmem>>
      %dma_wait3A_452 = tpu.memref_squeeze %dma_wait3A_451 : memref<1x128x32xf32, #tpu.memory_space<vmem>> -> memref<128x32xf32, #tpu.memory_space<vmem>>
      %dma_wait3A_453 = arith.constant 0 : i32
      %dma_wait3A_454 = tpu.memref_slice %arg9[%select_n3A_421, %dma_wait3A_448, %dma_wait3A_453] : memref<4x5x128xi32, #tpu.memory_space<vmem>> -> memref<1x1x128xi32, #tpu.memory_space<vmem>>
      %dma_wait3A_455 = tpu.memref_squeeze %dma_wait3A_454 : memref<1x1x128xi32, #tpu.memory_space<vmem>> -> memref<128xi32, #tpu.memory_space<vmem>>
      %dma_wait3A_456 = arith.constant 0 : i32
      %dma_wait3A_457 = arith.constant 0 : i32
      %dma_wait3A_458 = tpu.memref_slice %arg2[%dma_wait3A_456, %dma_wait3A_457] : memref<100000x32xf32, #tpu.memory_space<hbm>> -> memref<100000x32xf32, #tpu.memory_space<hbm>>
      %dma_wait3A_459 = tpu.memref_slice %arg14[%select_n3A_421] : memref<4x!tpu.dma_semaphore, #tpu.memory_space<semaphore_mem>> -> memref<1x!tpu.dma_semaphore, #tpu.memory_space<semaphore_mem>>
      %dma_wait3A_460 = tpu.memref_squeeze %dma_wait3A_459 : memref<1x!tpu.dma_semaphore, #tpu.memory_space<semaphore_mem>> -> memref<!tpu.dma_semaphore, #tpu.memory_space<semaphore_mem>>
      tpu.wait_indirect_dma semaphore(%dma_wait3A_460 : memref<!tpu.dma_semaphore, #tpu.memory_space<semaphore_mem>>) src(%dma_wait3A_458 : memref<100000x32xf32, #tpu.memory_space<hbm>>) dst(%dma_wait3A_452 : memref<128x32xf32, #tpu.memory_space<vmem>>)
      %dma_wait3A_461 = arith.constant 3 : i32
      %dma_wait3A_462 = arith.constant 384 : i32
      %dma_wait3A_463 = arith.constant 0 : i32
      %dma_wait3A_464 = tpu.memref_slice %arg11[%select_n3A_421, %dma_wait3A_462, %dma_wait3A_463] : memref<4x640x32xf32, #tpu.memory_space<vmem>> -> memref<1x128x32xf32, #tpu.memory_space<vmem>>
      %dma_wait3A_465 = tpu.memref_squeeze %dma_wait3A_464 : memref<1x128x32xf32, #tpu.memory_space<vmem>> -> memref<128x32xf32, #tpu.memory_space<vmem>>
      %dma_wait3A_466 = arith.constant 0 : i32
      %dma_wait3A_467 = tpu.memref_slice %arg9[%select_n3A_421, %dma_wait3A_461, %dma_wait3A_466] : memref<4x5x128xi32, #tpu.memory_space<vmem>> -> memref<1x1x128xi32, #tpu.memory_space<vmem>>
      %dma_wait3A_468 = tpu.memref_squeeze %dma_wait3A_467 : memref<1x1x128xi32, #tpu.memory_space<vmem>> -> memref<128xi32, #tpu.memory_space<vmem>>
      %dma_wait3A_469 = arith.constant 0 : i32
      %dma_wait3A_470 = arith.constant 0 : i32
      %dma_wait3A_471 = tpu.memref_slice %arg2[%dma_wait3A_469, %dma_wait3A_470] : memref<100000x32xf32, #tpu.memory_space<hbm>> -> memref<100000x32xf32, #tpu.memory_space<hbm>>
      %dma_wait3A_472 = tpu.memref_slice %arg14[%select_n3A_421] : memref<4x!tpu.dma_semaphore, #tpu.memory_space<semaphore_mem>> -> memref<1x!tpu.dma_semaphore, #tpu.memory_space<semaphore_mem>>
      %dma_wait3A_473 = tpu.memref_squeeze %dma_wait3A_472 : memref<1x!tpu.dma_semaphore, #tpu.memory_space<semaphore_mem>> -> memref<!tpu.dma_semaphore, #tpu.memory_space<semaphore_mem>>
      tpu.wait_indirect_dma semaphore(%dma_wait3A_473 : memref<!tpu.dma_semaphore, #tpu.memory_space<semaphore_mem>>) src(%dma_wait3A_471 : memref<100000x32xf32, #tpu.memory_space<hbm>>) dst(%dma_wait3A_465 : memref<128x32xf32, #tpu.memory_space<vmem>>)
      %dma_wait3A_474 = arith.constant 4 : i32
      %dma_wait3A_475 = arith.constant 512 : i32
      %dma_wait3A_476 = arith.constant 0 : i32
      %dma_wait3A_477 = tpu.memref_slice %arg11[%select_n3A_421, %dma_wait3A_475, %dma_wait3A_476] : memref<4x640x32xf32, #tpu.memory_space<vmem>> -> memref<1x128x32xf32, #tpu.memory_space<vmem>>
      %dma_wait3A_478 = tpu.memref_squeeze %dma_wait3A_477 : memref<1x128x32xf32, #tpu.memory_space<vmem>> -> memref<128x32xf32, #tpu.memory_space<vmem>>
      %dma_wait3A_479 = arith.constant 0 : i32
      %dma_wait3A_480 = tpu.memref_slice %arg9[%select_n3A_421, %dma_wait3A_474, %dma_wait3A_479] : memref<4x5x128xi32, #tpu.memory_space<vmem>> -> memref<1x1x128xi32, #tpu.memory_space<vmem>>
      %dma_wait3A_481 = tpu.memref_squeeze %dma_wait3A_480 : memref<1x1x128xi32, #tpu.memory_space<vmem>> -> memref<128xi32, #tpu.memory_space<vmem>>
      %dma_wait3A_482 = arith.constant 0 : i32
      %dma_wait3A_483 = arith.constant 0 : i32
      %dma_wait3A_484 = tpu.memref_slice %arg2[%dma_wait3A_482, %dma_wait3A_483] : memref<100000x32xf32, #tpu.memory_space<hbm>> -> memref<100000x32xf32, #tpu.memory_space<hbm>>
      %dma_wait3A_485 = tpu.memref_slice %arg14[%select_n3A_421] : memref<4x!tpu.dma_semaphore, #tpu.memory_space<semaphore_mem>> -> memref<1x!tpu.dma_semaphore, #tpu.memory_space<semaphore_mem>>
      %dma_wait3A_486 = tpu.memref_squeeze %dma_wait3A_485 : memref<1x!tpu.dma_semaphore, #tpu.memory_space<semaphore_mem>> -> memref<!tpu.dma_semaphore, #tpu.memory_space<semaphore_mem>>
      tpu.wait_indirect_dma semaphore(%dma_wait3A_486 : memref<!tpu.dma_semaphore, #tpu.memory_space<semaphore_mem>>) src(%dma_wait3A_484 : memref<100000x32xf32, #tpu.memory_space<hbm>>) dst(%dma_wait3A_478 : memref<128x32xf32, #tpu.memory_space<vmem>>)
      %jit3A_487 = arith.constant 4 : i32
      %eq3A_488 = arith.constant 0 : i32
      %eq3A_489 = arith.cmpi eq, %jit3A_487, %eq3A_488 : i32
      %jit3A_490 = arith.constant 1 : i32
      %select_n3A_491 = arith.select %eq3A_489, %jit3A_490, %jit3A_487 : i32
      %rem3A_492 = arith.remsi %while3A_404, %select_n3A_491 : i32
      %ne3A_493 = arith.constant 0 : i32
      %ne3A_494 = arith.cmpi ne, %rem3A_492, %ne3A_493 : i32
      %lt3A_495 = arith.constant 0 : i32
      %lt3A_496 = arith.cmpi slt, %rem3A_492, %lt3A_495 : i32
      %lt3A_497 = arith.constant 0 : i32
      %lt3A_498 = arith.cmpi slt, %select_n3A_491, %lt3A_497 : i32
      %ne3A_499 = arith.xori %lt3A_496, %lt3A_498 : i1
      %and3A_500 = arith.andi %ne3A_499, %ne3A_494 : i1
      %add3A_501 = arith.addi %rem3A_492, %select_n3A_491 : i32
      %select_n3A_502 = arith.select %and3A_500, %add3A_501, %rem3A_492 : i32
      %scan3A = arith.constant 0 : i32
      %scan3A_503 = arith.constant 0 : i32
      %scan3A_504 = arith.constant 40 : i32
      %scan3A_505 = arith.addi %scan3A_503, %scan3A_504 : i32
      %scan3A_506 = arith.constant 1 : i32
      scf.for %scan3A_511 = %scan3A_503 to %scan3A_505 step %scan3A_506  : i32 {
        %mul3A_512 = arith.constant 16 : i32
        %mul3A_513 = arith.muli %scan3A_511, %mul3A_512 : i32
        %get3A = arith.index_cast %select_n3A_502 : i32 to index
        %get3A_514 = arith.index_cast %mul3A_513 : i32 to index
        %get3A_515 = tpu.vector_load %arg10[%get3A, %get3A_514] {strides = array<i32>} : memref<4x640xf32, #tpu.memory_space<vmem>>, vector<1x16xf32>,
        %get3A_516 = vector.shape_cast %get3A_515 : vector<1x16xf32> to vector<16xf32>
        %exp3A = math.exp %get3A_516 : vector<16xf32>
        %iota3A = tpu.iota {dimensions = array<i32: 0>} : vector<16xi32>
        %xor3A = arith.constant 1 : i32
        %xor3A_517 = vector.broadcast %xor3A : i32 to vector<16xi32>
        %xor3A_518 = arith.xori %iota3A, %xor3A_517 : vector<16xi32>
        %broadcast_in_dim3A = vector.shape_cast %xor3A_518 : vector<16xi32> to vector<16x1xi32>
        %gather3A = vector.shape_cast %broadcast_in_dim3A : vector<16x1xi32> to vector<16xi32>
        %gather3A_519 = tpu.dynamic_gather %exp3A[%gather3A] in [0] : vector<16xf32>, vector<16xi32> -> vector<16xf32>
        %add3A_520 = arith.addf %exp3A, %gather3A_519 : vector<16xf32>
        %xor3A_521 = arith.constant 2 : i32
        %xor3A_522 = vector.broadcast %xor3A_521 : i32 to vector<16xi32>
        %xor3A_523 = arith.xori %iota3A, %xor3A_522 : vector<16xi32>
        %broadcast_in_dim3A_524 = vector.shape_cast %xor3A_523 : vector<16xi32> to vector<16x1xi32>
        %gather3A_525 = vector.shape_cast %broadcast_in_dim3A_524 : vector<16x1xi32> to vector<16xi32>
        %gather3A_526 = tpu.dynamic_gather %add3A_520[%gather3A_525] in [0] : vector<16xf32>, vector<16xi32> -> vector<16xf32>
        %add3A_527 = arith.addf %add3A_520, %gather3A_526 : vector<16xf32>
        %xor3A_528 = arith.constant 4 : i32
        %xor3A_529 = vector.broadcast %xor3A_528 : i32 to vector<16xi32>
        %xor3A_530 = arith.xori %iota3A, %xor3A_529 : vector<16xi32>
        %broadcast_in_dim3A_531 = vector.shape_cast %xor3A_530 : vector<16xi32> to vector<16x1xi32>
        %gather3A_532 = vector.shape_cast %broadcast_in_dim3A_531 : vector<16x1xi32> to vector<16xi32>
        %gather3A_533 = tpu.dynamic_gather %add3A_527[%gather3A_532] in [0] : vector<16xf32>, vector<16xi32> -> vector<16xf32>
        %add3A_534 = arith.addf %add3A_527, %gather3A_533 : vector<16xf32>
        %xor3A_535 = arith.constant 8 : i32
        %xor3A_536 = vector.broadcast %xor3A_535 : i32 to vector<16xi32>
        %xor3A_537 = arith.xori %iota3A, %xor3A_536 : vector<16xi32>
        %broadcast_in_dim3A_538 = vector.shape_cast %xor3A_537 : vector<16xi32> to vector<16x1xi32>
        %gather3A_539 = vector.shape_cast %broadcast_in_dim3A_538 : vector<16x1xi32> to vector<16xi32>
        %gather3A_540 = tpu.dynamic_gather %add3A_534[%gather3A_539] in [0] : vector<16xf32>, vector<16xi32> -> vector<16xf32>
        %add3A_541 = arith.addf %add3A_534, %gather3A_540 : vector<16xf32>
        %broadcast_in_dim3A_542 = arith.constant 0.000000e+00 : f32
        %broadcast_in_dim3A_543 = vector.broadcast %broadcast_in_dim3A_542 : f32 to vector<16xf32>
        %broadcast_in_dim3A_544 = arith.constant 0.000000e+00 : f32
        %broadcast_in_dim3A_545 = vector.broadcast %broadcast_in_dim3A_544 : f32 to vector<16xf32>
        %slice3A = vector.extract_strided_slice %get3A_516 {offsets = [0], sizes = [1], strides = [1]} : vector<16xf32> to vector<1xf32>
        %squeeze3A = vector.extract %slice3A[0] : f32 from vector<1xf32>
        %add3A_546 = arith.constant 0 : i32
        %add3A_547 = arith.addi %mul3A_513, %add3A_546 : i32
        %get3A_548 = arith.index_cast %select_n3A_502 : i32 to index
        %get3A_549 = arith.index_cast %add3A_547 : i32 to index
        %get3A_550 = arith.constant 0 : index
        %get3A_551 = tpu.vector_load %arg11[%get3A_548, %get3A_549, %get3A_550] {strides = array<i32>} : memref<4x640x32xf32, #tpu.memory_space<vmem>>, vector<1x1x16xf32>,
        %get3A_552 = vector.shape_cast %get3A_551 : vector<1x1x16xf32> to vector<16xf32>
        %add3A_553 = vector.broadcast %squeeze3A : f32 to vector<16xf32>
        %add3A_554 = arith.addf %get3A_552, %add3A_553 : vector<16xf32>
        %exp3A_555 = math.exp %add3A_554 : vector<16xf32>
        %add3A_556 = arith.addf %broadcast_in_dim3A_543, %exp3A_555 : vector<16xf32>
        %add3A_557 = arith.constant 0 : i32
        %add3A_558 = arith.addi %mul3A_513, %add3A_557 : i32
        %get3A_559 = arith.index_cast %select_n3A_502 : i32 to index
        %get3A_560 = arith.index_cast %add3A_558 : i32 to index
        %get3A_561 = arith.constant 16 : index
        %get3A_562 = tpu.vector_load %arg11[%get3A_559, %get3A_560, %get3A_561] {strides = array<i32>} : memref<4x640x32xf32, #tpu.memory_space<vmem>>, vector<1x1x16xf32>,
        %get3A_563 = vector.shape_cast %get3A_562 : vector<1x1x16xf32> to vector<16xf32>
        %add3A_564 = vector.broadcast %squeeze3A : f32 to vector<16xf32>
        %add3A_565 = arith.addf %get3A_563, %add3A_564 : vector<16xf32>
        %exp3A_566 = math.exp %add3A_565 : vector<16xf32>
        %add3A_567 = arith.addf %broadcast_in_dim3A_545, %exp3A_566 : vector<16xf32>
        %slice3A_568 = vector.extract_strided_slice %get3A_516 {offsets = [1], sizes = [1], strides = [1]} : vector<16xf32> to vector<1xf32>
        %squeeze3A_569 = vector.extract %slice3A_568[0] : f32 from vector<1xf32>
        %add3A_570 = arith.constant 1 : i32
        %add3A_571 = arith.addi %mul3A_513, %add3A_570 : i32
        %get3A_572 = arith.index_cast %select_n3A_502 : i32 to index
        %get3A_573 = arith.index_cast %add3A_571 : i32 to index
        %get3A_574 = arith.constant 0 : index
        %get3A_575 = tpu.vector_load %arg11[%get3A_572, %get3A_573, %get3A_574] {strides = array<i32>} : memref<4x640x32xf32, #tpu.memory_space<vmem>>, vector<1x1x16xf32>,
        %get3A_576 = vector.shape_cast %get3A_575 : vector<1x1x16xf32> to vector<16xf32>
        %add3A_577 = vector.broadcast %squeeze3A_569 : f32 to vector<16xf32>
        %add3A_578 = arith.addf %get3A_576, %add3A_577 : vector<16xf32>
        %exp3A_579 = math.exp %add3A_578 : vector<16xf32>
        %add3A_580 = arith.addf %add3A_556, %exp3A_579 : vector<16xf32>
        %add3A_581 = arith.constant 1 : i32
        %add3A_582 = arith.addi %mul3A_513, %add3A_581 : i32
        %get3A_583 = arith.index_cast %select_n3A_502 : i32 to index
        %get3A_584 = arith.index_cast %add3A_582 : i32 to index
        %get3A_585 = arith.constant 16 : index
        %get3A_586 = tpu.vector_load %arg11[%get3A_583, %get3A_584, %get3A_585] {strides = array<i32>} : memref<4x640x32xf32, #tpu.memory_space<vmem>>, vector<1x1x16xf32>,
        %get3A_587 = vector.shape_cast %get3A_586 : vector<1x1x16xf32> to vector<16xf32>
        %add3A_588 = vector.broadcast %squeeze3A_569 : f32 to vector<16xf32>
        %add3A_589 = arith.addf %get3A_587, %add3A_588 : vector<16xf32>
        %exp3A_590 = math.exp %add3A_589 : vector<16xf32>
        %add3A_591 = arith.addf %add3A_567, %exp3A_590 : vector<16xf32>
        %slice3A_592 = vector.extract_strided_slice %get3A_516 {offsets = [2], sizes = [1], strides = [1]} : vector<16xf32> to vector<1xf32>
        %squeeze3A_593 = vector.extract %slice3A_592[0] : f32 from vector<1xf32>
        %add3A_594 = arith.constant 2 : i32
        %add3A_595 = arith.addi %mul3A_513, %add3A_594 : i32
        %get3A_596 = arith.index_cast %select_n3A_502 : i32 to index
        %get3A_597 = arith.index_cast %add3A_595 : i32 to index
        %get3A_598 = arith.constant 0 : index
        %get3A_599 = tpu.vector_load %arg11[%get3A_596, %get3A_597, %get3A_598] {strides = array<i32>} : memref<4x640x32xf32, #tpu.memory_space<vmem>>, vector<1x1x16xf32>,
        %get3A_600 = vector.shape_cast %get3A_599 : vector<1x1x16xf32> to vector<16xf32>
        %add3A_601 = vector.broadcast %squeeze3A_593 : f32 to vector<16xf32>
        %add3A_602 = arith.addf %get3A_600, %add3A_601 : vector<16xf32>
        %exp3A_603 = math.exp %add3A_602 : vector<16xf32>
        %add3A_604 = arith.addf %add3A_580, %exp3A_603 : vector<16xf32>
        %add3A_605 = arith.constant 2 : i32
        %add3A_606 = arith.addi %mul3A_513, %add3A_605 : i32
        %get3A_607 = arith.index_cast %select_n3A_502 : i32 to index
        %get3A_608 = arith.index_cast %add3A_606 : i32 to index
        %get3A_609 = arith.constant 16 : index
        %get3A_610 = tpu.vector_load %arg11[%get3A_607, %get3A_608, %get3A_609] {strides = array<i32>} : memref<4x640x32xf32, #tpu.memory_space<vmem>>, vector<1x1x16xf32>,
        %get3A_611 = vector.shape_cast %get3A_610 : vector<1x1x16xf32> to vector<16xf32>
        %add3A_612 = vector.broadcast %squeeze3A_593 : f32 to vector<16xf32>
        %add3A_613 = arith.addf %get3A_611, %add3A_612 : vector<16xf32>
        %exp3A_614 = math.exp %add3A_613 : vector<16xf32>
        %add3A_615 = arith.addf %add3A_591, %exp3A_614 : vector<16xf32>
        %slice3A_616 = vector.extract_strided_slice %get3A_516 {offsets = [3], sizes = [1], strides = [1]} : vector<16xf32> to vector<1xf32>
        %squeeze3A_617 = vector.extract %slice3A_616[0] : f32 from vector<1xf32>
        %add3A_618 = arith.constant 3 : i32
        %add3A_619 = arith.addi %mul3A_513, %add3A_618 : i32
        %get3A_620 = arith.index_cast %select_n3A_502 : i32 to index
        %get3A_621 = arith.index_cast %add3A_619 : i32 to index
        %get3A_622 = arith.constant 0 : index
        %get3A_623 = tpu.vector_load %arg11[%get3A_620, %get3A_621, %get3A_622] {strides = array<i32>} : memref<4x640x32xf32, #tpu.memory_space<vmem>>, vector<1x1x16xf32>,
        %get3A_624 = vector.shape_cast %get3A_623 : vector<1x1x16xf32> to vector<16xf32>
        %add3A_625 = vector.broadcast %squeeze3A_617 : f32 to vector<16xf32>
        %add3A_626 = arith.addf %get3A_624, %add3A_625 : vector<16xf32>
        %exp3A_627 = math.exp %add3A_626 : vector<16xf32>
        %add3A_628 = arith.addf %add3A_604, %exp3A_627 : vector<16xf32>
        %add3A_629 = arith.constant 3 : i32
        %add3A_630 = arith.addi %mul3A_513, %add3A_629 : i32
        %get3A_631 = arith.index_cast %select_n3A_502 : i32 to index
        %get3A_632 = arith.index_cast %add3A_630 : i32 to index
        %get3A_633 = arith.constant 16 : index
        %get3A_634 = tpu.vector_load %arg11[%get3A_631, %get3A_632, %get3A_633] {strides = array<i32>} : memref<4x640x32xf32, #tpu.memory_space<vmem>>, vector<1x1x16xf32>,
        %get3A_635 = vector.shape_cast %get3A_634 : vector<1x1x16xf32> to vector<16xf32>
        %add3A_636 = vector.broadcast %squeeze3A_617 : f32 to vector<16xf32>
        %add3A_637 = arith.addf %get3A_635, %add3A_636 : vector<16xf32>
        %exp3A_638 = math.exp %add3A_637 : vector<16xf32>
        %add3A_639 = arith.addf %add3A_615, %exp3A_638 : vector<16xf32>
        %slice3A_640 = vector.extract_strided_slice %get3A_516 {offsets = [4], sizes = [1], strides = [1]} : vector<16xf32> to vector<1xf32>
        %squeeze3A_641 = vector.extract %slice3A_640[0] : f32 from vector<1xf32>
        %add3A_642 = arith.constant 4 : i32
        %add3A_643 = arith.addi %mul3A_513, %add3A_642 : i32
        %get3A_644 = arith.index_cast %select_n3A_502 : i32 to index
        %get3A_645 = arith.index_cast %add3A_643 : i32 to index
        %get3A_646 = arith.constant 0 : index
        %get3A_647 = tpu.vector_load %arg11[%get3A_644, %get3A_645, %get3A_646] {strides = array<i32>} : memref<4x640x32xf32, #tpu.memory_space<vmem>>, vector<1x1x16xf32>,
        %get3A_648 = vector.shape_cast %get3A_647 : vector<1x1x16xf32> to vector<16xf32>
        %add3A_649 = vector.broadcast %squeeze3A_641 : f32 to vector<16xf32>
        %add3A_650 = arith.addf %get3A_648, %add3A_649 : vector<16xf32>
        %exp3A_651 = math.exp %add3A_650 : vector<16xf32>
        %add3A_652 = arith.addf %add3A_628, %exp3A_651 : vector<16xf32>
        %add3A_653 = arith.constant 4 : i32
        %add3A_654 = arith.addi %mul3A_513, %add3A_653 : i32
        %get3A_655 = arith.index_cast %select_n3A_502 : i32 to index
        %get3A_656 = arith.index_cast %add3A_654 : i32 to index
        %get3A_657 = arith.constant 16 : index
        %get3A_658 = tpu.vector_load %arg11[%get3A_655, %get3A_656, %get3A_657] {strides = array<i32>} : memref<4x640x32xf32, #tpu.memory_space<vmem>>, vector<1x1x16xf32>,
        %get3A_659 = vector.shape_cast %get3A_658 : vector<1x1x16xf32> to vector<16xf32>
        %add3A_660 = vector.broadcast %squeeze3A_641 : f32 to vector<16xf32>
        %add3A_661 = arith.addf %get3A_659, %add3A_660 : vector<16xf32>
        %exp3A_662 = math.exp %add3A_661 : vector<16xf32>
        %add3A_663 = arith.addf %add3A_639, %exp3A_662 : vector<16xf32>
        %slice3A_664 = vector.extract_strided_slice %get3A_516 {offsets = [5], sizes = [1], strides = [1]} : vector<16xf32> to vector<1xf32>
        %squeeze3A_665 = vector.extract %slice3A_664[0] : f32 from vector<1xf32>
        %add3A_666 = arith.constant 5 : i32
        %add3A_667 = arith.addi %mul3A_513, %add3A_666 : i32
        %get3A_668 = arith.index_cast %select_n3A_502 : i32 to index
        %get3A_669 = arith.index_cast %add3A_667 : i32 to index
        %get3A_670 = arith.constant 0 : index
        %get3A_671 = tpu.vector_load %arg11[%get3A_668, %get3A_669, %get3A_670] {strides = array<i32>} : memref<4x640x32xf32, #tpu.memory_space<vmem>>, vector<1x1x16xf32>,
        %get3A_672 = vector.shape_cast %get3A_671 : vector<1x1x16xf32> to vector<16xf32>
        %add3A_673 = vector.broadcast %squeeze3A_665 : f32 to vector<16xf32>
        %add3A_674 = arith.addf %get3A_672, %add3A_673 : vector<16xf32>
        %exp3A_675 = math.exp %add3A_674 : vector<16xf32>
        %add3A_676 = arith.addf %add3A_652, %exp3A_675 : vector<16xf32>
        %add3A_677 = arith.constant 5 : i32
        %add3A_678 = arith.addi %mul3A_513, %add3A_677 : i32
        %get3A_679 = arith.index_cast %select_n3A_502 : i32 to index
        %get3A_680 = arith.index_cast %add3A_678 : i32 to index
        %get3A_681 = arith.constant 16 : index
        %get3A_682 = tpu.vector_load %arg11[%get3A_679, %get3A_680, %get3A_681] {strides = array<i32>} : memref<4x640x32xf32, #tpu.memory_space<vmem>>, vector<1x1x16xf32>,
        %get3A_683 = vector.shape_cast %get3A_682 : vector<1x1x16xf32> to vector<16xf32>
        %add3A_684 = vector.broadcast %squeeze3A_665 : f32 to vector<16xf32>
        %add3A_685 = arith.addf %get3A_683, %add3A_684 : vector<16xf32>
        %exp3A_686 = math.exp %add3A_685 : vector<16xf32>
        %add3A_687 = arith.addf %add3A_663, %exp3A_686 : vector<16xf32>
        %slice3A_688 = vector.extract_strided_slice %get3A_516 {offsets = [6], sizes = [1], strides = [1]} : vector<16xf32> to vector<1xf32>
        %squeeze3A_689 = vector.extract %slice3A_688[0] : f32 from vector<1xf32>
        %add3A_690 = arith.constant 6 : i32
        %add3A_691 = arith.addi %mul3A_513, %add3A_690 : i32
        %get3A_692 = arith.index_cast %select_n3A_502 : i32 to index
        %get3A_693 = arith.index_cast %add3A_691 : i32 to index
        %get3A_694 = arith.constant 0 : index
        %get3A_695 = tpu.vector_load %arg11[%get3A_692, %get3A_693, %get3A_694] {strides = array<i32>} : memref<4x640x32xf32, #tpu.memory_space<vmem>>, vector<1x1x16xf32>,
        %get3A_696 = vector.shape_cast %get3A_695 : vector<1x1x16xf32> to vector<16xf32>
        %add3A_697 = vector.broadcast %squeeze3A_689 : f32 to vector<16xf32>
        %add3A_698 = arith.addf %get3A_696, %add3A_697 : vector<16xf32>
        %exp3A_699 = math.exp %add3A_698 : vector<16xf32>
        %add3A_700 = arith.addf %add3A_676, %exp3A_699 : vector<16xf32>
        %add3A_701 = arith.constant 6 : i32
        %add3A_702 = arith.addi %mul3A_513, %add3A_701 : i32
        %get3A_703 = arith.index_cast %select_n3A_502 : i32 to index
        %get3A_704 = arith.index_cast %add3A_702 : i32 to index
        %get3A_705 = arith.constant 16 : index
        %get3A_706 = tpu.vector_load %arg11[%get3A_703, %get3A_704, %get3A_705] {strides = array<i32>} : memref<4x640x32xf32, #tpu.memory_space<vmem>>, vector<1x1x16xf32>,
        %get3A_707 = vector.shape_cast %get3A_706 : vector<1x1x16xf32> to vector<16xf32>
        %add3A_708 = vector.broadcast %squeeze3A_689 : f32 to vector<16xf32>
        %add3A_709 = arith.addf %get3A_707, %add3A_708 : vector<16xf32>
        %exp3A_710 = math.exp %add3A_709 : vector<16xf32>
        %add3A_711 = arith.addf %add3A_687, %exp3A_710 : vector<16xf32>
        %slice3A_712 = vector.extract_strided_slice %get3A_516 {offsets = [7], sizes = [1], strides = [1]} : vector<16xf32> to vector<1xf32>
        %squeeze3A_713 = vector.extract %slice3A_712[0] : f32 from vector<1xf32>
        %add3A_714 = arith.constant 7 : i32
        %add3A_715 = arith.addi %mul3A_513, %add3A_714 : i32
        %get3A_716 = arith.index_cast %select_n3A_502 : i32 to index
        %get3A_717 = arith.index_cast %add3A_715 : i32 to index
        %get3A_718 = arith.constant 0 : index
        %get3A_719 = tpu.vector_load %arg11[%get3A_716, %get3A_717, %get3A_718] {strides = array<i32>} : memref<4x640x32xf32, #tpu.memory_space<vmem>>, vector<1x1x16xf32>,
        %get3A_720 = vector.shape_cast %get3A_719 : vector<1x1x16xf32> to vector<16xf32>
        %add3A_721 = vector.broadcast %squeeze3A_713 : f32 to vector<16xf32>
        %add3A_722 = arith.addf %get3A_720, %add3A_721 : vector<16xf32>
        %exp3A_723 = math.exp %add3A_722 : vector<16xf32>
        %add3A_724 = arith.addf %add3A_700, %exp3A_723 : vector<16xf32>
        %add3A_725 = arith.constant 7 : i32
        %add3A_726 = arith.addi %mul3A_513, %add3A_725 : i32
        %get3A_727 = arith.index_cast %select_n3A_502 : i32 to index
        %get3A_728 = arith.index_cast %add3A_726 : i32 to index
        %get3A_729 = arith.constant 16 : index
        %get3A_730 = tpu.vector_load %arg11[%get3A_727, %get3A_728, %get3A_729] {strides = array<i32>} : memref<4x640x32xf32, #tpu.memory_space<vmem>>, vector<1x1x16xf32>,
        %get3A_731 = vector.shape_cast %get3A_730 : vector<1x1x16xf32> to vector<16xf32>
        %add3A_732 = vector.broadcast %squeeze3A_713 : f32 to vector<16xf32>
        %add3A_733 = arith.addf %get3A_731, %add3A_732 : vector<16xf32>
        %exp3A_734 = math.exp %add3A_733 : vector<16xf32>
        %add3A_735 = arith.addf %add3A_711, %exp3A_734 : vector<16xf32>
        %slice3A_736 = vector.extract_strided_slice %get3A_516 {offsets = [8], sizes = [1], strides = [1]} : vector<16xf32> to vector<1xf32>
        %squeeze3A_737 = vector.extract %slice3A_736[0] : f32 from vector<1xf32>
        %add3A_738 = arith.constant 8 : i32
        %add3A_739 = arith.addi %mul3A_513, %add3A_738 : i32
        %get3A_740 = arith.index_cast %select_n3A_502 : i32 to index
        %get3A_741 = arith.index_cast %add3A_739 : i32 to index
        %get3A_742 = arith.constant 0 : index
        %get3A_743 = tpu.vector_load %arg11[%get3A_740, %get3A_741, %get3A_742] {strides = array<i32>} : memref<4x640x32xf32, #tpu.memory_space<vmem>>, vector<1x1x16xf32>,
        %get3A_744 = vector.shape_cast %get3A_743 : vector<1x1x16xf32> to vector<16xf32>
        %add3A_745 = vector.broadcast %squeeze3A_737 : f32 to vector<16xf32>
        %add3A_746 = arith.addf %get3A_744, %add3A_745 : vector<16xf32>
        %exp3A_747 = math.exp %add3A_746 : vector<16xf32>
        %add3A_748 = arith.addf %add3A_724, %exp3A_747 : vector<16xf32>
        %add3A_749 = arith.constant 8 : i32
        %add3A_750 = arith.addi %mul3A_513, %add3A_749 : i32
        %get3A_751 = arith.index_cast %select_n3A_502 : i32 to index
        %get3A_752 = arith.index_cast %add3A_750 : i32 to index
        %get3A_753 = arith.constant 16 : index
        %get3A_754 = tpu.vector_load %arg11[%get3A_751, %get3A_752, %get3A_753] {strides = array<i32>} : memref<4x640x32xf32, #tpu.memory_space<vmem>>, vector<1x1x16xf32>,
        %get3A_755 = vector.shape_cast %get3A_754 : vector<1x1x16xf32> to vector<16xf32>
        %add3A_756 = vector.broadcast %squeeze3A_737 : f32 to vector<16xf32>
        %add3A_757 = arith.addf %get3A_755, %add3A_756 : vector<16xf32>
        %exp3A_758 = math.exp %add3A_757 : vector<16xf32>
        %add3A_759 = arith.addf %add3A_735, %exp3A_758 : vector<16xf32>
        %slice3A_760 = vector.extract_strided_slice %get3A_516 {offsets = [9], sizes = [1], strides = [1]} : vector<16xf32> to vector<1xf32>
        %squeeze3A_761 = vector.extract %slice3A_760[0] : f32 from vector<1xf32>
        %add3A_762 = arith.constant 9 : i32
        %add3A_763 = arith.addi %mul3A_513, %add3A_762 : i32
        %get3A_764 = arith.index_cast %select_n3A_502 : i32 to index
        %get3A_765 = arith.index_cast %add3A_763 : i32 to index
        %get3A_766 = arith.constant 0 : index
        %get3A_767 = tpu.vector_load %arg11[%get3A_764, %get3A_765, %get3A_766] {strides = array<i32>} : memref<4x640x32xf32, #tpu.memory_space<vmem>>, vector<1x1x16xf32>,
        %get3A_768 = vector.shape_cast %get3A_767 : vector<1x1x16xf32> to vector<16xf32>
        %add3A_769 = vector.broadcast %squeeze3A_761 : f32 to vector<16xf32>
        %add3A_770 = arith.addf %get3A_768, %add3A_769 : vector<16xf32>
        %exp3A_771 = math.exp %add3A_770 : vector<16xf32>
        %add3A_772 = arith.addf %add3A_748, %exp3A_771 : vector<16xf32>
        %add3A_773 = arith.constant 9 : i32
        %add3A_774 = arith.addi %mul3A_513, %add3A_773 : i32
        %get3A_775 = arith.index_cast %select_n3A_502 : i32 to index
        %get3A_776 = arith.index_cast %add3A_774 : i32 to index
        %get3A_777 = arith.constant 16 : index
        %get3A_778 = tpu.vector_load %arg11[%get3A_775, %get3A_776, %get3A_777] {strides = array<i32>} : memref<4x640x32xf32, #tpu.memory_space<vmem>>, vector<1x1x16xf32>,
        %get3A_779 = vector.shape_cast %get3A_778 : vector<1x1x16xf32> to vector<16xf32>
        %add3A_780 = vector.broadcast %squeeze3A_761 : f32 to vector<16xf32>
        %add3A_781 = arith.addf %get3A_779, %add3A_780 : vector<16xf32>
        %exp3A_782 = math.exp %add3A_781 : vector<16xf32>
        %add3A_783 = arith.addf %add3A_759, %exp3A_782 : vector<16xf32>
        %slice3A_784 = vector.extract_strided_slice %get3A_516 {offsets = [10], sizes = [1], strides = [1]} : vector<16xf32> to vector<1xf32>
        %squeeze3A_785 = vector.extract %slice3A_784[0] : f32 from vector<1xf32>
        %add3A_786 = arith.constant 10 : i32
        %add3A_787 = arith.addi %mul3A_513, %add3A_786 : i32
        %get3A_788 = arith.index_cast %select_n3A_502 : i32 to index
        %get3A_789 = arith.index_cast %add3A_787 : i32 to index
        %get3A_790 = arith.constant 0 : index
        %get3A_791 = tpu.vector_load %arg11[%get3A_788, %get3A_789, %get3A_790] {strides = array<i32>} : memref<4x640x32xf32, #tpu.memory_space<vmem>>, vector<1x1x16xf32>,
        %get3A_792 = vector.shape_cast %get3A_791 : vector<1x1x16xf32> to vector<16xf32>
        %add3A_793 = vector.broadcast %squeeze3A_785 : f32 to vector<16xf32>
        %add3A_794 = arith.addf %get3A_792, %add3A_793 : vector<16xf32>
        %exp3A_795 = math.exp %add3A_794 : vector<16xf32>
        %add3A_796 = arith.addf %add3A_772, %exp3A_795 : vector<16xf32>
        %add3A_797 = arith.constant 10 : i32
        %add3A_798 = arith.addi %mul3A_513, %add3A_797 : i32
        %get3A_799 = arith.index_cast %select_n3A_502 : i32 to index
        %get3A_800 = arith.index_cast %add3A_798 : i32 to index
        %get3A_801 = arith.constant 16 : index
        %get3A_802 = tpu.vector_load %arg11[%get3A_799, %get3A_800, %get3A_801] {strides = array<i32>} : memref<4x640x32xf32, #tpu.memory_space<vmem>>, vector<1x1x16xf32>,
        %get3A_803 = vector.shape_cast %get3A_802 : vector<1x1x16xf32> to vector<16xf32>
        %add3A_804 = vector.broadcast %squeeze3A_785 : f32 to vector<16xf32>
        %add3A_805 = arith.addf %get3A_803, %add3A_804 : vector<16xf32>
        %exp3A_806 = math.exp %add3A_805 : vector<16xf32>
        %add3A_807 = arith.addf %add3A_783, %exp3A_806 : vector<16xf32>
        %slice3A_808 = vector.extract_strided_slice %get3A_516 {offsets = [11], sizes = [1], strides = [1]} : vector<16xf32> to vector<1xf32>
        %squeeze3A_809 = vector.extract %slice3A_808[0] : f32 from vector<1xf32>
        %add3A_810 = arith.constant 11 : i32
        %add3A_811 = arith.addi %mul3A_513, %add3A_810 : i32
        %get3A_812 = arith.index_cast %select_n3A_502 : i32 to index
        %get3A_813 = arith.index_cast %add3A_811 : i32 to index
        %get3A_814 = arith.constant 0 : index
        %get3A_815 = tpu.vector_load %arg11[%get3A_812, %get3A_813, %get3A_814] {strides = array<i32>} : memref<4x640x32xf32, #tpu.memory_space<vmem>>, vector<1x1x16xf32>,
        %get3A_816 = vector.shape_cast %get3A_815 : vector<1x1x16xf32> to vector<16xf32>
        %add3A_817 = vector.broadcast %squeeze3A_809 : f32 to vector<16xf32>
        %add3A_818 = arith.addf %get3A_816, %add3A_817 : vector<16xf32>
        %exp3A_819 = math.exp %add3A_818 : vector<16xf32>
        %add3A_820 = arith.addf %add3A_796, %exp3A_819 : vector<16xf32>
        %add3A_821 = arith.constant 11 : i32
        %add3A_822 = arith.addi %mul3A_513, %add3A_821 : i32
        %get3A_823 = arith.index_cast %select_n3A_502 : i32 to index
        %get3A_824 = arith.index_cast %add3A_822 : i32 to index
        %get3A_825 = arith.constant 16 : index
        %get3A_826 = tpu.vector_load %arg11[%get3A_823, %get3A_824, %get3A_825] {strides = array<i32>} : memref<4x640x32xf32, #tpu.memory_space<vmem>>, vector<1x1x16xf32>,
        %get3A_827 = vector.shape_cast %get3A_826 : vector<1x1x16xf32> to vector<16xf32>
        %add3A_828 = vector.broadcast %squeeze3A_809 : f32 to vector<16xf32>
        %add3A_829 = arith.addf %get3A_827, %add3A_828 : vector<16xf32>
        %exp3A_830 = math.exp %add3A_829 : vector<16xf32>
        %add3A_831 = arith.addf %add3A_807, %exp3A_830 : vector<16xf32>
        %slice3A_832 = vector.extract_strided_slice %get3A_516 {offsets = [12], sizes = [1], strides = [1]} : vector<16xf32> to vector<1xf32>
        %squeeze3A_833 = vector.extract %slice3A_832[0] : f32 from vector<1xf32>
        %add3A_834 = arith.constant 12 : i32
        %add3A_835 = arith.addi %mul3A_513, %add3A_834 : i32
        %get3A_836 = arith.index_cast %select_n3A_502 : i32 to index
        %get3A_837 = arith.index_cast %add3A_835 : i32 to index
        %get3A_838 = arith.constant 0 : index
        %get3A_839 = tpu.vector_load %arg11[%get3A_836, %get3A_837, %get3A_838] {strides = array<i32>} : memref<4x640x32xf32, #tpu.memory_space<vmem>>, vector<1x1x16xf32>,
        %get3A_840 = vector.shape_cast %get3A_839 : vector<1x1x16xf32> to vector<16xf32>
        %add3A_841 = vector.broadcast %squeeze3A_833 : f32 to vector<16xf32>
        %add3A_842 = arith.addf %get3A_840, %add3A_841 : vector<16xf32>
        %exp3A_843 = math.exp %add3A_842 : vector<16xf32>
        %add3A_844 = arith.addf %add3A_820, %exp3A_843 : vector<16xf32>
        %add3A_845 = arith.constant 12 : i32
        %add3A_846 = arith.addi %mul3A_513, %add3A_845 : i32
        %get3A_847 = arith.index_cast %select_n3A_502 : i32 to index
        %get3A_848 = arith.index_cast %add3A_846 : i32 to index
        %get3A_849 = arith.constant 16 : index
        %get3A_850 = tpu.vector_load %arg11[%get3A_847, %get3A_848, %get3A_849] {strides = array<i32>} : memref<4x640x32xf32, #tpu.memory_space<vmem>>, vector<1x1x16xf32>,
        %get3A_851 = vector.shape_cast %get3A_850 : vector<1x1x16xf32> to vector<16xf32>
        %add3A_852 = vector.broadcast %squeeze3A_833 : f32 to vector<16xf32>
        %add3A_853 = arith.addf %get3A_851, %add3A_852 : vector<16xf32>
        %exp3A_854 = math.exp %add3A_853 : vector<16xf32>
        %add3A_855 = arith.addf %add3A_831, %exp3A_854 : vector<16xf32>
        %slice3A_856 = vector.extract_strided_slice %get3A_516 {offsets = [13], sizes = [1], strides = [1]} : vector<16xf32> to vector<1xf32>
        %squeeze3A_857 = vector.extract %slice3A_856[0] : f32 from vector<1xf32>
        %add3A_858 = arith.constant 13 : i32
        %add3A_859 = arith.addi %mul3A_513, %add3A_858 : i32
        %get3A_860 = arith.index_cast %select_n3A_502 : i32 to index
        %get3A_861 = arith.index_cast %add3A_859 : i32 to index
        %get3A_862 = arith.constant 0 : index
        %get3A_863 = tpu.vector_load %arg11[%get3A_860, %get3A_861, %get3A_862] {strides = array<i32>} : memref<4x640x32xf32, #tpu.memory_space<vmem>>, vector<1x1x16xf32>,
        %get3A_864 = vector.shape_cast %get3A_863 : vector<1x1x16xf32> to vector<16xf32>
        %add3A_865 = vector.broadcast %squeeze3A_857 : f32 to vector<16xf32>
        %add3A_866 = arith.addf %get3A_864, %add3A_865 : vector<16xf32>
        %exp3A_867 = math.exp %add3A_866 : vector<16xf32>
        %add3A_868 = arith.addf %add3A_844, %exp3A_867 : vector<16xf32>
        %add3A_869 = arith.constant 13 : i32
        %add3A_870 = arith.addi %mul3A_513, %add3A_869 : i32
        %get3A_871 = arith.index_cast %select_n3A_502 : i32 to index
        %get3A_872 = arith.index_cast %add3A_870 : i32 to index
        %get3A_873 = arith.constant 16 : index
        %get3A_874 = tpu.vector_load %arg11[%get3A_871, %get3A_872, %get3A_873] {strides = array<i32>} : memref<4x640x32xf32, #tpu.memory_space<vmem>>, vector<1x1x16xf32>,
        %get3A_875 = vector.shape_cast %get3A_874 : vector<1x1x16xf32> to vector<16xf32>
        %add3A_876 = vector.broadcast %squeeze3A_857 : f32 to vector<16xf32>
        %add3A_877 = arith.addf %get3A_875, %add3A_876 : vector<16xf32>
        %exp3A_878 = math.exp %add3A_877 : vector<16xf32>
        %add3A_879 = arith.addf %add3A_855, %exp3A_878 : vector<16xf32>
        %slice3A_880 = vector.extract_strided_slice %get3A_516 {offsets = [14], sizes = [1], strides = [1]} : vector<16xf32> to vector<1xf32>
        %squeeze3A_881 = vector.extract %slice3A_880[0] : f32 from vector<1xf32>
        %add3A_882 = arith.constant 14 : i32
        %add3A_883 = arith.addi %mul3A_513, %add3A_882 : i32
        %get3A_884 = arith.index_cast %select_n3A_502 : i32 to index
        %get3A_885 = arith.index_cast %add3A_883 : i32 to index
        %get3A_886 = arith.constant 0 : index
        %get3A_887 = tpu.vector_load %arg11[%get3A_884, %get3A_885, %get3A_886] {strides = array<i32>} : memref<4x640x32xf32, #tpu.memory_space<vmem>>, vector<1x1x16xf32>,
        %get3A_888 = vector.shape_cast %get3A_887 : vector<1x1x16xf32> to vector<16xf32>
        %add3A_889 = vector.broadcast %squeeze3A_881 : f32 to vector<16xf32>
        %add3A_890 = arith.addf %get3A_888, %add3A_889 : vector<16xf32>
        %exp3A_891 = math.exp %add3A_890 : vector<16xf32>
        %add3A_892 = arith.addf %add3A_868, %exp3A_891 : vector<16xf32>
        %add3A_893 = arith.constant 14 : i32
        %add3A_894 = arith.addi %mul3A_513, %add3A_893 : i32
        %get3A_895 = arith.index_cast %select_n3A_502 : i32 to index
        %get3A_896 = arith.index_cast %add3A_894 : i32 to index
        %get3A_897 = arith.constant 16 : index
        %get3A_898 = tpu.vector_load %arg11[%get3A_895, %get3A_896, %get3A_897] {strides = array<i32>} : memref<4x640x32xf32, #tpu.memory_space<vmem>>, vector<1x1x16xf32>,
        %get3A_899 = vector.shape_cast %get3A_898 : vector<1x1x16xf32> to vector<16xf32>
        %add3A_900 = vector.broadcast %squeeze3A_881 : f32 to vector<16xf32>
        %add3A_901 = arith.addf %get3A_899, %add3A_900 : vector<16xf32>
        %exp3A_902 = math.exp %add3A_901 : vector<16xf32>
        %add3A_903 = arith.addf %add3A_879, %exp3A_902 : vector<16xf32>
        %slice3A_904 = vector.extract_strided_slice %get3A_516 {offsets = [15], sizes = [1], strides = [1]} : vector<16xf32> to vector<1xf32>
        %squeeze3A_905 = vector.extract %slice3A_904[0] : f32 from vector<1xf32>
        %add3A_906 = arith.constant 15 : i32
        %add3A_907 = arith.addi %mul3A_513, %add3A_906 : i32
        %get3A_908 = arith.index_cast %select_n3A_502 : i32 to index
        %get3A_909 = arith.index_cast %add3A_907 : i32 to index
        %get3A_910 = arith.constant 0 : index
        %get3A_911 = tpu.vector_load %arg11[%get3A_908, %get3A_909, %get3A_910] {strides = array<i32>} : memref<4x640x32xf32, #tpu.memory_space<vmem>>, vector<1x1x16xf32>,
        %get3A_912 = vector.shape_cast %get3A_911 : vector<1x1x16xf32> to vector<16xf32>
        %add3A_913 = vector.broadcast %squeeze3A_905 : f32 to vector<16xf32>
        %add3A_914 = arith.addf %get3A_912, %add3A_913 : vector<16xf32>
        %exp3A_915 = math.exp %add3A_914 : vector<16xf32>
        %add3A_916 = arith.addf %add3A_892, %exp3A_915 : vector<16xf32>
        %add3A_917 = arith.constant 15 : i32
        %add3A_918 = arith.addi %mul3A_513, %add3A_917 : i32
        %get3A_919 = arith.index_cast %select_n3A_502 : i32 to index
        %get3A_920 = arith.index_cast %add3A_918 : i32 to index
        %get3A_921 = arith.constant 16 : index
        %get3A_922 = tpu.vector_load %arg11[%get3A_919, %get3A_920, %get3A_921] {strides = array<i32>} : memref<4x640x32xf32, #tpu.memory_space<vmem>>, vector<1x1x16xf32>,
        %get3A_923 = vector.shape_cast %get3A_922 : vector<1x1x16xf32> to vector<16xf32>
        %add3A_924 = vector.broadcast %squeeze3A_905 : f32 to vector<16xf32>
        %add3A_925 = arith.addf %get3A_923, %add3A_924 : vector<16xf32>
        %exp3A_926 = math.exp %add3A_925 : vector<16xf32>
        %add3A_927 = arith.addf %add3A_903, %exp3A_926 : vector<16xf32>
        %div3A = arith.divf %add3A_916, %add3A_541 : vector<16xf32>
        %swap3A = arith.index_cast %scan3A_511 : i32 to index
        %swap3A_928 = arith.constant 0 : index
        %swap3A_929 = tpu.vector_load %arg12[%swap3A, %swap3A_928] {strides = array<i32>} : memref<40x32xf32, #tpu.memory_space<vmem>>, vector<1x16xf32>,
        %swap3A_930 = vector.shape_cast %swap3A_929 : vector<1x16xf32> to vector<16xf32>
        %swap3A_931 = vector.shape_cast %div3A : vector<16xf32> to vector<1x16xf32>
        tpu.vector_store %arg12[%swap3A, %swap3A_928], %swap3A_931 {strides = array<i32>} : memref<40x32xf32, #tpu.memory_space<vmem>>, vector<1x16xf32>,
        %div3A_932 = arith.divf %add3A_927, %add3A_541 : vector<16xf32>
        %swap3A_933 = arith.index_cast %scan3A_511 : i32 to index
        %swap3A_934 = arith.constant 16 : index
        %swap3A_935 = tpu.vector_load %arg12[%swap3A_933, %swap3A_934] {strides = array<i32>} : memref<40x32xf32, #tpu.memory_space<vmem>>, vector<1x16xf32>,
        %swap3A_936 = vector.shape_cast %swap3A_935 : vector<1x16xf32> to vector<16xf32>
        %swap3A_937 = vector.shape_cast %div3A_932 : vector<16xf32> to vector<1x16xf32>
        tpu.vector_store %arg12[%swap3A_933, %swap3A_934], %swap3A_937 {strides = array<i32>} : memref<40x32xf32, #tpu.memory_space<vmem>>, vector<1x16xf32>,
      }
      %scan3A_507 = arith.constant 40 : i32
      %mul3A_508 = arith.constant 40 : i32
      %mul3A_509 = arith.muli %while3A_404, %mul3A_508 : i32
      %add3A_510 = arith.addi %add3A_50, %mul3A_509 : i32
      "tpu.region"() ({
        %run_scoped3A_511 = tpu.sem_alloc : memref<!tpu.dma_semaphore, #tpu.memory_space<semaphore_mem>>
        %dma_start3A_512 = arith.constant 0 : i32
        %dma_start3A_513 = tpu.memref_slice %arg6[%add3A_510, %dma_start3A_512] : memref<53248x32xf32, #tpu.memory_space<hbm>> -> memref<40x32xf32, #tpu.memory_space<hbm>>
        %dma_start3A_514 = arith.constant 0 : i32
        %dma_start3A_515 = tpu.memref_slice %arg6[%add3A_510, %dma_start3A_514] : memref<53248x32xf32, #tpu.memory_space<hbm>> -> memref<40x32xf32, #tpu.memory_space<hbm>>
        tpu.enqueue_dma source(%arg12 : memref<40x32xf32, #tpu.memory_space<vmem>>) target(%dma_start3A_515 : memref<40x32xf32, #tpu.memory_space<hbm>>) target_semaphore(%run_scoped3A_511 : memref<!tpu.dma_semaphore, #tpu.memory_space<semaphore_mem>>)
        %dma_wait3A_516 = arith.constant 0 : i32
        %dma_wait3A_517 = tpu.memref_slice %arg6[%add3A_510, %dma_wait3A_516] : memref<53248x32xf32, #tpu.memory_space<hbm>> -> memref<40x32xf32, #tpu.memory_space<hbm>>
        %dma_wait3A_518 = arith.constant 0 : i32
        %dma_wait3A_519 = tpu.memref_slice %arg6[%add3A_510, %dma_wait3A_518] : memref<53248x32xf32, #tpu.memory_space<hbm>> -> memref<40x32xf32, #tpu.memory_space<hbm>>
        tpu.wait_dma2 semaphore(%run_scoped3A_511 : memref<!tpu.dma_semaphore, #tpu.memory_space<semaphore_mem>>) src(%arg12 : memref<40x32xf32, #tpu.memory_space<vmem>>) dst(%dma_wait3A_519 : memref<40x32xf32, #tpu.memory_space<hbm>>)
        tpu.yield
      }) : () -> ()
    }
    %dma_wait3A = arith.constant 0 : i32
    %dma_wait3A_371 = arith.constant 0 : i32
    %dma_wait3A_372 = arith.constant 0 : i32
    %dma_wait3A_373 = tpu.memref_slice %arg8[%dma_wait3A_371, %dma_wait3A_372] : memref<384x32xf32, #tpu.memory_space<vmem>> -> memref<128x32xf32, #tpu.memory_space<vmem>>
    %dma_wait3A_374 = arith.constant 0 : i32
    %dma_wait3A_375 = tpu.memref_slice %arg7[%dma_wait3A, %dma_wait3A_374] : memref<3x128xi32, #tpu.memory_space<vmem>> -> memref<1x128xi32, #tpu.memory_space<vmem>>
    %dma_wait3A_376 = tpu.memref_squeeze %dma_wait3A_375 : memref<1x128xi32, #tpu.memory_space<vmem>> -> memref<128xi32, #tpu.memory_space<vmem>>
    %dma_wait3A_377 = arith.constant 0 : i32
    %dma_wait3A_378 = arith.constant 0 : i32
    %dma_wait3A_379 = tpu.memref_slice %arg2[%dma_wait3A_377, %dma_wait3A_378] : memref<100000x32xf32, #tpu.memory_space<hbm>> -> memref<100000x32xf32, #tpu.memory_space<hbm>>
    tpu.wait_indirect_dma semaphore(%arg13 : memref<!tpu.dma_semaphore, #tpu.memory_space<semaphore_mem>>) src(%dma_wait3A_379 : memref<100000x32xf32, #tpu.memory_space<hbm>>) dst(%dma_wait3A_373 : memref<128x32xf32, #tpu.memory_space<vmem>>)
    %dma_wait3A_380 = arith.constant 1 : i32
    %dma_wait3A_381 = arith.constant 128 : i32
    %dma_wait3A_382 = arith.constant 0 : i32
    %dma_wait3A_383 = tpu.memref_slice %arg8[%dma_wait3A_381, %dma_wait3A_382] : memref<384x32xf32, #tpu.memory_space<vmem>> -> memref<128x32xf32, #tpu.memory_space<vmem>>
    %dma_wait3A_384 = arith.constant 0 : i32
    %dma_wait3A_385 = tpu.memref_slice %arg7[%dma_wait3A_380, %dma_wait3A_384] : memref<3x128xi32, #tpu.memory_space<vmem>> -> memref<1x128xi32, #tpu.memory_space<vmem>>
    %dma_wait3A_386 = tpu.memref_squeeze %dma_wait3A_385 : memref<1x128xi32, #tpu.memory_space<vmem>> -> memref<128xi32, #tpu.memory_space<vmem>>
    %dma_wait3A_387 = arith.constant 0 : i32
    %dma_wait3A_388 = arith.constant 0 : i32
    %dma_wait3A_389 = tpu.memref_slice %arg2[%dma_wait3A_387, %dma_wait3A_388] : memref<100000x32xf32, #tpu.memory_space<hbm>> -> memref<100000x32xf32, #tpu.memory_space<hbm>>
    tpu.wait_indirect_dma semaphore(%arg13 : memref<!tpu.dma_semaphore, #tpu.memory_space<semaphore_mem>>) src(%dma_wait3A_389 : memref<100000x32xf32, #tpu.memory_space<hbm>>) dst(%dma_wait3A_383 : memref<128x32xf32, #tpu.memory_space<vmem>>)
    %dma_wait3A_390 = arith.constant 2 : i32
    %dma_wait3A_391 = arith.constant 256 : i32
    %dma_wait3A_392 = arith.constant 0 : i32
    %dma_wait3A_393 = tpu.memref_slice %arg8[%dma_wait3A_391, %dma_wait3A_392] : memref<384x32xf32, #tpu.memory_space<vmem>> -> memref<128x32xf32, #tpu.memory_space<vmem>>
    %dma_wait3A_394 = arith.constant 0 : i32
    %dma_wait3A_395 = tpu.memref_slice %arg7[%dma_wait3A_390, %dma_wait3A_394] : memref<3x128xi32, #tpu.memory_space<vmem>> -> memref<1x128xi32, #tpu.memory_space<vmem>>
    %dma_wait3A_396 = tpu.memref_squeeze %dma_wait3A_395 : memref<1x128xi32, #tpu.memory_space<vmem>> -> memref<128xi32, #tpu.memory_space<vmem>>
    %dma_wait3A_397 = arith.constant 0 : i32
    %dma_wait3A_398 = arith.constant 0 : i32
    %dma_wait3A_399 = tpu.memref_slice %arg2[%dma_wait3A_397, %dma_wait3A_398] : memref<100000x32xf32, #tpu.memory_space<hbm>> -> memref<100000x32xf32, #tpu.memory_space<hbm>>
    tpu.wait_indirect_dma semaphore(%arg13 : memref<!tpu.dma_semaphore, #tpu.memory_space<semaphore_mem>>) src(%dma_wait3A_399 : memref<100000x32xf32, #tpu.memory_space<hbm>>) dst(%dma_wait3A_393 : memref<128x32xf32, #tpu.memory_space<vmem>>)
    %mul3A_400 = arith.constant 384 : i32
    %mul3A_401 = arith.muli %add3A, %mul3A_400 : i32
    %add3A_402 = arith.constant 40960 : i32
    %add3A_403 = arith.addi %add3A_402, %mul3A_401 : i32
    "tpu.region"() ({
      %run_scoped3A_404 = tpu.sem_alloc : memref<!tpu.dma_semaphore, #tpu.memory_space<semaphore_mem>>
      %dma_start3A_405 = arith.constant 0 : i32
      %dma_start3A_406 = tpu.memref_slice %arg6[%add3A_403, %dma_start3A_405] : memref<53248x32xf32, #tpu.memory_space<hbm>> -> memref<384x32xf32, #tpu.memory_space<hbm>>
      %dma_start3A_407 = arith.constant 0 : i32
      %dma_start3A_408 = tpu.memref_slice %arg6[%add3A_403, %dma_start3A_407] : memref<53248x32xf32, #tpu.memory_space<hbm>> -> memref<384x32xf32, #tpu.memory_space<hbm>>
      tpu.enqueue_dma source(%arg8 : memref<384x32xf32, #tpu.memory_space<vmem>>) target(%dma_start3A_408 : memref<384x32xf32, #tpu.memory_space<hbm>>) target_semaphore(%run_scoped3A_404 : memref<!tpu.dma_semaphore, #tpu.memory_space<semaphore_mem>>)
      %dma_wait3A_409 = arith.constant 0 : i32
      %dma_wait3A_410 = tpu.memref_slice %arg6[%add3A_403, %dma_wait3A_409] : memref<53248x32xf32, #tpu.memory_space<hbm>> -> memref<384x32xf32, #tpu.memory_space<hbm>>
      %dma_wait3A_411 = arith.constant 0 : i32
      %dma_wait3A_412 = tpu.memref_slice %arg6[%add3A_403, %dma_wait3A_411] : memref<53248x32xf32, #tpu.memory_space<hbm>> -> memref<384x32xf32, #tpu.memory_space<hbm>>
      tpu.wait_dma2 semaphore(%run_scoped3A_404 : memref<!tpu.dma_semaphore, #tpu.memory_space<semaphore_mem>>) src(%arg8 : memref<384x32xf32, #tpu.memory_space<vmem>>) dst(%dma_wait3A_412 : memref<384x32xf32, #tpu.memory_space<hbm>>)
      tpu.yield
    }) : () -> ()
    return
  }
}

module attributes {stable_mosaic.version = 14 : i64} {
  func.func @_epi_body(%arg0: i32, %arg1: memref<2048x32xf32, #tpu.memory_space<vmem>>, %arg2: memref<32x2048xf32, #tpu.memory_space<vmem>>) attributes {dimension_semantics = [#tpu.dimension_semantics<arbitrary>], iteration_bounds = array<i64: 26>, scalar_prefetch = 0 : i64, scratch_operands = 0 : i64, tpu.core_type = #tpu.core_type<tc>, window_params = [{transform_indices = @transform_0, window_bounds = array<i64: 2048, 32>}, {transform_indices = @transform_1, window_bounds = array<i64: 32, 2048>}]} {
    %lt3A = arith.constant 20 : i32
    %lt3A_0 = arith.cmpi slt, %arg0, %lt3A : i32
    %convert_element_type3A = arith.extui %lt3A_0 : i1 to i32
    %cond3A = arith.constant 0 : i32
    %cond3A_1 = arith.cmpi ne, %convert_element_type3A, %cond3A : i32
    scf.if %cond3A_1 {
      %get3A = arith.constant 0 : index
      %get3A_6 = arith.constant 0 : index
      %get3A_7 = vector.load %arg1[%get3A, %get3A_6] : memref<2048x32xf32, #tpu.memory_space<vmem>>, vector<2048x32xf32>
      %log3A = math.log %get3A_7 : vector<2048x32xf32>
      %transpose3A = tpu.transpose %log3A, [1, 0] : vector<2048x32xf32> -> vector<32x2048xf32>
      %swap3A = arith.constant 0 : index
      %swap3A_8 = arith.constant 0 : index
      %swap3A_9 = vector.load %arg2[%swap3A, %swap3A_8] : memref<32x2048xf32, #tpu.memory_space<vmem>>, vector<32x2048xf32>
      tpu.vector_store %arg2[%swap3A, %swap3A_8], %transpose3A {strides = array<i32>} : memref<32x2048xf32, #tpu.memory_space<vmem>>, vector<32x2048xf32>,
    } else {
    }
    %ge3A = arith.constant 20 : i32
    %ge3A_2 = arith.cmpi sge, %arg0, %ge3A : i32
    %convert_element_type3A_3 = arith.extui %ge3A_2 : i1 to i32
    %cond3A_4 = arith.constant 0 : i32
    %cond3A_5 = arith.cmpi ne, %convert_element_type3A_3, %cond3A_4 : i32
    scf.if %cond3A_5 {
      %get3A = arith.constant 0 : index
      %get3A_6 = arith.constant 0 : index
      %get3A_7 = vector.load %arg1[%get3A, %get3A_6] : memref<2048x32xf32, #tpu.memory_space<vmem>>, vector<2048x32xf32>
      %transpose3A = tpu.transpose %get3A_7, [1, 0] : vector<2048x32xf32> -> vector<32x2048xf32>
      %swap3A = arith.constant 0 : index
      %swap3A_8 = arith.constant 0 : index
      %swap3A_9 = vector.load %arg2[%swap3A, %swap3A_8] : memref<32x2048xf32, #tpu.memory_space<vmem>>, vector<32x2048xf32>
      tpu.vector_store %arg2[%swap3A, %swap3A_8], %transpose3A {strides = array<i32>} : memref<32x2048xf32, #tpu.memory_space<vmem>>, vector<32x2048xf32>,
    } else {
    }
    return
  }
  func.func @transform_0(%arg0: i32) -> (i32, i32) {
    %c0_i32 = arith.constant 0 : i32
    %c0_i32_0 = arith.constant 0 : i32
    return %arg0, %c0_i32 : i32, i32
  }
  func.func @transform_1(%arg0: i32) -> (i32, i32) {
    %c0_i32 = arith.constant 0 : i32
    %c0_i32_0 = arith.constant 0 : i32
    return %c0_i32, %arg0 : i32, i32
  }
}

</mosaic_0001>

<sc_bundles>
// kernel: kernel.4.cloned.1.call-start
scs
__scs_entry_jumppad:
0x0: {  	(pc) =	sbr.rel $0x88, $3  }
0x1: {  	(tag) =	ssettag $0x0;
	lr =	simm.s32 $0x1  }
0x2: {  	[smem:$0x3F9D] =	sst lr;
	_ =	strace $0xD0000000  }
0x3: {  	_ = 	snop  }
0x4: {  	_ = 	snop  }
0x5: {  	_ = 	snop  }
0x6: {  	_ = 	snop  }
0x7: {  	_ = 	snop  }
__scs_overlays_trampoline_lowered:
0x8: {  	[smem:$0x3FAC] =	sst s0  }
0x9: {  	[smem:$0x3FAD] =	sst s1  }
0xa: {  	[smem:$0x3FAE] =	sst s2  }
0xb: {  	[smem:$0x3FAF] =	sst s3  }
0xc: {  	[smem:$0x3FB0] =	sst s4  }
0xd: {  	[smem:$0x3FB1] =	sst s5  }
0xe: {  	[smem:$0x3FB2] =	sst s6  }
0xf: {  	[smem:$0x3FB3] =	sst s7  }
0x10: {  	[smem:$0x3FB4] =	sst s8  }
0x11: {  	[smem:$0x3FB5] =	sst s9;
	s0 =	simm.s32 @!p0 $0x0  }
0x12: {  	s1 =	sld [smem:$0x3F9B];
	s0 =	simm.s32 @p0 $0x1  }
0x13: {  	[smem:$0x3FB6] =	sst s0;
	s0 =	simm.s32 @!p1 $0x0  }
0x14: {  	s2 =	sld [smem:$0x3F9A];
	s0 =	simm.s32 @p1 $0x1  }
0x15: {  	[smem:$0x3FB7] =	sst s0;
	s0 =	simm.s32 @!p2 $0x0  }
0x16: {  	s3 =	sld [smem:$0x3FDB];
	s0 =	simm.s32 @p2 $0x1  }
0x17: {  	s4 =	simm.s32 $0x1BF5;
	[smem:$0x3FB9] =	sst s0  }
0x18: {  	s0 =	sld [smem:$0x3F9C];
	_ =	swait.ge [sflag:s4], $0x0  }
0x19: {  	s7 =	sld [smem:$0x3F9D]  }
0x1a: {  	s8 =	sadd.s32 $0xFFFFE003, lr  }
0x1b: {  	s9 =	sadd.s32 $0xFFFFFEF7, lr;
	s5 =	simm.s32 $0xFFFFFFFF;
	p2 =	slt.u32 s8, $0xFFFFF086  }
0x1c: {  	p1 =	slt.u32 s9, $0xF7A;
	s5 =	simm.s32 @!p2 $0x0  }
0x1d: {  	s5 =	simm.s32 @p1 $0x1;
	p0 =	seq.s32 s7, s2  }
0x1e: {  	s7 =	smul.u32 @!p0 $0xF7A, s2;
	p2 =	seq.s32 @!p0 s5, $0x0  }
0x1f: {  	s9 =	smul.u32 $0xF7A, s1;
	s8 =	simm.s32 @!p0 $0x1BF5;
	p2 =	por !p2, p0  }
0x20: {  	[sflag:s8] =	ssyncset.s32 @!p0 $0xFFFFF086;
	s6 =	sadd.s32 @!p0 s3, s7;
	s7 =	simm.s32 @!p0 $0x108  }
0x21: {  	s3 =	sadd.s32 s3, s9;
	s6 =	sadd.s32 @!p0 $0x88, s6;
	s7 =	simm.s32 @p2 $0x1082  }
0x22: {  	[simem:s7], [sflag:s8] =	dma.local @!p0 [hbm:s6], $0xF7A  }
0x23: {  	s9 =	sor.u32 $0xD0000000, s2;
	s6 =	simm.s32 $0x108;
	_ =	swait.ge @!p0 [sflag:s8], $0x0  }
0x24: {  	s3 =	sadd.s32 $0x88, s3;
	s6 =	simm.s32 @!p1 $0x1082;
	[sflag:s4] =	ssyncset.s32 $0xFFFFF086  }
0x25: {  	[simem:s6], [sflag:s4] =	dma.local [hbm:s3], $0xF7A  }
0x26: {  	[smem:$0x3F9D] =	sst s1;
	(tag) =	ssettag s2;
	_ =	strace s9  }
0x27: {  	s1 =	sld [smem:$0x3FAD]  }
0x28: {  	s2 =	sld [smem:$0x3FAE]  }
0x29: {  	s4 =	sld [smem:$0x3FB0]  }
0x2a: {  	p0 =	seq.s32 s5, $0x0;
	s5 =	sld [smem:$0x3FB1]  }
0x2b: {  	s6 =	sld [smem:$0x3FB2]  }
0x2c: {  	s7 =	sld [smem:$0x3FB3]  }
0x2d: {  	s3 =	simm.s32 $0x108;
	s8 =	sld [smem:$0x3FB4]  }
0x2e: {  	s3 =	simm.s32 @!p0 $0x1082;
	s9 =	sld [smem:$0x3FB5]  }
0x2f: {  	lr =	sadd.s32 s0, s3;
	s0 =	sld [smem:$0x3FAC]  }
0x30: {  	s3 =	sld [smem:$0x3FAF]  }
0x31: {  	[smem:$0x3FB8] =	sst s10  }
0x32: {  	s10 =	sld [smem:$0x3FB6];
	_ =	sdelay $0x3  }
0x33: {  	p0 =	seq.s32 s10, $0x1;
	s10 =	sld [smem:$0x3FB8];
	_ =	sdelay $0x3  }
0x34: {  	[smem:$0x3FB8] =	sst s10  }
0x35: {  	s10 =	sld [smem:$0x3FB7];
	_ =	sdelay $0x3  }
0x36: {  	p1 =	seq.s32 s10, $0x1;
	s10 =	sld [smem:$0x3FB8];
	_ =	sdelay $0x3  }
0x37: {  	[smem:$0x3FB8] =	sst s10  }
0x38: {  	s10 =	sld [smem:$0x3FB9]  }
0x39: {  	_ = 	snop;
	(pc) =	sbr.ind lr, $3  }
0x3a: {  	_ = 	snop  }
0x3b: {  	_ = 	snop  }
0x3c: {  	p2 =	seq.s32 s10, $0x1;
	s10 =	sld [smem:$0x3FB8]  }
0x3d: {  	_ =	shalt  }
0x3e: {  	_ =	shalt  }
0x3f: {  	_ =	shalt  }
0x40: {  	_ =	shalt  }
0x41: {  	_ =	shalt  }
0x42: {  	_ =	shalt  }
0x43: {  	_ =	shalt  }
0x44: {  	_ =	shalt  }
0x45: {  	_ =	shalt  }
0x46: {  	_ =	shalt  }
0x47: {  	_ =	shalt  }
0x48: {  	_ =	shalt  }
0x49: {  	_ =	shalt  }
0x4a: {  	_ =	shalt  }
0x4b: {  	_ =	shalt  }
0x4c: {  	_ =	shalt  }
0x4d: {  	_ =	shalt  }
0x4e: {  	_ =	shalt  }
0x4f: {  	_ =	shalt  }
0x50: {  	_ =	shalt  }
0x51: {  	_ =	shalt  }
0x52: {  	_ =	shalt  }
0x53: {  	_ =	shalt  }
0x54: {  	_ =	shalt  }
0x55: {  	_ =	shalt  }
0x56: {  	_ =	shalt  }
0x57: {  	_ =	shalt  }
0x58: {  	_ =	shalt  }
0x59: {  	_ =	shalt  }
0x5a: {  	_ =	shalt  }
0x5b: {  	_ =	shalt  }
0x5c: {  	_ =	shalt  }
0x5d: {  	_ =	shalt  }
0x5e: {  	_ =	shalt  }
0x5f: {  	_ =	shalt  }
0x60: {  	_ =	shalt  }
0x61: {  	_ =	shalt  }
0x62: {  	_ =	shalt  }
0x63: {  	_ =	shalt  }
0x64: {  	_ =	shalt  }
0x65: {  	_ =	shalt  }
0x66: {  	_ =	shalt  }
0x67: {  	_ =	shalt  }
0x68: {  	_ =	shalt  }
0x69: {  	_ =	shalt  }
0x6a: {  	_ =	shalt  }
0x6b: {  	_ =	shalt  }
0x6c: {  	_ =	shalt  }
0x6d: {  	_ =	shalt  }
0x6e: {  	_ =	shalt  }
0x6f: {  	_ =	shalt  }
0x70: {  	_ =	shalt  }
0x71: {  	_ =	shalt  }
0x72: {  	_ =	shalt  }
0x73: {  	_ =	shalt  }
0x74: {  	_ =	shalt  }
0x75: {  	_ =	shalt  }
0x76: {  	_ =	shalt  }
0x77: {  	_ =	shalt  }
0x78: {  	_ =	shalt  }
0x79: {  	_ =	shalt  }
0x7a: {  	_ =	shalt  }
0x7b: {  	_ =	shalt  }
0x7c: {  	_ =	shalt  }
0x7d: {  	_ =	shalt  }
0x7e: {  	_ =	shalt  }
0x7f: {  	_ =	shalt  }
0x80: {  	_ =	shalt  }
0x81: {  	_ =	shalt  }
0x82: {  	_ =	shalt  }
0x83: {  	_ =	shalt  }
0x84: {  	_ =	shalt  }
0x85: {  	_ =	shalt  }
0x86: {  	_ =	shalt  }
0x87: {  	_ =	shalt  }
.Lfunc_end0:
.L_simem_size_0:
called_computation_lowered:
.L_overlay_start_0:
0x88: {  	s2 =	sld [smem:$0x3FD9]  }
0x89: {  	s3 =	sld [smem:$0x3FFE];
	_ =	sdelay $0x1  }
0x8a: {  	s1 =	srdreg.scid  }
0x8b: {  	s0 =	sand.u32 $0x1, s1  }
0x8c: {  	s17 =	sshll.u32 s0, $0xA;
	s2 =	sadd.s32 s3, s2  }
0x8d: {  	s2 =	sadd.s32 s2, s17  }
0x8e: {  	[smem:$0x3FC4] =	sst s2  }
0x8f: {  	_ = 	snop  }
0x90: {  	s2 =	sld [smem:$0x3FD0];
	(tm) =	ssettm $0x1  }
0x91: {  	s18 =	sld [smem:$0x3FFB];
	_ =	sdelay $0x3  }
0x92: {  	_ =	strace s18  }
0x93: {  	s3 =	sld [smem:$0x3FFC];
	_ =	sdelay $0x3  }
0x94: {  	_ =	strace s3  }
0x95: {  	s3 =	sld [smem:$0x3FFD];
	_ =	sdelay $0x3  }
0x96: {  	_ =	strace s3  }
0x97: {  	_ =	strace $0x8FFFFFFF  }
0x98: {  	s19 =	sld [smem:$0x3FDB];
	_ =	sdelay $0x1  }
0x99: {  	s4 =	simm.s32 $_scs_section_size  }
0x9a: {  	s5 =	simm.s32 $_size__tile_overlayer_lowered;
	s6 =	simm.s32 $_tile_overlayer_lowered  }
0x9b: {  	s22 =	simm.s32 $0x1BFF;
	s21 =	sshll.u32 s6, $0x1;
	s3 =	sadd.s32 s4, s19  }
0x9c: {  	s7 =	simm.s32 $0x0;
	s20 =	sshll.u32 s5, $0x1;
	s5 =	sadd.s32 s21, s3  }
0x9d: {  	[timem:s7], [sflag:s22] =	dma.local [hbm:s5], s20  }
0x9e: {  	_ =	swait.ge [sflag:s22], s20  }
0x9f: {  	s4 =	ssub.s32 $0x0, s20;
	[sflag:s22] =	ssyncset.done $0x0  }
0xa0: {  	[sflag:s22] =	ssyncadd.s32 s4;
	_ =	sdelay $0x1  }
0xa1: {  	s23 =	simm.s32 $0x1B8B  }
0xa2: {  	_ =	swait.ge [sflag:s23], $0x1  }
0xa3: {  	[sflag:s23] =	ssyncset.done $0x0  }
0xa4: {  	s25 =	simm.s32 $0x1B8E;
	s24 =	sld [smem:$0x3FFE];
	[sflag:s23] =	ssyncadd.s32 $0xFFFFFFFF  }
0xa5: {  	s26 =	simm.s32 $execute0_lowered;
	[smem:$0x3FD2] =	sst s25  }
0xa6: {  	s5 =	sshll.u32 s26, $0x1;
	_ =	strace $0x80000046;
	[dreg:$0x1] =	wrdreg $0xFFFFFFFF  }
0xa7: {  	s28 =	simm.s32 $_size_execute0_lowered;
	s3 =	sadd.s32 s3, s5;
	[dreg:$0x0] =	wrdreg $0x0  }
0xa8: {  	s5 =	sshll.u32 s28, $0x1;
	[dreg:$0x2] =	wrdreg s3  }
0xa9: {  	[dreg:$0x3] =	wrdreg s5  }
0xaa: {  	[dreg:$0x4] =	wrdreg $0xC0  }
0xab: {  	_ =	task [dreg:s7], $0x5FFFF  }
0xac: {  	[dreg:$0x1] =	wrdreg $0xFFFFFFFF  }
0xad: {  	[dreg:$0x0] =	wrdreg $0x60  }
0xae: {  	[dreg:$0x2] =	wrdreg s24  }
0xaf: {  	[dreg:$0x3] =	wrdreg s2  }
0xb0: {  	[dreg:$0x4] =	wrdreg $0x9  }
0xb1: {  	_ =	task.clear_ibuf [dreg:s7], $0x5FFFF;
	_ =	strace $0x90000046  }
0xb2: {  	s29 =	simm.s32 $0x9;
	_ =	strace $0x80000048  }
0xb3: {  	_ =	swait.ge [sflag:s29], $0x1  }
0xb4: {  	[sflag:s29] =	ssyncadd.s32 $0xFFFFFFFF  }
0xb5: {  	_ =	strace $0x90000048  }
0xb6: {  	_ =	sfence  }
0xb7: {  	s30 =	sld [smem:$0x0];
	_ =	sdelay $0x2  }
0xb8: {  	s31 =	sshll.u32 s1, $0xD;
	s1 =	sshrl.u32 s1, $0x2  }
0xb9: {  	s3 =	sand.u32 $0x4000, s31;
	s1 =	sadd.s32 s1, s30  }
0xba: {  	s0 =	sor.u32 s3, s0;
	s1 =	sshll.u32 s1, $0x11  }
0xbb: {  	s0 =	sor.u32 s1, s0  }
0xbc: {  	s0 =	sadd.s32 $0x8F2B, s0  }
0xbd: {  	[sflag:s0] =	ssyncadd.remote.s32 $0x1  }
0xbe: {  	_ =	sfence.sel $0xFFFF  }
0xbf: {  	[dreg:$0x0] =	wrdreg $0xFFFFFFFF;
	(pc) =	sbr.abs _section_cstart, $3  }
0xc0: {  	[dreg:$0x1] =	wrdreg $0xFFFFFFFF  }
0xc1: {  	_ =	task.clear_ibuf [dreg:s7], $0x2FFFF;
	_ =	strace $0x9FFFFFFF  }
0xc2: {  	(tm) =	ssettm $0x7FFFFFFF  }
0xc3: {  	_ =	shalt  }
tec
execute0_lowered:
.L_overlay_start_1:
0x0: {  	(tag) =	ssettag $0x1  }
0x1: {  	s0 =	rddreg [dreg:$0x0]  }
0x2: {  	s2 =	rddreg [dreg:$0x1]  }
0x3: {  	s3 =	simm.s32 $0x0;
	s1 =	srdreg.scid;
	s9 =	stileid.u32  }
0x4: {  	s1 =	sand.u32 $0x1, s1;
	s4 =	sshll.u32 s9, $0x1;
	s9 =	smul.u32 $0xA00, s9  }
0x5: {  	[smem:$0x7FF] =	sst s3;
	s5 =	sadd.s32 $0x1000, s0;
	s11 =	smul.u32 $0x5F0, s1  }
0x6: {  	_ =	strace $0x80000047;
	s7 =	sor.u32 s1, s4;
	s4 =	sadd.s32 $0x187400, s0  }
0x7: {  	s8 =	ssub.s32 $0x2, s1;
	s6 =	smul.u32 $0x180, s7;
	s9 =	sadd.s32 s11, s9  }
0x8: {  	p0 =	seq.s32 s1, $0x0;
	s10 =	sshrl.u32 s8, $0x1;
	s22 =	sshll.u32 s9, $0x1  }
0x9: {  	s6 =	sshrl.u32 s6, $0x3;
	s11 =	sshll.u32 s9, $0x4;
	s1 =	sadd.s32 s5, s22  }
0xa: {  	s12 =	sadd.s32 s6, s0;
	s13 =	sadd.s32 s2, s22;
	[dreg:$0xa] =	wrdreg s1  }
0xb: {  	s6 =	sadd.s32 $0x15000, s0;
	s19 =	sadd.s32 $0xA00, s12;
	[dreg:$0x6] =	wrdreg s13  }
0xc: {  	s0 =	ssub.s32 s8, s10;
	s20 =	sadd.s32 $0xA10, s12;
	[dreg:$0x3] =	wrdreg s19  }
0xd: {  	s23 =	sshrl.u32 s11, $0x3;
	s21 =	sadd.s32 $0xA20, s12;
	[dreg:$0x4] =	wrdreg s20  }
0xe: {  	s24 =	sadd.s32 s2, s23;
	s0 =	smax.u32 s0, $0x1;
	[dreg:$0x5] =	wrdreg s21  }
0xf: {  	s14 =	sadd.s32 $0x20, s24;
	[dreg:$0x18] =	wrdreg s0  }
0x10: {  	s25 =	sadd.s32 $0x30, s24;
	[dreg:$0x7] =	wrdreg s14  }
0x11: {  	s26 =	sadd.s32 $0x50, s23;
	s15 =	sadd.s32 $0x40, s24;
	[dreg:$0x8] =	wrdreg s25  }
0x12: {  	s31 =	sadd.s32 s2, s26;
	[dreg:$0x9] =	wrdreg s15  }
0x13: {  	s16 =	sadd.s32 $0x70, s24;
	[dreg:$0xb] =	wrdreg s31  }
0x14: {  	s28 =	simm.s32 $0x3880;
	s17 =	sadd.s32 s5, s26;
	[dreg:$0xd] =	wrdreg s16  }
0x15: {  	s29 =	simm.s32 $0x18580;
	s19 =	sadd.s32 $0x80, s24;
	[dreg:$0xe] =	wrdreg s17  }
0x16: {  	s7 =	smul.u32 $0x3000, s7;
	s20 =	sadd.s32 $0x90, s24;
	[dreg:$0xf] =	wrdreg s19  }
0x17: {  	v0 =	vimm.s32 $0xEFCDAB89;
	v1 =	vimm.s32 $0x67452301;
	s30 =	simm.s32 $0x0;
	s21 =	sadd.s32 $0xB0, s24;
	[dreg:$0x10] =	wrdreg s20  }
0x18: {  	v2 =	vimm.s32 $0xDCFE98BA;
	v3 =	vimm.s32 $0x54761032;
	s7 =	sshrl.u32 s7, $0x3;
	s22 =	sadd.s32 $0xC0, s24;
	[dreg:$0x11] =	wrdreg s21  }
0x19: {  	v4 =	vimm.s32 $0xBA98FEDC;
	v5 =	vimm.s32 $0x32107654;
	s18 =	sadd.s32 $0xA0, s23;
	s23 =	sadd.s32 $0xD0, s24;
	[dreg:$0x12] =	wrdreg s22  }
0x1a: {  	v6 =	vimm.s32 $0xFEDCBA98;
	v7 =	vimm.s32 $0x76543210;
	v0 =	vunpack.c.l.s4.s8 v0;
	s8 =	simm.s32 $0x80;
	s1 =	sadd.s32 s5, s18;
	[dreg:$0x13] =	wrdreg s23  }
0x1b: {  	v1 =	vunpack.c.l.s4.s8 v1;
	v2 =	vunpack.c.l.s4.s8 v2;
	v3 =	vunpack.c.l.s4.s8 v3;
	s10 =	simm.s32 $0x180;
	s15 =	sadd.s32 $0x60, s24;
	[dreg:$0x16] =	wrdreg s1  }
0x1c: {  	v6 =	vunpack.c.l.s4.s8 v6;
	v4 =	vunpack.c.l.s4.s8 v4;
	v5 =	vunpack.c.l.s4.s8 v5;
	s12 =	simm.s32 $0x26;
	s24 =	sadd.s32 $0xE0, s24;
	[dreg:$0xc] =	wrdreg s15  }
0x1d: {  	v7 =	vunpack.c.l.s4.s8 v7;
	v0 =	vunpack.c.0.s8.s32 v0;
	v1 =	vunpack.c.0.s8.s32 v1;
	s26 =	sadd.s32 s6, s7;
	s25 =	sadd.s32 s2, s18;
	[dreg:$0x14] =	wrdreg s24  }
0x1e: {  	v2 =	vunpack.c.0.s8.s32 v2;
	v3 =	vunpack.c.0.s8.s32 v3;
	v6 =	vunpack.c.0.s8.s32 v6;
	s12 =	simm.s32 @!p0 $0x1A;
	s1 =	sadd.s32 $0x28000, s26;
	[dreg:$0x15] =	wrdreg s25  }
0x1f: {  	v4 =	vunpack.c.0.s8.s32 v4;
	v5 =	vunpack.c.0.s8.s32 v5;
	v7 =	vunpack.c.0.s8.s32 v7;
	s7 =	simm.s32 $0x6;
	s31 =	sadd.s32 $0x10, s13;
	[dreg:$0x17] =	wrdreg s1  }
0x20: {  	v0 =	vcombine.low v1, v0;
	v1 =	vcombine.low v3, v2;
	v3 =	vand.u32 $0xF, v6;
	s14 =	simm.s32 $0x3780;
	s26 =	simm.s32 $0x3800;
	[dreg:$0x19] =	wrdreg s31  }
0x21: {  	v2 =	vcombine.low v5, v4;
	v3 =	vcombine.low v3, v7;
	s24 =	simm.s32 $0x3680;
	s25 =	simm.s32 $0x3700;
	s15 =	simm.s32 $0x1  }
.LBB2_1:
0x22: {  	s0 =	rddreg [dreg:$0x3]  }
0x23: {  	[tilespmem:s3], [sflag:$0x6] =	stream.linear.gather [hbm4b:s0+s3], $0x80, $0x38;
	[tilespmem:$0x18A80] =	vst v63  }
0x24: {  	_ =	swait.ge [sflag:s7], $0x80  }
0x25: {  	[sflag:s7] =	ssyncset.done $0x0  }
0x26: {  	s21 =	rddreg [dreg:$0x4];
	[sflag:s7] =	ssyncadd.s32 $0xFFFFFF80  }
0x27: {  	[tilespmem:s8], [sflag:$0x6] =	stream.linear.gather [hbm4b:s21+s3], $0x80, $0x38;
	[tilespmem:$0x18A80] =	vst v63  }
0x28: {  	_ =	swait.ge [sflag:s7], $0x80  }
0x29: {  	[sflag:s7] =	ssyncset.done $0x0  }
0x2a: {  	s1 =	simm.s32 $0x100;
	s22 =	rddreg [dreg:$0x5];
	[sflag:s7] =	ssyncadd.s32 $0xFFFFFF80  }
0x2b: {  	[tilespmem:s1], [sflag:$0x6] =	stream.linear.gather [hbm4b:s22+s3], $0x80, $0x38;
	[tilespmem:$0x18A80] =	vst v63  }
0x2c: {  	_ =	swait.ge [sflag:s7], $0x80  }
0x2d: {  	[sflag:s7] =	ssyncset.done $0x0  }
0x2e: {  	[sflag:s7] =	ssyncadd.s32 $0xFFFFFF80  }
0x2f: {  	[tilespmem:s10], [sflag:$0x1] =	stream.indirect.gather [hbm4b:s4+s8], $0x20, s3, s8, $0xb8;
	[tilespmem:$0x18A80] =	vst v63  }
0x30: {  	s23 =	simm.s32 $0x1180  }
0x31: {  	[tilespmem:s23], [sflag:$0x1] =	stream.indirect.gather [hbm4b:s4+s8], $0x20, s8, s8, $0xb8;
	[tilespmem:$0x18A80] =	vst v63  }
0x32: {  	s31 =	simm.s32 $0x2180  }
0x33: {  	[tilespmem:s31], [sflag:$0x1] =	stream.indirect.gather [hbm4b:s4+s8], $0x20, s1, s8, $0xb8;
	[tilespmem:$0x18A80] =	vst v63  }
0x34: {  	s10 =	simm.s32 $0x3180;
	s1 =	rddreg [dreg:$0x6]  }
0x35: {  	[tilespmem:s10], [sflag:$0x6] =	stream.linear.gather [hbm4b:s1+s3], $0x80, $0x38;
	[tilespmem:$0x18A80] =	vst v63  }
0x36: {  	_ =	swait.ge [sflag:s7], $0x80  }
0x37: {  	[sflag:s7] =	ssyncset.done $0x0  }
0x38: {  	s19 =	simm.s32 $0x3200;
	s18 =	rddreg [dreg:$0x19];
	[sflag:s7] =	ssyncadd.s32 $0xFFFFFF80  }
0x39: {  	[tilespmem:s19], [sflag:$0x6] =	stream.linear.gather [hbm4b:s18+s3], $0x80, $0x38;
	[tilespmem:$0x18A80] =	vst v63  }
0x3a: {  	_ =	swait.ge [sflag:s7], $0x80  }
0x3b: {  	[sflag:s7] =	ssyncset.done $0x0  }
0x3c: {  	s13 =	simm.s32 $0x3280;
	s20 =	rddreg [dreg:$0x7];
	[sflag:s7] =	ssyncadd.s32 $0xFFFFFF80  }
0x3d: {  	[tilespmem:s13], [sflag:$0x6] =	stream.linear.gather [hbm4b:s20+s3], $0x80, $0x38;
	[tilespmem:$0x18A80] =	vst v63  }
0x3e: {  	_ =	swait.ge [sflag:s7], $0x80  }
0x3f: {  	[sflag:s7] =	ssyncset.done $0x0  }
0x40: {  	s16 =	simm.s32 $0x3300;
	s21 =	rddreg [dreg:$0x8];
	[sflag:s7] =	ssyncadd.s32 $0xFFFFFF80  }
0x41: {  	[tilespmem:s16], [sflag:$0x6] =	stream.linear.gather [hbm4b:s21+s3], $0x80, $0x38;
	[tilespmem:$0x18A80] =	vst v63  }
0x42: {  	_ =	swait.ge [sflag:s7], $0x80  }
0x43: {  	[sflag:s7] =	ssyncset.done $0x0  }
0x44: {  	s17 =	simm.s32 $0x3380;
	s22 =	rddreg [dreg:$0x9];
	[sflag:s7] =	ssyncadd.s32 $0xFFFFFF80  }
0x45: {  	[tilespmem:s17], [sflag:$0x6] =	stream.linear.gather [hbm4b:s22+s3], $0x80, $0x38;
	[tilespmem:$0x18A80] =	vst v63  }
0x46: {  	_ =	swait.ge [sflag:s7], $0x80  }
0x47: {  	[sflag:s7] =	ssyncset.done $0x0  }
0x48: {  	s18 =	simm.s32 $0x3B80;
	s23 =	rddreg [dreg:$0xa];
	[sflag:s7] =	ssyncadd.s32 $0xFFFFFF80  }
0x49: {  	[tilespmem:s18], [sflag:$0x6] =	stream.linear.gather [hbm4b:s23+s3], $0x280, $0x38;
	[tilespmem:$0x18A80] =	vst v63  }
0x4a: {  	_ =	swait.ge [sflag:s7], $0x280  }
0x4b: {  	[sflag:s7] =	ssyncset.done $0x0  }
0x4c: {  	s31 =	simm.s32 $0x4580;
	[sflag:s7] =	ssyncadd.s32 $0xFFFFFD80  }
0x4d: {  	[tilespmem:s31], [sflag:$0x2] =	stream.indirect.gather [hbm4b:s4+s8], $0x20, s10, s8, $0xb8;
	[tilespmem:$0x18A80] =	vst v63  }
0x4e: {  	s1 =	simm.s32 $0x5580  }
0x4f: {  	[tilespmem:s1], [sflag:$0x2] =	stream.indirect.gather [hbm4b:s4+s8], $0x20, s19, s8, $0xb8;
	[tilespmem:$0x18A80] =	vst v63  }
0x50: {  	s10 =	simm.s32 $0x6580  }
0x51: {  	[tilespmem:s10], [sflag:$0x2] =	stream.indirect.gather [hbm4b:s4+s8], $0x20, s13, s8, $0xb8;
	[tilespmem:$0x18A80] =	vst v63  }
0x52: {  	s18 =	simm.s32 $0x7580  }
0x53: {  	[tilespmem:s18], [sflag:$0x2] =	stream.indirect.gather [hbm4b:s4+s8], $0x20, s16, s8, $0xb8;
	[tilespmem:$0x18A80] =	vst v63  }
0x54: {  	s19 =	simm.s32 $0x8580  }
0x55: {  	[tilespmem:s19], [sflag:$0x2] =	stream.indirect.gather [hbm4b:s4+s8], $0x20, s17, s8, $0xb8;
	[tilespmem:$0x18A80] =	vst v63  }
0x56: {  	s20 =	rddreg [dreg:$0xb];
	s1 =	simm.s32 $0x3400  }
0x57: {  	[tilespmem:s1], [sflag:$0x6] =	stream.linear.gather [hbm4b:s20+s3], $0x80, $0x38;
	[tilespmem:$0x18A80] =	vst v63  }
0x58: {  	_ =	swait.ge [sflag:s7], $0x80  }
0x59: {  	[sflag:s7] =	ssyncset.done $0x0  }
0x5a: {  	s10 =	simm.s32 $0x3480;
	s21 =	rddreg [dreg:$0xc];
	[sflag:s7] =	ssyncadd.s32 $0xFFFFFF80  }
0x5b: {  	[tilespmem:s10], [sflag:$0x6] =	stream.linear.gather [hbm4b:s21+s3], $0x80, $0x38;
	[tilespmem:$0x18A80] =	vst v63  }
0x5c: {  	_ =	swait.ge [sflag:s7], $0x80  }
0x5d: {  	[sflag:s7] =	ssyncset.done $0x0  }
0x5e: {  	s13 =	simm.s32 $0x3500;
	s22 =	rddreg [dreg:$0xd];
	[sflag:s7] =	ssyncadd.s32 $0xFFFFFF80  }
0x5f: {  	[tilespmem:s13], [sflag:$0x6] =	stream.linear.gather [hbm4b:s22+s3], $0x80, $0x38;
	[tilespmem:$0x18A80] =	vst v63  }
0x60: {  	_ =	swait.ge [sflag:s7], $0x80  }
0x61: {  	[sflag:s7] =	ssyncset.done $0x0  }
0x62: {  	s16 =	simm.s32 $0x3580;
	s23 =	rddreg [dreg:$0xf];
	[sflag:s7] =	ssyncadd.s32 $0xFFFFFF80  }
0x63: {  	[tilespmem:s16], [sflag:$0x6] =	stream.linear.gather [hbm4b:s23+s3], $0x80, $0x38;
	[tilespmem:$0x18A80] =	vst v63  }
0x64: {  	_ =	swait.ge [sflag:s7], $0x80  }
0x65: {  	[sflag:s7] =	ssyncset.done $0x0  }
0x66: {  	s17 =	simm.s32 $0x3600;
	s31 =	rddreg [dreg:$0x10];
	[sflag:s7] =	ssyncadd.s32 $0xFFFFFF80  }
0x67: {  	[tilespmem:s17], [sflag:$0x6] =	stream.linear.gather [hbm4b:s31+s3], $0x80, $0x38;
	[tilespmem:$0x18A80] =	vst v63  }
0x68: {  	_ =	swait.ge [sflag:s7], $0x80  }
0x69: {  	[sflag:s7] =	ssyncset.done $0x0  }
0x6a: {  	s19 =	simm.s32 $0x3E00;
	s18 =	rddreg [dreg:$0xe];
	[sflag:s7] =	ssyncadd.s32 $0xFFFFFF80  }
0x6b: {  	[tilespmem:s19], [sflag:$0x6] =	stream.linear.gather [hbm4b:s18+s3], $0x280, $0x38;
	[tilespmem:$0x18A80] =	vst v63  }
0x6c: {  	_ =	swait.ge [sflag:s7], $0x280  }
0x6d: {  	[sflag:s7] =	ssyncset.done $0x0  }
0x6e: {  	s20 =	simm.s32 $0x9580;
	[sflag:s7] =	ssyncadd.s32 $0xFFFFFD80  }
0x6f: {  	[tilespmem:s20], [sflag:$0x3] =	stream.indirect.gather [hbm4b:s4+s8], $0x20, s1, s8, $0xb8;
	[tilespmem:$0x18A80] =	vst v63  }
0x70: {  	s21 =	simm.s32 $0xA580  }
0x71: {  	[tilespmem:s21], [sflag:$0x3] =	stream.indirect.gather [hbm4b:s4+s8], $0x20, s10, s8, $0xb8;
	[tilespmem:$0x18A80] =	vst v63  }
0x72: {  	s22 =	simm.s32 $0xB580  }
0x73: {  	[tilespmem:s22], [sflag:$0x3] =	stream.indirect.gather [hbm4b:s4+s8], $0x20, s13, s8, $0xb8;
	[tilespmem:$0x18A80] =	vst v63  }
0x74: {  	s23 =	simm.s32 $0xC580  }
0x75: {  	[tilespmem:s23], [sflag:$0x3] =	stream.indirect.gather [hbm4b:s4+s8], $0x20, s16, s8, $0xb8;
	[tilespmem:$0x18A80] =	vst v63  }
0x76: {  	s31 =	simm.s32 $0xD580  }
0x77: {  	[tilespmem:s31], [sflag:$0x3] =	stream.indirect.gather [hbm4b:s4+s8], $0x20, s17, s8, $0xb8;
	[tilespmem:$0x18A80] =	vst v63  }
0x78: {  	s1 =	rddreg [dreg:$0x15]  }
0x79: {  	[tilespmem:s24], [sflag:$0x6] =	stream.linear.gather [hbm4b:s1+s3], $0x80, $0x38;
	[tilespmem:$0x18A80] =	vst v63  }
0x7a: {  	_ =	swait.ge [sflag:s7], $0x80  }
0x7b: {  	[sflag:s7] =	ssyncset.done $0x0  }
0x7c: {  	s10 =	rddreg [dreg:$0x11];
	[sflag:s7] =	ssyncadd.s32 $0xFFFFFF80  }
0x7d: {  	[tilespmem:s25], [sflag:$0x6] =	stream.linear.gather [hbm4b:s10+s3], $0x80, $0x38;
	[tilespmem:$0x18A80] =	vst v63  }
0x7e: {  	_ =	swait.ge [sflag:s7], $0x80  }
0x7f: {  	[sflag:s7] =	ssyncset.done $0x0  }
0x80: {  	s13 =	rddreg [dreg:$0x12];
	[sflag:s7] =	ssyncadd.s32 $0xFFFFFF80  }
0x81: {  	[tilespmem:s14], [sflag:$0x6] =	stream.linear.gather [hbm4b:s13+s3], $0x80, $0x38;
	[tilespmem:$0x18A80] =	vst v63  }
0x82: {  	_ =	swait.ge [sflag:s7], $0x80  }
0x83: {  	[sflag:s7] =	ssyncset.done $0x0  }
0x84: {  	s16 =	rddreg [dreg:$0x13];
	[sflag:s7] =	ssyncadd.s32 $0xFFFFFF80  }
0x85: {  	[tilespmem:s26], [sflag:$0x6] =	stream.linear.gather [hbm4b:s16+s3], $0x80, $0x38;
	[tilespmem:$0x18A80] =	vst v63  }
0x86: {  	_ =	swait.ge [sflag:s7], $0x80  }
0x87: {  	[sflag:s7] =	ssyncset.done $0x0  }
0x88: {  	s17 =	rddreg [dreg:$0x14];
	[sflag:s7] =	ssyncadd.s32 $0xFFFFFF80  }
0x89: {  	[tilespmem:s28], [sflag:$0x6] =	stream.linear.gather [hbm4b:s17+s3], $0x80, $0x38;
	[tilespmem:$0x18A80] =	vst v63  }
0x8a: {  	_ =	swait.ge [sflag:s7], $0x80  }
0x8b: {  	[sflag:s7] =	ssyncset.done $0x0  }
0x8c: {  	s19 =	simm.s32 $0x4080;
	s18 =	rddreg [dreg:$0x16];
	[sflag:s7] =	ssyncadd.s32 $0xFFFFFF80  }
0x8d: {  	[tilespmem:s19], [sflag:$0x6] =	stream.linear.gather [hbm4b:s18+s3], $0x280, $0x38;
	[tilespmem:$0x18A80] =	vst v63  }
0x8e: {  	_ =	swait.ge [sflag:s7], $0x280  }
0x8f: {  	[sflag:s7] =	ssyncset.done $0x0  }
0x90: {  	s20 =	simm.s32 $0xE580;
	[sflag:s7] =	ssyncadd.s32 $0xFFFFFD80  }
0x91: {  	[tilespmem:s20], [sflag:$0x4] =	stream.indirect.gather [hbm4b:s4+s8], $0x20, s24, s8, $0xb8;
	[tilespmem:$0x18A80] =	vst v63  }
0x92: {  	s21 =	simm.s32 $0xF580  }
0x93: {  	[tilespmem:s21], [sflag:$0x4] =	stream.indirect.gather [hbm4b:s4+s8], $0x20, s25, s8, $0xb8;
	[tilespmem:$0x18A80] =	vst v63  }
0x94: {  	s22 =	simm.s32 $0x10580  }
0x95: {  	[tilespmem:s22], [sflag:$0x4] =	stream.indirect.gather [hbm4b:s4+s8], $0x20, s14, s8, $0xb8;
	[tilespmem:$0x18A80] =	vst v63  }
0x96: {  	s23 =	simm.s32 $0x11580  }
0x97: {  	[tilespmem:s23], [sflag:$0x4] =	stream.indirect.gather [hbm4b:s4+s8], $0x20, s26, s8, $0xb8;
	[tilespmem:$0x18A80] =	vst v63  }
0x98: {  	s31 =	simm.s32 $0x12580;
	s16 =	simm.s32 $0x0;
	s17 =	simm.s32 $0x0  }
0x99: {  	[tilespmem:s31], [sflag:$0x4] =	stream.indirect.gather [hbm4b:s4+s8], $0x20, s28, s8, $0xb8;
	[tilespmem:$0x18A80] =	vst v63  }
.LBB2_2:
0x9a: {  	s0 =	sadd.s32 $0x3, s17  }
0x9b: {  	p0 =	sge.u32 s0, s12  }
0x9c: {  	s1 =	smul.u32 @!p0 $0x280, s0  }
0x9d: {  	s0 =	sand.u32 @!p0 $0x3, s0  }
0x9e: {  	s18 =	smul.u32 @!p0 $0x280, s0;
	s1 =	sadd.s32 @!p0 s11, s1  }
0x9f: {  	s13 =	simm.s32 @!p0 $0x0;
	s1 =	sshrl.u32 @!p0 s1, $0x3  }
0xa0: {  	s20 =	simm.s32 @!p0 $0x6;
	s31 =	sadd.s32 @!p0 $0x3180, s18;
	s19 =	sadd.s32 @!p0 s2, s1  }
0xa1: {  	[tilespmem:s31], [sflag:$0x6] =	stream.linear.gather @!p0 [hbm4b:s19+s13], $0x80, $0x38;
	[tilespmem:$0x18A80] =	vst v63  }
0xa2: {  	_ =	swait.ge @!p0 [sflag:s20], $0x80  }
0xa3: {  	[sflag:s20] =	ssyncset.done @!p0 $0x0  }
0xa4: {  	s21 =	sadd.s32 @!p0 $0x3200, s18;
	s22 =	sadd.s32 @!p0 $0x10, s19;
	[sflag:s20] =	ssyncadd.s32 @!p0 $0xFFFFFF80  }
0xa5: {  	[tilespmem:s21], [sflag:$0x6] =	stream.linear.gather @!p0 [hbm4b:s22+s13], $0x80, $0x38;
	[tilespmem:$0x18A80] =	vst v63  }
0xa6: {  	_ =	swait.ge @!p0 [sflag:s20], $0x80  }
0xa7: {  	[sflag:s20] =	ssyncset.done @!p0 $0x0  }
0xa8: {  	s23 =	sadd.s32 @!p0 $0x20, s19;
	s22 =	sadd.s32 @!p0 $0x3280, s18;
	[sflag:s20] =	ssyncadd.s32 @!p0 $0xFFFFFF80  }
0xa9: {  	[tilespmem:s22], [sflag:$0x6] =	stream.linear.gather @!p0 [hbm4b:s23+s13], $0x80, $0x38;
	[tilespmem:$0x18A80] =	vst v63  }
0xaa: {  	_ =	swait.ge @!p0 [sflag:s20], $0x80  }
0xab: {  	[sflag:s20] =	ssyncset.done @!p0 $0x0  }
0xac: {  	s10 =	sadd.s32 @!p0 $0x30, s19;
	s23 =	sadd.s32 @!p0 $0x3300, s18;
	[sflag:s20] =	ssyncadd.s32 @!p0 $0xFFFFFF80  }
0xad: {  	[tilespmem:s23], [sflag:$0x6] =	stream.linear.gather @!p0 [hbm4b:s10+s13], $0x80, $0x38;
	[tilespmem:$0x18A80] =	vst v63  }
0xae: {  	_ =	swait.ge @!p0 [sflag:s20], $0x80  }
0xaf: {  	[sflag:s20] =	ssyncset.done @!p0 $0x0  }
0xb0: {  	s19 =	sadd.s32 @!p0 $0x40, s19;
	s10 =	sadd.s32 @!p0 $0x3380, s18;
	[sflag:s20] =	ssyncadd.s32 @!p0 $0xFFFFFF80  }
0xb1: {  	[tilespmem:s10], [sflag:$0x6] =	stream.linear.gather @!p0 [hbm4b:s19+s13], $0x80, $0x38;
	[tilespmem:$0x18A80] =	vst v63  }
0xb2: {  	_ =	swait.ge @!p0 [sflag:s20], $0x80  }
0xb3: {  	[sflag:s20] =	ssyncset.done @!p0 $0x0  }
0xb4: {  	s1 =	sadd.s32 @!p0 s5, s1;
	s18 =	sadd.s32 @!p0 $0x3B80, s18;
	[sflag:s20] =	ssyncadd.s32 @!p0 $0xFFFFFF80  }
0xb5: {  	[tilespmem:s18], [sflag:$0x6] =	stream.linear.gather @!p0 [hbm4b:s1+s13], $0x280, $0x38;
	[tilespmem:$0x18A80] =	vst v63  }
0xb6: {  	s1 =	smul.u32 @!p0 $0x14000, s0  }
0xb7: {  	_ =	swait.ge @!p0 [sflag:s20], $0x280  }
0xb8: {  	s0 =	sadd.s32 @!p0 $0x2, s0;
	[sflag:s20] =	ssyncset.done @!p0 $0x0;
	s1 =	sshrl.u32 @!p0 s1, $0x2  }
0xb9: {  	s18 =	simm.s32 @!p0 $0x80;
	[sflag:s20] =	ssyncadd.s32 @!p0 $0xFFFFFD80;
	s13 =	sadd.s32 @!p0 $0x4580, s1  }
0xba: {  	[tilespmem:s13], [sflag:s0] =	stream.indirect.gather @!p0 [hbm4b:s4+s18], $0x20, s31, s18, $0xb8;
	[tilespmem:$0x18A80] =	vst v63  }
0xbb: {  	s13 =	sadd.s32 @!p0 $0x5580, s1  }
0xbc: {  	[tilespmem:s13], [sflag:s0] =	stream.indirect.gather @!p0 [hbm4b:s4+s18], $0x20, s21, s18, $0xb8;
	[tilespmem:$0x18A80] =	vst v63  }
0xbd: {  	s13 =	sadd.s32 @!p0 $0x6580, s1  }
0xbe: {  	[tilespmem:s13], [sflag:s0] =	stream.indirect.gather @!p0 [hbm4b:s4+s18], $0x20, s22, s18, $0xb8;
	[tilespmem:$0x18A80] =	vst v63  }
0xbf: {  	s13 =	sadd.s32 @!p0 $0x7580, s1  }
0xc0: {  	[tilespmem:s13], [sflag:s0] =	stream.indirect.gather @!p0 [hbm4b:s4+s18], $0x20, s23, s18, $0xb8;
	[tilespmem:$0x18A80] =	vst v63  }
0xc1: {  	s20 =	sand.u32 $0x3, s17;
	s1 =	sadd.s32 @!p0 $0x8580, s1  }
0xc2: {  	[tilespmem:s1], [sflag:s0] =	stream.indirect.gather @!p0 [hbm4b:s4+s18], $0x20, s10, s18, $0xb8;
	[tilespmem:$0x18A80] =	vst v63  }
0xc3: {  	s0 =	sadd.s32 $0x2, s20  }
0xc4: {  	_ =	swait.ge [sflag:s0], $0x1000  }
0xc5: {  	[sflag:s0] =	ssyncset.done $0x0  }
0xc6: {  	[sflag:s0] =	ssyncadd.s32 $0xFFFFF000  }
0xc7: {  	_ =	swait.ge [sflag:s0], $0x1000  }
0xc8: {  	[sflag:s0] =	ssyncset.done $0x0  }
0xc9: {  	s21 =	sand.u32 $0x3, s16;
	[sflag:s0] =	ssyncadd.s32 $0xFFFFF000  }
0xca: {  	s22 =	smul.u32 $0xA00, s21;
	_ =	swait.ge [sflag:s0], $0x1000  }
0xcb: {  	[sflag:s0] =	ssyncset.done $0x0  }
0xcc: {  	s10 =	sshrl.u32 s22, $0x2;
	[sflag:s0] =	ssyncadd.s32 $0xFFFFF000  }
0xcd: {  	s10 =	sadd.s32 $0x3B80, s10;
	_ =	swait.ge [sflag:s0], $0x1000  }
0xce: {  	v4 =	vmov s10;
	[sflag:s0] =	ssyncset.done $0x0  }
0xcf: {  	[sflag:s0] =	ssyncadd.s32 $0xFFFFF000  }
0xd0: {  	_ =	swait.ge [sflag:s0], $0x1000  }
0xd1: {  	[sflag:s0] =	ssyncset.done $0x0  }
0xd2: {  	s23 =	simm.s32 $0x0;
	s1 =	smul.u32 $0x14000, s21;
	[sflag:s0] =	ssyncadd.s32 $0xFFFFF000  }
0xd3: {  	v5 =	vld.idx.msk [tilespmem:v4+s23+$0x0 ss:$0x1], $0xffff  }
0xd4: {  	s1 =	sshrl.u32 s1, $0x2  }
0xd5: {  	s31 =	sadd.s32 $0x4680, s1  }
0xd6: {  	v6 =	vld [tilespmem:s31+$0xFFFFFF10]  }
0xd7: {  	v8 =	vld [tilespmem:s31+$0xFFFFFF00]  }
0xd8: {  	v10 =	vld [tilespmem:s31+$0xFFFFFF40];
	v11 =	vbroadcast v5, $0x0  }
0xd9: {  	v12 =	vld [tilespmem:s31+$0xFFFFFF60];
	v13 =	vbroadcast v5, $0x9;
	v14 =	vmul.f32 $1.442695020e+00, v5  }
0xda: {  	v15 =	vld [tilespmem:s31+$0xFFFFFF70];
	v16 =	vbroadcast v5, $0x2;
	v18 =	vbroadcast v5, $0x7  }
0xdb: {  	v17 =	vld [tilespmem:s31+$0xFFFFFF80];
	v20 =	vbroadcast v5, $0x8;
	v21 =	vbroadcast v5, $0x3  }
0xdc: {  	v53 =	vld [tilespmem:s31+$0x20];
	v23 =	vbroadcast v5, $0x1;
	v24 =	vbroadcast v5, $0xB  }
0xdd: {  	v58 =	vld [tilespmem:s31+$0x30];
	v26 =	vbroadcast v5, $0x4;
	v28 =	vbroadcast v5, $0xC  }
0xde: {  	v9 =	vld [tilespmem:s31+$0xFFFFFF20];
	v29 =	vbroadcast v5, $0xA;
	v43 =	vbroadcast v5, $0x6  }
0xdf: {  	v22 =	vld [tilespmem:s31+$0xFFFFFF90];
	v32 =	vbroadcast v5, $0x5;
	v8 =	vadd.f32 v8, v11;
	v11 =	vadd.f32 v6, v11  }
0xe0: {  	v7 =	vld [tilespmem:s31+$0xFFFFFF30];
	v6 =	vbroadcast v5, $0xD;
	v10 =	vadd.f32 v10, v16;
	v12 =	vadd.f32 v12, v21  }
0xe1: {  	v30 =	vld [tilespmem:s31+$0xFFFFFFA0];
	v15 =	vadd.f32 v15, v21;
	v17 =	vadd.f32 v17, v26;
	(erf) = vpow2.f32 v14  }
0xe2: {  	v46 =	vld [tilespmem:s31+$0x0];
	v60 =	vadd.f32 v53, v13;
	v13 =	vadd.f32 v58, v13;
	v58 =	vbroadcast v5, $0xF  }
0xe3: {  	v51 =	vld [tilespmem:s31+$0x10];
	v9 =	vadd.f32 v9, v23;
	v8 =	vmul.f32 $1.442695020e+00, v8;
	v10 =	vmul.f32 $1.442695020e+00, v10  }
0xe4: {  	v19 =	vld [tilespmem:s31+$0xFFFFFF50];
	v22 =	vadd.f32 v22, v26;
	v12 =	vmul.f32 $1.442695020e+00, v12;
	v15 =	vmul.f32 $1.442695020e+00, v15  }
0xe5: {  	v27 =	vld [tilespmem:s31+$0x60];
	v7 =	vadd.f32 v7, v23;
	v17 =	vmul.f32 $1.442695020e+00, v17;
	v9 =	vmul.f32 $1.442695020e+00, v9  }
0xe6: {  	v40 =	vld [tilespmem:s31+$0xFFFFFFD0];
	v45 =	vadd.f32 v30, v32;
	v22 =	vmul.f32 $1.442695020e+00, v22;
	(erf) = vpow2.f32 v8  }
0xe7: {  	v41 =	vld [tilespmem:s31+$0xFFFFFFC0];
	v50 =	vadd.f32 v46, v20;
	v7 =	vmul.f32 $1.442695020e+00, v7;
	(erf) = vpow2.f32 v15  }
0xe8: {  	v42 =	vld [tilespmem:s31+$0xFFFFFFB0];
	v20 =	vadd.f32 v51, v20;
	v21 =	vmul.f32 $1.442695020e+00, v45;
	(erf) = vpow2.f32 v17  }
0xe9: {  	v48 =	vld [tilespmem:s31+$0xFFFFFFE0];
	v16 =	vadd.f32 v19, v16;
	v11 =	vmul.f32 $1.442695020e+00, v11;
	(erf) = vpow2.f32 v22  }
0xea: {  	v49 =	vld [tilespmem:s31+$0xFFFFFFF0];
	v27 =	vadd.f32 v27, v24;
	v20 =	vmul.f32 $1.442695020e+00, v20;
	(erf) = vpow2.f32 v10  }
0xeb: {  	v44 =	vadd.f32 v40, v43;
	v63 =	vmul.f32 $1.442695020e+00, v60;
	v10 =	vld [tilespmem:s31+$0x90];
	(erf) = vpow2.f32 v7  }
0xec: {  	v47 =	vadd.f32 v41, v43;
	v27 =	vmul.f32 $1.442695020e+00, v27;
	(erf) = vpow2.f32 v9  }
0xed: {  	v33 =	vld [tilespmem:s31+$0x80];
	v14 =	vadd.f32 v42, v32;
	v9 =	vmul.f32 $1.442695020e+00, v16;
	(erf) = vpow2.f32 v12  }
0xee: {  	v19 =	vadd.f32 v48, v18;
	v8 =	vld [tilespmem:s31+$0xB0];
	v17 =	vmul.f32 $1.442695020e+00, v47;
	v52 =	vpop (erf);
	(erf) = vpow2.f32 v11  }
0xef: {  	v40 =	vld [tilespmem:s31+$0xA0];
	v16 =	vmul.f32 $1.442695020e+00, v50;
	v11 =	vadd.f32 v49, v18;
	v54 =	vpop (erf);
	(erf) = vpow2.f32 v9  }
0xf0: {  	v9 =	vadd.f32 v10, v28;
	v10 =	vmul.f32 $1.442695020e+00, v19;
	v55 =	vpop (erf);
	(erf) = vpow2.f32 v17  }
0xf1: {  	v11 =	vmul.f32 $1.442695020e+00, v11;
	v56 =	vpop (erf);
	(erf) = vpow2.f32 v16  }
0xf2: {  	v43 =	vadd.f32 v33, v28;
	v14 =	vmul.f32 $1.442695020e+00, v14;
	v59 =	vpop (erf);
	(erf) = vpow2.f32 v10  }
0xf3: {  	v13 =	vmul.f32 $1.442695020e+00, v13;
	v8 =	vadd.f32 v8, v6;
	v61 =	vpop (erf);
	(erf) = vpow2.f32 v11  }
0xf4: {  	v7 =	vld [tilespmem:s31+$0x40];
	v6 =	vadd.f32 v40, v6;
	v11 =	vadd.f32 $0.0e+00, v54;
	v62 =	vpop (erf);
	(erf) = vpow2.f32 v21  }
0xf5: {  	v15 =	vmul.f32 $1.442695020e+00, v44;
	v8 =	vmul.f32 $1.442695020e+00, v8;
	v32 =	vpop (erf)  }
0xf6: {  	v31 =	vld [tilespmem:s31+$0x50];
	v53 =	vmul.f32 $1.442695020e+00, v6;
	v49 =	vmul.f32 $1.442695020e+00, v43;
	v11 =	vadd.f32 v32, v11;
	v34 =	vpop (erf)  }
0xf7: {  	v10 =	vperm.xlane v52, v0;
	v36 =	vpop (erf);
	(erf) = vpow2.f32 v63  }
0xf8: {  	v25 =	vld [tilespmem:s31+$0x70];
	v37 =	vadd.f32 $0.0e+00, v36;
	v11 =	vadd.f32 v61, v11;
	v38 =	vpop (erf);
	(erf) = vpow2.f32 v14  }
0xf9: {  	v7 =	vadd.f32 v7, v29;
	v10 =	vadd.f32 v52, v10;
	v39 =	vpop (erf);
	(erf) = vpow2.f32 v20  }
0xfa: {  	v45 =	vld [tilespmem:s31+$0xD0];
	v12 =	vadd.f32 v62, v37;
	v11 =	vadd.f32 v34, v11;
	(erf) = vpow2.f32 v15;
	v41 =	vpop (erf)  }
0xfb: {  	v26 =	vadd.f32 v31, v29;
	v7 =	vmul.f32 $1.442695020e+00, v7;
	v35 =	vperm.xlane v10, v1;
	v44 =	vpop (erf)  }
0xfc: {  	(erf) = vpow2.f32 v13;
	v12 =	vadd.f32 v38, v12;
	v11 =	vadd.f32 v56, v11;
	v46 =	vpop (erf)  }
0xfd: {  	v57 =	vadd.f32 v25, v24;
	(erf) = vpow2.f32 v7;
	v7 =	vbroadcast v5, $0xE;
	v47 =	vpop (erf)  }
0xfe: {  	v48 =	vld [tilespmem:s31+$0xC0];
	v9 =	vmul.f32 $1.442695020e+00, v9;
	v12 =	vadd.f32 v55, v12;
	v11 =	vadd.f32 v47, v11  }
0xff: {  	v16 =	vmul.f32 $1.442695020e+00, v57;
	v10 =	vadd.f32 v10, v35;
	v6 =	vadd.f32 v45, v7  }
0x100: {  	v56 =	vld [tilespmem:s31+$0xE0];
	(erf) = vpow2.f32 v27;
	v12 =	vadd.f32 v59, v12;
	v11 =	vadd.f32 v39, v11;
	v51 =	vpop (erf)  }
0x101: {  	v42 =	vperm.xlane v10, v2;
	v55 =	vmul.f32 $1.442695020e+00, v26;
	v54 =	vpop (erf)  }
0x102: {  	v50 =	vld [tilespmem:s31+$0xF0];
	v6 =	vmul.f32 $1.442695020e+00, v6;
	v12 =	vadd.f32 v54, v12;
	v11 =	vadd.f32 v44, v11;
	v57 =	vpop (erf)  }
0x103: {  	v10 =	vadd.f32 v10, v42;
	v7 =	vadd.f32 v48, v7;
	(erf) = vpow2.f32 v55;
	v5 =	vpop (erf)  }
0x104: {  	(erf) = vpow2.f32 v6;
	v12 =	vadd.f32 v5, v12;
	v11 =	vadd.f32 v41, v11  }
0x105: {  	v52 =	vperm.xlane v10, v3;
	v60 =	vadd.f32 v56, v58;
	(erf) = vpow2.f32 v16  }
0x106: {  	v5 =	vmul.f32 $1.442695020e+00, v7;
	v59 =	vpop (erf);
	v6 =	vadd.f32 v46, v12;
	v11 =	vadd.f32 v51, v11  }
0x107: {  	v7 =	vadd.f32 v50, v58;
	(erf) = vpow2.f32 v9;
	v9 =	vmul.f32 $1.442695020e+00, v60;
	v61 =	vpop (erf)  }
0x108: {  	(erf) = vpow2.f32 v49;
	v62 =	vadd.f32 v57, v6;
	v11 =	vadd.f32 v61, v11  }
0x109: {  	v7 =	vmul.f32 $1.442695020e+00, v7;
	v63 =	vpop (erf);
	(erf) = vpow2.f32 v8;
	v6 =	vadd.f32 v10, v52  }
0x10a: {  	s18 =	simm.s32 $0x18590;
	s1 =	simm.s32 $0x40;
	s0 =	simm.s32 $0x18590;
	(erf) = vpow2.f32 v53;
	v10 =	vadd.f32 v59, v62;
	v8 =	vadd.f32 v63, v11  }
.LBB2_3:
0x10b: {  	p0 =	sne.s32 s1, $0x9C0;
	s18 =	sadd.s32 $0x20, s18;
	s31 =	sadd.s32 $0x200, s31  }
0x10c: {  	s10 =	smov.u32 s1;
	s1 =	sadd.s32 $0x40, s1;
	v11 =	vpop (erf);
	(erf) = vpow2.f32 v5  }
0x10d: {  	v5 =	vadd.f32 v11, v10;
	v10 =	vpop (erf);
	(erf) = vpow2.f32 v7  }
0x10e: {  	v7 =	vpop (erf);
	(erf) = vpow2.f32 v9  }
0x10f: {  	v5 =	vadd.f32 v7, v5;
	(erf) = vrcp.f32 v6  }
0x110: {  	v6 =	vpop (erf)  }
0x111: {  	v5 =	vadd.f32 v6, v5;
	v6 =	vpop (erf)  }
0x112: {  	v6 =	vadd.f32 v6, v8;
	v7 =	vpop (erf)  }
0x113: {  	v5 =	vadd.f32 v7, v5;
	v7 =	vpop (erf)  }
0x114: {  	v6 =	vadd.f32 v7, v6  }
0x115: {  	v5 =	vadd.f32 v10, v5;
	v7 =	vpop (erf)  }
0x116: {  	v6 =	vadd.f32 v7, v6;
	v7 =	vpop (erf)  }
0x117: {  	v5 =	vadd.f32 v7, v5;
	v7 =	vpop (erf)  }
0x118: {  	v6 =	vadd.f32 v7, v6;
	v7 =	vpop (erf)  }
0x119: {  	v5 =	vmul.f32 v5, v7  }
0x11a: {  	v6 =	vmul.f32 v6, v7  }
0x11b: {  	[tilespmem:s0+$0x0] =	vst v5  }
0x11c: {  	[tilespmem:s0+$0xFFFFFFF0] =	vst v6;
	s0 =	smov.u32 s18  }
0x11d: {  	s10 =	sshra.s32 s10, $0x2;
	v10 =	vld [tilespmem:s31+$0xFFFFFF30]  }
0x11e: {  	v6 =	vld [tilespmem:s31+$0x80]  }
0x11f: {  	v5 =	vld.idx.msk [tilespmem:v4+s10+$0x0 ss:$0x1], $0xffff  }
0x120: {  	v7 =	vld [tilespmem:s31+$0xFFFFFF10]  }
0x121: {  	v9 =	vld [tilespmem:s31+$0xFFFFFF00]  }
0x122: {  	v11 =	vld [tilespmem:s31+$0xFFFFFF20]  }
0x123: {  	v12 =	vld [tilespmem:s31+$0xFFFFFF40]  }
0x124: {  	v13 =	vld [tilespmem:s31+$0xFFFFFF50]  }
0x125: {  	v14 =	vbroadcast v5, $0x0;
	v8 =	vbroadcast v5, $0x9;
	v15 =	vld [tilespmem:s31+$0xFFFFFF60]  }
0x126: {  	v16 =	vmul.f32 $1.442695020e+00, v5;
	v17 =	vbroadcast v5, $0x2;
	v18 =	vld [tilespmem:s31+$0xFFFFFF70]  }
0x127: {  	v21 =	vbroadcast v5, $0x7;
	v22 =	vbroadcast v5, $0x8;
	v19 =	vadd.f32 v9, v14;
	v20 =	vld [tilespmem:s31+$0xFFFFFF80]  }
0x128: {  	v23 =	vbroadcast v5, $0x3;
	v14 =	vadd.f32 v7, v14;
	v7 =	vbroadcast v5, $0xD;
	v24 =	vld [tilespmem:s31+$0xFFFFFF90]  }
0x129: {  	v25 =	vbroadcast v5, $0x1;
	v26 =	vbroadcast v5, $0xB;
	v12 =	vadd.f32 v12, v17;
	v27 =	vld [tilespmem:s31+$0x70]  }
0x12a: {  	v28 =	vbroadcast v5, $0x4;
	v9 =	vbroadcast v5, $0xC;
	v15 =	vadd.f32 v15, v23;
	v29 =	vld [tilespmem:s31+$0x60]  }
0x12b: {  	v19 =	vmul.f32 $1.442695020e+00, v19;
	v12 =	vmul.f32 $1.442695020e+00, v12;
	v18 =	vadd.f32 v18, v23;
	v23 =	vld [tilespmem:s31+$0xFFFFFFD0]  }
0x12c: {  	v31 =	vbroadcast v5, $0xA;
	v15 =	vmul.f32 $1.442695020e+00, v15;
	v20 =	vadd.f32 v20, v28;
	v30 =	vld [tilespmem:s31+$0xFFFFFFB0]  }
0x12d: {  	v11 =	vadd.f32 v11, v25;
	v18 =	vmul.f32 $1.442695020e+00, v18;
	v24 =	vadd.f32 v24, v28;
	v28 =	vld [tilespmem:s31+$0xFFFFFFA0]  }
0x12e: {  	v13 =	vadd.f32 v13, v17;
	v17 =	vmul.f32 $1.442695020e+00, v20;
	v20 =	vld [tilespmem:s31+$0xFFFFFFC0];
	(erf) = vpow2.f32 v16  }
0x12f: {  	v11 =	vmul.f32 $1.442695020e+00, v11;
	v16 =	vbroadcast v5, $0x6;
	v32 =	vld [tilespmem:s31+$0x50];
	v29 =	vadd.f32 v29, v26  }
0x130: {  	v10 =	vadd.f32 v10, v25;
	v25 =	vbroadcast v5, $0x5;
	v33 =	vld [tilespmem:s31+$0xB0];
	(erf) = vpow2.f32 v19  }
0x131: {  	v19 =	vmul.f32 $1.442695020e+00, v24;
	v23 =	vadd.f32 v23, v16;
	v24 =	vld [tilespmem:s31+$0x90];
	(erf) = vpow2.f32 v18  }
0x132: {  	v18 =	vadd.f32 v28, v25;
	v25 =	vadd.f32 v30, v25;
	v28 =	vld [tilespmem:s31+$0x0];
	(erf) = vpow2.f32 v17  }
0x133: {  	v10 =	vmul.f32 $1.442695020e+00, v10;
	v16 =	vadd.f32 v20, v16;
	v17 =	vld [tilespmem:s31+$0xFFFFFFE0];
	(erf) = vpow2.f32 v19  }
0x134: {  	v18 =	vmul.f32 $1.442695020e+00, v18;
	v19 =	vld [tilespmem:s31+$0xFFFFFFF0];
	v20 =	vadd.f32 v32, v31;
	(erf) = vpow2.f32 v12  }
0x135: {  	v12 =	vmul.f32 $1.442695020e+00, v16;
	v16 =	vld [tilespmem:s31+$0x40];
	v30 =	vadd.f32 v33, v7;
	(erf) = vpow2.f32 v10  }
0x136: {  	v10 =	vmul.f32 $1.442695020e+00, v14;
	v14 =	vadd.f32 v24, v9;
	(erf) = vpow2.f32 v11  }
0x137: {  	v11 =	vmul.f32 $1.442695020e+00, v13;
	v13 =	vadd.f32 v28, v22;
	v24 =	vld [tilespmem:s31+$0x10];
	v28 =	vpop (erf);
	(erf) = vpow2.f32 v15  }
0x138: {  	v15 =	vmul.f32 $1.442695020e+00, v23;
	v32 =	vadd.f32 v17, v21;
	v23 =	vld [tilespmem:s31+$0x20];
	(erf) = vpow2.f32 v10  }
0x139: {  	v10 =	vadd.f32 v19, v21;
	v13 =	vmul.f32 $1.442695020e+00, v13;
	v19 =	vpop (erf);
	(erf) = vpow2.f32 v11  }
0x13a: {  	v11 =	vmul.f32 $1.442695020e+00, v32;
	v16 =	vadd.f32 v16, v31;
	v17 =	vpop (erf);
	(erf) = vpow2.f32 v12  }
0x13b: {  	v12 =	vadd.f32 v27, v26;
	v10 =	vmul.f32 $1.442695020e+00, v10;
	v21 =	vpop (erf);
	(erf) = vpow2.f32 v13  }
0x13c: {  	v13 =	vadd.f32 v24, v22;
	v22 =	vld [tilespmem:s31+$0x30];
	v16 =	vmul.f32 $1.442695020e+00, v16;
	v24 =	vpop (erf);
	(erf) = vpow2.f32 v11  }
0x13d: {  	v11 =	vperm.xlane v28, v0;
	v23 =	vadd.f32 v23, v8;
	v26 =	vpop (erf);
	(erf) = vpow2.f32 v10  }
0x13e: {  	v10 =	vadd.f32 $0.0e+00, v19;
	v13 =	vmul.f32 $1.442695020e+00, v13;
	v19 =	vpop (erf);
	(erf) = vpow2.f32 v18  }
0x13f: {  	v11 =	vadd.f32 v28, v11;
	v18 =	vmul.f32 $1.442695020e+00, v23;
	v23 =	vmul.f32 $1.442695020e+00, v29;
	v27 =	vpop (erf)  }
0x140: {  	v14 =	vmul.f32 $1.442695020e+00, v14;
	v29 =	vmul.f32 $1.442695020e+00, v25;
	v10 =	vadd.f32 v27, v10;
	v27 =	vpop (erf)  }
0x141: {  	v28 =	vperm.xlane v11, v1;
	v8 =	vadd.f32 v22, v8;
	v22 =	vpop (erf);
	(erf) = vpow2.f32 v18  }
0x142: {  	v18 =	vadd.f32 $0.0e+00, v22;
	v10 =	vadd.f32 v26, v10;
	v22 =	vpop (erf);
	(erf) = vpow2.f32 v29  }
0x143: {  	v11 =	vadd.f32 v11, v28;
	v8 =	vmul.f32 $1.442695020e+00, v8;
	v25 =	vpop (erf);
	(erf) = vpow2.f32 v13  }
0x144: {  	v13 =	vadd.f32 v19, v18;
	v10 =	vadd.f32 v27, v10;
	v18 =	vld [tilespmem:s31+$0xA0];
	(erf) = vpow2.f32 v15;
	v15 =	vpop (erf)  }
0x145: {  	v26 =	vadd.f32 v6, v9;
	v19 =	vperm.xlane v11, v2;
	v9 =	vpop (erf);
	(erf) = vpow2.f32 v8  }
0x146: {  	v8 =	vadd.f32 v22, v13;
	v10 =	vadd.f32 v21, v10;
	v13 =	vmul.f32 $1.442695020e+00, v30;
	v21 =	vld [tilespmem:s31+$0xD0];
	v22 =	vpop (erf)  }
0x147: {  	v12 =	vmul.f32 $1.442695020e+00, v12;
	v11 =	vadd.f32 v11, v19;
	v19 =	vmul.f32 $1.442695020e+00, v26;
	v6 =	vpop (erf)  }
0x148: {  	v8 =	vadd.f32 v17, v8;
	v6 =	vadd.f32 v6, v10;
	v10 =	vld [tilespmem:s31+$0xC0];
	(erf) = vpow2.f32 v16  }
0x149: {  	v26 =	vperm.xlane v11, v3;
	v17 =	vbroadcast v5, $0xE;
	v7 =	vadd.f32 v18, v7  }
0x14a: {  	v8 =	vadd.f32 v24, v8;
	v18 =	vadd.f32 v25, v6;
	v24 =	vld [tilespmem:s31+$0xF0];
	v25 =	vpop (erf);
	(erf) = vpow2.f32 v23  }
0x14b: {  	v6 =	vadd.f32 v11, v26;
	v11 =	vmul.f32 $1.442695020e+00, v7;
	v7 =	vadd.f32 v21, v17;
	v16 =	vpop (erf)  }
0x14c: {  	v8 =	vadd.f32 v16, v8;
	v9 =	vadd.f32 v9, v18;
	v16 =	vmul.f32 $1.442695020e+00, v20;
	v18 =	vld [tilespmem:s31+$0xE0];
	v20 =	vpop (erf)  }
0x14d: {  	v10 =	vadd.f32 v10, v17;
	v7 =	vmul.f32 $1.442695020e+00, v7;
	v17 =	vbroadcast v5, $0xF;
	v5 =	vpop (erf)  }
0x14e: {  	v8 =	vadd.f32 v5, v8;
	v9 =	vadd.f32 v15, v9;
	v15 =	vpop (erf);
	(erf) = vpow2.f32 v16  }
0x14f: {  	v5 =	vmul.f32 $1.442695020e+00, v10;
	v16 =	vadd.f32 v24, v17;
	(erf) = vpow2.f32 v7  }
0x150: {  	v8 =	vadd.f32 v22, v8;
	v9 =	vadd.f32 v25, v9;
	(erf) = vpow2.f32 v12  }
.Ltmp0:
0x151: {  	v17 =	vadd.f32 v18, v17;
	v7 =	vmul.f32 $1.442695020e+00, v16;
	v10 =	vpop (erf);
	(pc) =	sbr.rel @p0 .LBB2_3-.Ltmp0, $4  }
0x152: {  	v8 =	vadd.f32 v20, v8;
	v16 =	vadd.f32 v10, v9;
	(erf) = vpow2.f32 v14  }
0x153: {  	v9 =	vmul.f32 $1.442695020e+00, v17;
	v12 =	vpop (erf);
	(erf) = vpow2.f32 v19  }
0x154: {  	v10 =	vadd.f32 v15, v8;
	v8 =	vadd.f32 v12, v16;
	(erf) = vpow2.f32 v13  }
0x155: {  	(erf) = vpow2.f32 v11  }
0x156: {  	_ = 	snop  }
0x157: {  	v4 =	vpop (erf);
	(erf) = vpow2.f32 v5  }
0x158: {  	v4 =	vadd.f32 v4, v10;
	v5 =	vpop (erf);
	(erf) = vpow2.f32 v7  }
0x159: {  	v56 =	vpop (erf);
	(erf) = vpow2.f32 v9  }
0x15a: {  	v4 =	vadd.f32 v56, v4;
	(erf) = vrcp.f32 v6  }
0x15b: {  	v57 =	vpop (erf)  }
0x15c: {  	v4 =	vadd.f32 v57, v4;
	v58 =	vpop (erf)  }
0x15d: {  	v6 =	vadd.f32 v58, v8;
	v59 =	vpop (erf)  }
0x15e: {  	v4 =	vadd.f32 v59, v4;
	v60 =	vpop (erf)  }
0x15f: {  	v6 =	vadd.f32 v60, v6  }
0x160: {  	v4 =	vadd.f32 v5, v4;
	v5 =	vpop (erf)  }
0x161: {  	v5 =	vadd.f32 v5, v6;
	v61 =	vpop (erf)  }
0x162: {  	v4 =	vadd.f32 v61, v4;
	v62 =	vpop (erf)  }
0x163: {  	s1 =	smul.u32 $0x28, s17;
	v5 =	vadd.f32 v62, v5;
	v63 =	vpop (erf)  }
0x164: {  	v4 =	vmul.f32 v4, v63  }
0x165: {  	s17 =	sadd.s32 $0x1, s17;
	s1 =	sadd.s32 s9, s1;
	v5 =	vmul.f32 v5, v63  }
0x166: {  	p0 =	sne.s32 s17, s12;
	s1 =	sshll.u32 s1, $0x2;
	[tilespmem:s0+$0x0] =	vst v4  }
.Ltmp1:
0x167: {  	s31 =	sadd.s32 s6, s1;
	[tilespmem:s0+$0xFFFFFFF0] =	vst v5;
	(pc) =	sbr.rel @p0 .LBB2_2-.Ltmp1, $4  }
0x168: {  	[hbm4b:s31+s3] =	stream.linear.scatter [tilespmem:s29], [sflag:$0x6], $0x500, $0x38;
	[tilespmem:$0x18A80] =	vst v63  }
0x169: {  	_ =	swait.ge [sflag:s7], $0x500  }
0x16a: {  	[sflag:s7] =	ssyncset.done $0x0  }
0x16b: {  	s16 =	sadd.s32 $0x1, s16;
	[sflag:s7] =	ssyncadd.s32 $0xFFFFFB00  }
0x16c: {  	_ =	swait.ge [sflag:s15], $0x1000  }
0x16d: {  	[sflag:s15] =	ssyncset.done $0x0  }
0x16e: {  	[sflag:s15] =	ssyncadd.s32 $0xFFFFF000  }
0x16f: {  	_ =	swait.ge [sflag:s15], $0x1000  }
0x170: {  	[sflag:s15] =	ssyncset.done $0x0  }
0x171: {  	[sflag:s15] =	ssyncadd.s32 $0xFFFFF000  }
0x172: {  	_ =	swait.ge [sflag:s15], $0x1000  }
0x173: {  	[sflag:s15] =	ssyncset.done $0x0  }
0x174: {  	s10 =	simm.s32 $0x180;
	s0 =	rddreg [dreg:$0x17];
	[sflag:s15] =	ssyncadd.s32 $0xFFFFF000  }
0x175: {  	[hbm4b:s0+s3] =	stream.linear.scatter [tilespmem:s10], [sflag:$0x6], $0x3000, $0x38;
	[tilespmem:$0x18A80] =	vst v63  }
0x176: {  	_ =	swait.ge [sflag:s7], $0x3000  }
0x177: {  	s30 =	sadd.s32 $0x1, s30;
	s31 =	rddreg [dreg:$0x18]  }
0x178: {  	p0 =	sne.s32 s30, s31  }
.Ltmp2:
0x179: {  	_ = 	snop;
	(pc) =	sbr.rel @p0 .LBB2_1-.Ltmp2, $3  }
0x17a: {  	_ =	sdelay $0x1  }
0x17b: {  	[sflag:s7] =	ssyncset.done $0x0  }
0x17c: {  	[sflag:s7] =	ssyncadd.s32 $0xFFFFD000  }
0x17d: {  	_ =	sfence.sel $0x180000  }
0x17e: {  	[bflag:$0x0] =	sbarrier.arrive $0xFFFF  }
0x17f: {  	_ =	strace $0x90000047  }
0x180: {  	s0 =	stileid.u32;
	[bflag:$0x2] =	sbarrier.arrive $0xFFFF  }
0x181: {  	p0 =	sne.s32 s0, $0x0;
	s0 =	rddreg [dreg:$0x2]  }
0x182: {  	s0 =	sadd.s32 @!p0 $0x100000, s0  }
0x183: {  	[sflag:s0] =	ssyncadd.tile.s32 @!p0 $0x1;
	_ =	shalt  }
.Lfunc_end2:
_tile_overlayer_lowered:
.L_overlay_start_2:
0x184: {  	(tag) =	ssettag $0x2  }
0x185: {  	s0 =	rddreg [dreg:$0x0];
	s2 =	stileid.u32  }
0x186: {  	s1 =	rddreg [dreg:$0x1];
	p0 =	sne.s32 s2, $0x0  }
0x187: {  	s3 =	rddreg [dreg:$0x2];
	[bflag:$0x3] =	sbarrier.arrive $0xFFFF;
	s2 =	simm.s32 @!p0 $0x1C06  }
0x188: {  	[timem:s3], [sflag:s2] =	dma.local @!p0 [hbm:s0], s1  }
0x189: {  	s0 =	simm.s32 @!p0 $0x6  }
0x18a: {  	_ =	swait.ge @!p0 [sflag:s0], s1  }
0x18b: {  	s1 =	ssub.s32 @!p0 $0x0, s1;
	[sflag:s0] =	ssyncset.done @!p0 $0x0  }
0x18c: {  	[sflag:s0] =	ssyncadd.s32 @!p0 s1  }
0x18d: {  	[bflag:$0x3] =	sbarrier.arrive $0xFFFF  }
0x18e: {  	_ =	shalt  }

</sc_bundles>
